<compile_context>
chip_gen: v7x
topology: tpu7x:2x2x1
jax: 0.10.2.dev20260603
libtpu: 0.0.44.dev20260713+nightly
codegen_flags: <defaults>
</compile_context>

<pallas_src>
import functools

import jax
import jax.numpy as jnp
from jax import lax
from jax.experimental import pallas as pl
from jax.experimental.pallas import tpu as pltpu
from jax.experimental.pallas import tpu_sc as plsc

EPS = 1e-12


def _dotp(a, b):
    return lax.dot_general(a, b, (((1,), (0,)), ((), ())),
                           preferred_element_type=jnp.float32,
                           precision=lax.Precision.HIGHEST)


def _ctx_body(h_ref, s_ref, b_ref, o_ref):
    ctx = jnp.zeros((128, 1), jnp.int32)
    for c in range(4):
        pc = _dotp(h_ref[:, c, :], s_ref[:])
        ctx = ctx + jnp.where(pc > b_ref[:, c:c + 1], 1 << c, 0)
    o_ref[:] = ctx


def _ctx_ids(H, s, B):
    N = H.shape[0]
    bm = 128
    return pl.pallas_call(
        _ctx_body,
        grid=(N // bm,),
        in_specs=[pl.BlockSpec((bm, 4, 4096), lambda i: (i, 0, 0)),
                  pl.BlockSpec(s.shape, lambda i: (0, 0)),
                  pl.BlockSpec((bm, 4), lambda i: (i, 0))],
        out_specs=pl.BlockSpec((bm, 1), lambda i: (i, 0)),
        out_shape=jax.ShapeDtypeStruct((N, 1), jnp.int32),
    )(H, s, B)


def _gather_body(w0, i0, o0, idx_v, rows_v, sem):
    wid = lax.axis_index("s") * 2 + lax.axis_index("c")
    base = wid * 32
    for (w, ih, og) in ((w0, i0, o0),):
        pltpu.sync_copy(ih.at[pl.ds(base, 32)], idx_v)
        ids = [v[j] for v in (idx_v[pl.ds(0, 16)], idx_v[pl.ds(16, 16)])
               for j in range(16)]
        copies = [pltpu.async_copy(w.at[base + j, ids[j]], rows_v.at[j], sem)
                  for j in range(32)]
        for c in copies:
            c.wait()
        pltpu.sync_copy(rows_v, og.at[pl.ds(base, 32)])


def _gather2(W0f, W1f, ids0, ids1):
    mesh = plsc.VectorSubcoreMesh(core_axis_name="c", subcore_axis_name="s")
    run = functools.partial(
        pl.kernel, _gather_body, mesh=mesh,
        out_type=[jax.ShapeDtypeStruct((1024, 1025), jnp.float32)],
        scratch_types=[pltpu.VMEM((32,), jnp.int32),
                       pltpu.VMEM((32, 1025), jnp.float32),
                       pltpu.SemaphoreType.DMA],
    )()
    return run(W0f, ids0)


def _rev_sigmoid(p):
    pc = jnp.clip(p, EPS, 1.0 - EPS)
    return jnp.log(pc) - jnp.log1p(-pc)


def _mix_body(x_ref, s_ref, wg0_ref, wg1_ref, w2_ref, h2_ref, b2_ref, o_ref):
    bias = jax.nn.sigmoid(jnp.ones((1, 1), jnp.float32))
    x0 = _rev_sigmoid(jnp.concatenate([x_ref[:], bias], axis=0))
    p0 = jax.nn.sigmoid(_dotp(wg0_ref[:], x0))
    x1 = _rev_sigmoid(jnp.concatenate([p0, bias], axis=0))
    p1 = jax.nn.sigmoid(_dotp(wg1_ref[:], x1))
    x2 = _rev_sigmoid(jnp.concatenate([p1, bias], axis=0))
    l2a = _dotp(w2_ref[:], x2)
    pr2 = _dotp(h2_ref[:], s_ref[:])
    bits = pr2 > b2_ref[:]
    pw = 1 << lax.broadcasted_iota(jnp.int32, (4, 1), 0)
    c2 = jnp.sum(jnp.where(bits, pw, 0), keepdims=True)
    oh = lax.broadcasted_iota(jnp.int32, (16, 1), 0) == c2
    p2 = jax.nn.sigmoid(jnp.sum(jnp.where(oh, l2a, 0.0), keepdims=True))
    o_ref[:] = jnp.concatenate([p0, p1, p2], axis=0)


def _mix(x, s, Wg0, Wg1, W2f, H2f, B2t):
    return pl.pallas_call(
        _mix_body,
        out_shape=jax.ShapeDtypeStruct((2049, 1), jnp.float32),
    )(x, s, Wg0, Wg1, W2f, H2f, B2t)


def kernel(inputs, side_info, W0, W1, W2, H0, H1, H2, B0, B1, B2):
    ids0 = (jnp.arange(1024, dtype=jnp.int32) * 7) % 16
    ids1 = (jnp.arange(1024, dtype=jnp.int32) * 11) % 16
    (Wg0,) = _gather2(W0, W1, ids0, ids1)
    return jnp.concatenate([Wg0[:, 0], Wg0[:, 1], Wg0[:1, 2]]).astype(jnp.float32)

# --- scband reference (transcript-rebuilt; emitter-appended) ---
"""Pipeline reference for scband-gated-linear-network-17918603559101 (READ-ONLY COPY).

The authoritative reference and input builder live on the scoring server;
editing this copy changes nothing except your own understanding.
"""

import jax, jax.numpy as jnp
import numpy as np

EPS = 1e-12
OUTPUT_SIZES = (1024, 1024, 1)
CONTEXT_DIM = 4
INPUT_SIZE = 1024
SIDE_INFO_SIZE = 4096


def _l2_normalize(x, axis):
    return x / jnp.sqrt(jnp.maximum(jnp.sum(x ** 2, axis, keepdims=True), EPS))


def setup_inputs(seed: int = 0) -> dict:
    key = jax.random.key(seed)
    ks = jax.random.split(key, 16)
    inputs = jax.random.uniform(ks[0], (INPUT_SIZE,), dtype=jnp.float32)
    side_info = jax.random.normal(ks[1], (SIDE_INFO_SIZE,), dtype=jnp.float32)
    out = {"inputs": inputs, "side_info": side_info}
    in_size = INPUT_SIZE
    i = 2
    for li, out_size in enumerate(OUTPUT_SIZES):
        w_in = in_size + 1  # +1 for appended bias input
        out[f"W{li}"] = jax.random.normal(ks[i], (out_size, 2 ** CONTEXT_DIM, w_in), dtype=jnp.float32) / w_in
        i += 1
        H = jax.random.normal(ks[i], (out_size, CONTEXT_DIM, SIDE_INFO_SIZE), dtype=jnp.float32)
        i += 1
        out[f"H{li}"] = _l2_normalize(H, axis=1)  # NormalizedRandomNormal(normalize_axis=1)
        out[f"B{li}"] = 0.05 * jax.random.normal(ks[i], (out_size, CONTEXT_DIM), dtype=jnp.float32)
        i += 1
        in_size = out_size
    return out


def _compute_context(side_info, hyperplanes, hyperplane_bias):
    # hyperplanes: [context_dim, side_info_size]; bias: [context_dim]
    proj = jnp.dot(hyperplanes, side_info)
    bits = (proj > hyperplane_bias).astype(jnp.int32)
    return jnp.sum(bits * (2 ** jnp.arange(bits.shape[0], dtype=jnp.int32)))


def _rev_sigmoid(x):
    xc = jnp.clip(x, EPS, 1.0 - EPS)
    return jnp.log(xc) - jnp.log1p(-xc)


def _inference_fn(inputs, side_info, weights, hyperplanes, hyperplane_bias):
    # Per-neuron Bernoulli GLN inference (geometric mixing of input probabilities).
    idx = _compute_context(side_info, hyperplanes, hyperplane_bias)
    used_weights = jnp.take(weights, idx, axis=0)  # gather: [input_size]
    return jax.nn.sigmoid(jnp.dot(used_weights, _rev_sigmoid(inputs)))


# _layer_vmap: map over axis 0 of weights / hyperplanes / hyperplane_bias only
_layer_inference = jax.vmap(_inference_fn, in_axes=(None, None, 0, 0, 0))


def _add_bias(inputs):
    return jnp.append(inputs, jax.nn.sigmoid(jnp.float32(1.0)))


def reference(inputs, side_info, W0, W1, W2, H0, H1, H2, B0, B1, B2):
    preds = inputs
    per_layer = []
    for W, H, B in ((W0, H0, B0), (W1, H1, B1), (W2, H2, B2)):
        preds = _add_bias(preds)
        preds = _layer_inference(preds, side_info, W, H, B)
        per_layer.append(preds)
    return jnp.concatenate(per_layer, axis=0)

if __name__ == "__main__":
    import jax
    _d = setup_inputs()
    print(jax.jit(kernel)(*tuple(_d.values())))

</pallas_src>

<mosaic_0001>
#map = affine_map<(d0, d1) -> (0, 0, 0)>
#map1 = affine_map<(d0, d1) -> (0)>
#map2 = affine_map<(d0, d1) -> (0, 0)>
module attributes {stable_mosaic.version = 14 : i64} {
  func.func @_gather_body(%arg0: i32, %arg1: i32, %arg2: memref<1024x16x1025xf32, #tpu.memory_space<hbm>>, %arg3: memref<1024xi32, #tpu.memory_space<hbm>>, %arg4: memref<1024x1025xf32, #tpu.memory_space<hbm>>, %arg5: memref<32xi32, #tpu.memory_space<vmem>>, %arg6: memref<32x1025xf32, #tpu.memory_space<vmem>>, %arg7: memref<!tpu.dma_semaphore, #tpu.memory_space<semaphore_mem>>) attributes {dimension_semantics = [#tpu.dimension_semantics<core_parallel>, #tpu.dimension_semantics<subcore_parallel>], iteration_bounds = array<i64: 2, 16>, scalar_prefetch = 0 : i64, scratch_operands = 3 : i64, tpu.core_type = #tpu.core_type<sc_vector_subcore>, window_params = [{transform_indices = #map}, {transform_indices = #map1}, {transform_indices = #map2}]} {
    %mul3A = arith.constant 2 : i32
    %mul3A_0 = arith.muli %arg1, %mul3A : i32
    %add3A = arith.addi %mul3A_0, %arg0 : i32
    %mul3A_1 = arith.constant 32 : i32
    %mul3A_2 = arith.muli %add3A, %mul3A_1 : i32
    "tpu.region"() ({
      %run_scoped3A = tpu.sem_alloc : memref<!tpu.dma_semaphore, #tpu.memory_space<semaphore_mem>>
      %dma_start3A_964 = tpu.memref_slice %arg3[%mul3A_2] : memref<1024xi32, #tpu.memory_space<hbm>> -> memref<32xi32, #tpu.memory_space<hbm>>
      %dma_start3A_965 = tpu.memref_slice %arg3[%mul3A_2] : memref<1024xi32, #tpu.memory_space<hbm>> -> memref<32xi32, #tpu.memory_space<hbm>>
      tpu.enqueue_dma source(%dma_start3A_965 : memref<32xi32, #tpu.memory_space<hbm>>) target(%arg5 : memref<32xi32, #tpu.memory_space<vmem>>) target_semaphore(%run_scoped3A : memref<!tpu.dma_semaphore, #tpu.memory_space<semaphore_mem>>)
      %dma_wait3A_966 = tpu.memref_slice %arg3[%mul3A_2] : memref<1024xi32, #tpu.memory_space<hbm>> -> memref<32xi32, #tpu.memory_space<hbm>>
      %dma_wait3A_967 = tpu.memref_slice %arg3[%mul3A_2] : memref<1024xi32, #tpu.memory_space<hbm>> -> memref<32xi32, #tpu.memory_space<hbm>>
      tpu.wait_dma2 semaphore(%run_scoped3A : memref<!tpu.dma_semaphore, #tpu.memory_space<semaphore_mem>>) src(%dma_wait3A_967 : memref<32xi32, #tpu.memory_space<hbm>>) dst(%arg5 : memref<32xi32, #tpu.memory_space<vmem>>)
      tpu.yield
    }) : () -> ()
    %get3A = arith.constant 0 : index
    %get3A_3 = tpu.vector_load %arg5[%get3A] {strides = array<i32>} : memref<32xi32, #tpu.memory_space<vmem>>, vector<16xi32>,
    %get3A_4 = vector.shape_cast %get3A_3 : vector<16xi32> to vector<16xi32>
    %get3A_5 = arith.constant 16 : index
    %get3A_6 = tpu.vector_load %arg5[%get3A_5] {strides = array<i32>} : memref<32xi32, #tpu.memory_space<vmem>>, vector<16xi32>,
    %get3A_7 = vector.shape_cast %get3A_6 : vector<16xi32> to vector<16xi32>
    %slice3A = vector.extract_strided_slice %get3A_4 {offsets = [0], sizes = [1], strides = [1]} : vector<16xi32> to vector<1xi32>
    %squeeze3A = vector.extract %slice3A[0] : i32 from vector<1xi32>
    %slice3A_8 = vector.extract_strided_slice %get3A_4 {offsets = [1], sizes = [1], strides = [1]} : vector<16xi32> to vector<1xi32>
    %squeeze3A_9 = vector.extract %slice3A_8[0] : i32 from vector<1xi32>
    %slice3A_10 = vector.extract_strided_slice %get3A_4 {offsets = [2], sizes = [1], strides = [1]} : vector<16xi32> to vector<1xi32>
    %squeeze3A_11 = vector.extract %slice3A_10[0] : i32 from vector<1xi32>
    %slice3A_12 = vector.extract_strided_slice %get3A_4 {offsets = [3], sizes = [1], strides = [1]} : vector<16xi32> to vector<1xi32>
    %squeeze3A_13 = vector.extract %slice3A_12[0] : i32 from vector<1xi32>
    %slice3A_14 = vector.extract_strided_slice %get3A_4 {offsets = [4], sizes = [1], strides = [1]} : vector<16xi32> to vector<1xi32>
    %squeeze3A_15 = vector.extract %slice3A_14[0] : i32 from vector<1xi32>
    %slice3A_16 = vector.extract_strided_slice %get3A_4 {offsets = [5], sizes = [1], strides = [1]} : vector<16xi32> to vector<1xi32>
    %squeeze3A_17 = vector.extract %slice3A_16[0] : i32 from vector<1xi32>
    %slice3A_18 = vector.extract_strided_slice %get3A_4 {offsets = [6], sizes = [1], strides = [1]} : vector<16xi32> to vector<1xi32>
    %squeeze3A_19 = vector.extract %slice3A_18[0] : i32 from vector<1xi32>
    %slice3A_20 = vector.extract_strided_slice %get3A_4 {offsets = [7], sizes = [1], strides = [1]} : vector<16xi32> to vector<1xi32>
    %squeeze3A_21 = vector.extract %slice3A_20[0] : i32 from vector<1xi32>
    %slice3A_22 = vector.extract_strided_slice %get3A_4 {offsets = [8], sizes = [1], strides = [1]} : vector<16xi32> to vector<1xi32>
    %squeeze3A_23 = vector.extract %slice3A_22[0] : i32 from vector<1xi32>
    %slice3A_24 = vector.extract_strided_slice %get3A_4 {offsets = [9], sizes = [1], strides = [1]} : vector<16xi32> to vector<1xi32>
    %squeeze3A_25 = vector.extract %slice3A_24[0] : i32 from vector<1xi32>
    %slice3A_26 = vector.extract_strided_slice %get3A_4 {offsets = [10], sizes = [1], strides = [1]} : vector<16xi32> to vector<1xi32>
    %squeeze3A_27 = vector.extract %slice3A_26[0] : i32 from vector<1xi32>
    %slice3A_28 = vector.extract_strided_slice %get3A_4 {offsets = [11], sizes = [1], strides = [1]} : vector<16xi32> to vector<1xi32>
    %squeeze3A_29 = vector.extract %slice3A_28[0] : i32 from vector<1xi32>
    %slice3A_30 = vector.extract_strided_slice %get3A_4 {offsets = [12], sizes = [1], strides = [1]} : vector<16xi32> to vector<1xi32>
    %squeeze3A_31 = vector.extract %slice3A_30[0] : i32 from vector<1xi32>
    %slice3A_32 = vector.extract_strided_slice %get3A_4 {offsets = [13], sizes = [1], strides = [1]} : vector<16xi32> to vector<1xi32>
    %squeeze3A_33 = vector.extract %slice3A_32[0] : i32 from vector<1xi32>
    %slice3A_34 = vector.extract_strided_slice %get3A_4 {offsets = [14], sizes = [1], strides = [1]} : vector<16xi32> to vector<1xi32>
    %squeeze3A_35 = vector.extract %slice3A_34[0] : i32 from vector<1xi32>
    %slice3A_36 = vector.extract_strided_slice %get3A_4 {offsets = [15], sizes = [1], strides = [1]} : vector<16xi32> to vector<1xi32>
    %squeeze3A_37 = vector.extract %slice3A_36[0] : i32 from vector<1xi32>
    %slice3A_38 = vector.extract_strided_slice %get3A_7 {offsets = [0], sizes = [1], strides = [1]} : vector<16xi32> to vector<1xi32>
    %squeeze3A_39 = vector.extract %slice3A_38[0] : i32 from vector<1xi32>
    %slice3A_40 = vector.extract_strided_slice %get3A_7 {offsets = [1], sizes = [1], strides = [1]} : vector<16xi32> to vector<1xi32>
    %squeeze3A_41 = vector.extract %slice3A_40[0] : i32 from vector<1xi32>
    %slice3A_42 = vector.extract_strided_slice %get3A_7 {offsets = [2], sizes = [1], strides = [1]} : vector<16xi32> to vector<1xi32>
    %squeeze3A_43 = vector.extract %slice3A_42[0] : i32 from vector<1xi32>
    %slice3A_44 = vector.extract_strided_slice %get3A_7 {offsets = [3], sizes = [1], strides = [1]} : vector<16xi32> to vector<1xi32>
    %squeeze3A_45 = vector.extract %slice3A_44[0] : i32 from vector<1xi32>
    %slice3A_46 = vector.extract_strided_slice %get3A_7 {offsets = [4], sizes = [1], strides = [1]} : vector<16xi32> to vector<1xi32>
    %squeeze3A_47 = vector.extract %slice3A_46[0] : i32 from vector<1xi32>
    %slice3A_48 = vector.extract_strided_slice %get3A_7 {offsets = [5], sizes = [1], strides = [1]} : vector<16xi32> to vector<1xi32>
    %squeeze3A_49 = vector.extract %slice3A_48[0] : i32 from vector<1xi32>
    %slice3A_50 = vector.extract_strided_slice %get3A_7 {offsets = [6], sizes = [1], strides = [1]} : vector<16xi32> to vector<1xi32>
    %squeeze3A_51 = vector.extract %slice3A_50[0] : i32 from vector<1xi32>
    %slice3A_52 = vector.extract_strided_slice %get3A_7 {offsets = [7], sizes = [1], strides = [1]} : vector<16xi32> to vector<1xi32>
    %squeeze3A_53 = vector.extract %slice3A_52[0] : i32 from vector<1xi32>
    %slice3A_54 = vector.extract_strided_slice %get3A_7 {offsets = [8], sizes = [1], strides = [1]} : vector<16xi32> to vector<1xi32>
    %squeeze3A_55 = vector.extract %slice3A_54[0] : i32 from vector<1xi32>
    %slice3A_56 = vector.extract_strided_slice %get3A_7 {offsets = [9], sizes = [1], strides = [1]} : vector<16xi32> to vector<1xi32>
    %squeeze3A_57 = vector.extract %slice3A_56[0] : i32 from vector<1xi32>
    %slice3A_58 = vector.extract_strided_slice %get3A_7 {offsets = [10], sizes = [1], strides = [1]} : vector<16xi32> to vector<1xi32>
    %squeeze3A_59 = vector.extract %slice3A_58[0] : i32 from vector<1xi32>
    %slice3A_60 = vector.extract_strided_slice %get3A_7 {offsets = [11], sizes = [1], strides = [1]} : vector<16xi32> to vector<1xi32>
    %squeeze3A_61 = vector.extract %slice3A_60[0] : i32 from vector<1xi32>
    %slice3A_62 = vector.extract_strided_slice %get3A_7 {offsets = [12], sizes = [1], strides = [1]} : vector<16xi32> to vector<1xi32>
    %squeeze3A_63 = vector.extract %slice3A_62[0] : i32 from vector<1xi32>
    %slice3A_64 = vector.extract_strided_slice %get3A_7 {offsets = [13], sizes = [1], strides = [1]} : vector<16xi32> to vector<1xi32>
    %squeeze3A_65 = vector.extract %slice3A_64[0] : i32 from vector<1xi32>
    %slice3A_66 = vector.extract_strided_slice %get3A_7 {offsets = [14], sizes = [1], strides = [1]} : vector<16xi32> to vector<1xi32>
    %squeeze3A_67 = vector.extract %slice3A_66[0] : i32 from vector<1xi32>
    %slice3A_68 = vector.extract_strided_slice %get3A_7 {offsets = [15], sizes = [1], strides = [1]} : vector<16xi32> to vector<1xi32>
    %squeeze3A_69 = vector.extract %slice3A_68[0] : i32 from vector<1xi32>
    %add3A_70 = arith.constant 0 : i32
    %add3A_71 = arith.addi %mul3A_2, %add3A_70 : i32
    %dma_start3A = arith.constant 0 : i32
    %dma_start3A_72 = arith.constant 0 : i32
    %dma_start3A_73 = tpu.memref_slice %arg6[%dma_start3A, %dma_start3A_72] : memref<32x1025xf32, #tpu.memory_space<vmem>> -> memref<1x1025xf32, #tpu.memory_space<vmem>>
    %dma_start3A_74 = tpu.memref_squeeze %dma_start3A_73 : memref<1x1025xf32, #tpu.memory_space<vmem>> -> memref<1025xf32, #tpu.memory_space<vmem>>
    %dma_start3A_75 = arith.constant 0 : i32
    %dma_start3A_76 = tpu.memref_slice %arg2[%add3A_71, %squeeze3A, %dma_start3A_75] : memref<1024x16x1025xf32, #tpu.memory_space<hbm>> -> memref<1x1x1025xf32, #tpu.memory_space<hbm>>
    %dma_start3A_77 = tpu.memref_squeeze %dma_start3A_76 : memref<1x1x1025xf32, #tpu.memory_space<hbm>> -> memref<1025xf32, #tpu.memory_space<hbm>>
    %dma_start3A_78 = arith.constant 0 : i32
    %dma_start3A_79 = tpu.memref_slice %arg6[%dma_start3A, %dma_start3A_78] : memref<32x1025xf32, #tpu.memory_space<vmem>> -> memref<1x1025xf32, #tpu.memory_space<vmem>>
    %dma_start3A_80 = tpu.memref_squeeze %dma_start3A_79 : memref<1x1025xf32, #tpu.memory_space<vmem>> -> memref<1025xf32, #tpu.memory_space<vmem>>
    %dma_start3A_81 = arith.constant 0 : i32
    %dma_start3A_82 = tpu.memref_slice %arg2[%add3A_71, %squeeze3A, %dma_start3A_81] : memref<1024x16x1025xf32, #tpu.memory_space<hbm>> -> memref<1x1x1025xf32, #tpu.memory_space<hbm>>
    %dma_start3A_83 = tpu.memref_squeeze %dma_start3A_82 : memref<1x1x1025xf32, #tpu.memory_space<hbm>> -> memref<1025xf32, #tpu.memory_space<hbm>>
    tpu.enqueue_dma source(%dma_start3A_83 : memref<1025xf32, #tpu.memory_space<hbm>>) target(%dma_start3A_80 : memref<1025xf32, #tpu.memory_space<vmem>>) target_semaphore(%arg7 : memref<!tpu.dma_semaphore, #tpu.memory_space<semaphore_mem>>)
    %add3A_84 = arith.constant 1 : i32
    %add3A_85 = arith.addi %mul3A_2, %add3A_84 : i32
    %dma_start3A_86 = arith.constant 1 : i32
    %dma_start3A_87 = arith.constant 0 : i32
    %dma_start3A_88 = tpu.memref_slice %arg6[%dma_start3A_86, %dma_start3A_87] : memref<32x1025xf32, #tpu.memory_space<vmem>> -> memref<1x1025xf32, #tpu.memory_space<vmem>>
    %dma_start3A_89 = tpu.memref_squeeze %dma_start3A_88 : memref<1x1025xf32, #tpu.memory_space<vmem>> -> memref<1025xf32, #tpu.memory_space<vmem>>
    %dma_start3A_90 = arith.constant 0 : i32
    %dma_start3A_91 = tpu.memref_slice %arg2[%add3A_85, %squeeze3A_9, %dma_start3A_90] : memref<1024x16x1025xf32, #tpu.memory_space<hbm>> -> memref<1x1x1025xf32, #tpu.memory_space<hbm>>
    %dma_start3A_92 = tpu.memref_squeeze %dma_start3A_91 : memref<1x1x1025xf32, #tpu.memory_space<hbm>> -> memref<1025xf32, #tpu.memory_space<hbm>>
    %dma_start3A_93 = arith.constant 0 : i32
    %dma_start3A_94 = tpu.memref_slice %arg6[%dma_start3A_86, %dma_start3A_93] : memref<32x1025xf32, #tpu.memory_space<vmem>> -> memref<1x1025xf32, #tpu.memory_space<vmem>>
    %dma_start3A_95 = tpu.memref_squeeze %dma_start3A_94 : memref<1x1025xf32, #tpu.memory_space<vmem>> -> memref<1025xf32, #tpu.memory_space<vmem>>
    %dma_start3A_96 = arith.constant 0 : i32
    %dma_start3A_97 = tpu.memref_slice %arg2[%add3A_85, %squeeze3A_9, %dma_start3A_96] : memref<1024x16x1025xf32, #tpu.memory_space<hbm>> -> memref<1x1x1025xf32, #tpu.memory_space<hbm>>
    %dma_start3A_98 = tpu.memref_squeeze %dma_start3A_97 : memref<1x1x1025xf32, #tpu.memory_space<hbm>> -> memref<1025xf32, #tpu.memory_space<hbm>>
    tpu.enqueue_dma source(%dma_start3A_98 : memref<1025xf32, #tpu.memory_space<hbm>>) target(%dma_start3A_95 : memref<1025xf32, #tpu.memory_space<vmem>>) target_semaphore(%arg7 : memref<!tpu.dma_semaphore, #tpu.memory_space<semaphore_mem>>)
    %add3A_99 = arith.constant 2 : i32
    %add3A_100 = arith.addi %mul3A_2, %add3A_99 : i32
    %dma_start3A_101 = arith.constant 2 : i32
    %dma_start3A_102 = arith.constant 0 : i32
    %dma_start3A_103 = tpu.memref_slice %arg6[%dma_start3A_101, %dma_start3A_102] : memref<32x1025xf32, #tpu.memory_space<vmem>> -> memref<1x1025xf32, #tpu.memory_space<vmem>>
    %dma_start3A_104 = tpu.memref_squeeze %dma_start3A_103 : memref<1x1025xf32, #tpu.memory_space<vmem>> -> memref<1025xf32, #tpu.memory_space<vmem>>
    %dma_start3A_105 = arith.constant 0 : i32
    %dma_start3A_106 = tpu.memref_slice %arg2[%add3A_100, %squeeze3A_11, %dma_start3A_105] : memref<1024x16x1025xf32, #tpu.memory_space<hbm>> -> memref<1x1x1025xf32, #tpu.memory_space<hbm>>
    %dma_start3A_107 = tpu.memref_squeeze %dma_start3A_106 : memref<1x1x1025xf32, #tpu.memory_space<hbm>> -> memref<1025xf32, #tpu.memory_space<hbm>>
    %dma_start3A_108 = arith.constant 0 : i32
    %dma_start3A_109 = tpu.memref_slice %arg6[%dma_start3A_101, %dma_start3A_108] : memref<32x1025xf32, #tpu.memory_space<vmem>> -> memref<1x1025xf32, #tpu.memory_space<vmem>>
    %dma_start3A_110 = tpu.memref_squeeze %dma_start3A_109 : memref<1x1025xf32, #tpu.memory_space<vmem>> -> memref<1025xf32, #tpu.memory_space<vmem>>
    %dma_start3A_111 = arith.constant 0 : i32
    %dma_start3A_112 = tpu.memref_slice %arg2[%add3A_100, %squeeze3A_11, %dma_start3A_111] : memref<1024x16x1025xf32, #tpu.memory_space<hbm>> -> memref<1x1x1025xf32, #tpu.memory_space<hbm>>
    %dma_start3A_113 = tpu.memref_squeeze %dma_start3A_112 : memref<1x1x1025xf32, #tpu.memory_space<hbm>> -> memref<1025xf32, #tpu.memory_space<hbm>>
    tpu.enqueue_dma source(%dma_start3A_113 : memref<1025xf32, #tpu.memory_space<hbm>>) target(%dma_start3A_110 : memref<1025xf32, #tpu.memory_space<vmem>>) target_semaphore(%arg7 : memref<!tpu.dma_semaphore, #tpu.memory_space<semaphore_mem>>)
    %add3A_114 = arith.constant 3 : i32
    %add3A_115 = arith.addi %mul3A_2, %add3A_114 : i32
    %dma_start3A_116 = arith.constant 3 : i32
    %dma_start3A_117 = arith.constant 0 : i32
    %dma_start3A_118 = tpu.memref_slice %arg6[%dma_start3A_116, %dma_start3A_117] : memref<32x1025xf32, #tpu.memory_space<vmem>> -> memref<1x1025xf32, #tpu.memory_space<vmem>>
    %dma_start3A_119 = tpu.memref_squeeze %dma_start3A_118 : memref<1x1025xf32, #tpu.memory_space<vmem>> -> memref<1025xf32, #tpu.memory_space<vmem>>
    %dma_start3A_120 = arith.constant 0 : i32
    %dma_start3A_121 = tpu.memref_slice %arg2[%add3A_115, %squeeze3A_13, %dma_start3A_120] : memref<1024x16x1025xf32, #tpu.memory_space<hbm>> -> memref<1x1x1025xf32, #tpu.memory_space<hbm>>
    %dma_start3A_122 = tpu.memref_squeeze %dma_start3A_121 : memref<1x1x1025xf32, #tpu.memory_space<hbm>> -> memref<1025xf32, #tpu.memory_space<hbm>>
    %dma_start3A_123 = arith.constant 0 : i32
    %dma_start3A_124 = tpu.memref_slice %arg6[%dma_start3A_116, %dma_start3A_123] : memref<32x1025xf32, #tpu.memory_space<vmem>> -> memref<1x1025xf32, #tpu.memory_space<vmem>>
    %dma_start3A_125 = tpu.memref_squeeze %dma_start3A_124 : memref<1x1025xf32, #tpu.memory_space<vmem>> -> memref<1025xf32, #tpu.memory_space<vmem>>
    %dma_start3A_126 = arith.constant 0 : i32
    %dma_start3A_127 = tpu.memref_slice %arg2[%add3A_115, %squeeze3A_13, %dma_start3A_126] : memref<1024x16x1025xf32, #tpu.memory_space<hbm>> -> memref<1x1x1025xf32, #tpu.memory_space<hbm>>
    %dma_start3A_128 = tpu.memref_squeeze %dma_start3A_127 : memref<1x1x1025xf32, #tpu.memory_space<hbm>> -> memref<1025xf32, #tpu.memory_space<hbm>>
    tpu.enqueue_dma source(%dma_start3A_128 : memref<1025xf32, #tpu.memory_space<hbm>>) target(%dma_start3A_125 : memref<1025xf32, #tpu.memory_space<vmem>>) target_semaphore(%arg7 : memref<!tpu.dma_semaphore, #tpu.memory_space<semaphore_mem>>)
    %add3A_129 = arith.constant 4 : i32
    %add3A_130 = arith.addi %mul3A_2, %add3A_129 : i32
    %dma_start3A_131 = arith.constant 4 : i32
    %dma_start3A_132 = arith.constant 0 : i32
    %dma_start3A_133 = tpu.memref_slice %arg6[%dma_start3A_131, %dma_start3A_132] : memref<32x1025xf32, #tpu.memory_space<vmem>> -> memref<1x1025xf32, #tpu.memory_space<vmem>>
    %dma_start3A_134 = tpu.memref_squeeze %dma_start3A_133 : memref<1x1025xf32, #tpu.memory_space<vmem>> -> memref<1025xf32, #tpu.memory_space<vmem>>
    %dma_start3A_135 = arith.constant 0 : i32
    %dma_start3A_136 = tpu.memref_slice %arg2[%add3A_130, %squeeze3A_15, %dma_start3A_135] : memref<1024x16x1025xf32, #tpu.memory_space<hbm>> -> memref<1x1x1025xf32, #tpu.memory_space<hbm>>
    %dma_start3A_137 = tpu.memref_squeeze %dma_start3A_136 : memref<1x1x1025xf32, #tpu.memory_space<hbm>> -> memref<1025xf32, #tpu.memory_space<hbm>>
    %dma_start3A_138 = arith.constant 0 : i32
    %dma_start3A_139 = tpu.memref_slice %arg6[%dma_start3A_131, %dma_start3A_138] : memref<32x1025xf32, #tpu.memory_space<vmem>> -> memref<1x1025xf32, #tpu.memory_space<vmem>>
    %dma_start3A_140 = tpu.memref_squeeze %dma_start3A_139 : memref<1x1025xf32, #tpu.memory_space<vmem>> -> memref<1025xf32, #tpu.memory_space<vmem>>
    %dma_start3A_141 = arith.constant 0 : i32
    %dma_start3A_142 = tpu.memref_slice %arg2[%add3A_130, %squeeze3A_15, %dma_start3A_141] : memref<1024x16x1025xf32, #tpu.memory_space<hbm>> -> memref<1x1x1025xf32, #tpu.memory_space<hbm>>
    %dma_start3A_143 = tpu.memref_squeeze %dma_start3A_142 : memref<1x1x1025xf32, #tpu.memory_space<hbm>> -> memref<1025xf32, #tpu.memory_space<hbm>>
    tpu.enqueue_dma source(%dma_start3A_143 : memref<1025xf32, #tpu.memory_space<hbm>>) target(%dma_start3A_140 : memref<1025xf32, #tpu.memory_space<vmem>>) target_semaphore(%arg7 : memref<!tpu.dma_semaphore, #tpu.memory_space<semaphore_mem>>)
    %add3A_144 = arith.constant 5 : i32
    %add3A_145 = arith.addi %mul3A_2, %add3A_144 : i32
    %dma_start3A_146 = arith.constant 5 : i32
    %dma_start3A_147 = arith.constant 0 : i32
    %dma_start3A_148 = tpu.memref_slice %arg6[%dma_start3A_146, %dma_start3A_147] : memref<32x1025xf32, #tpu.memory_space<vmem>> -> memref<1x1025xf32, #tpu.memory_space<vmem>>
    %dma_start3A_149 = tpu.memref_squeeze %dma_start3A_148 : memref<1x1025xf32, #tpu.memory_space<vmem>> -> memref<1025xf32, #tpu.memory_space<vmem>>
    %dma_start3A_150 = arith.constant 0 : i32
    %dma_start3A_151 = tpu.memref_slice %arg2[%add3A_145, %squeeze3A_17, %dma_start3A_150] : memref<1024x16x1025xf32, #tpu.memory_space<hbm>> -> memref<1x1x1025xf32, #tpu.memory_space<hbm>>
    %dma_start3A_152 = tpu.memref_squeeze %dma_start3A_151 : memref<1x1x1025xf32, #tpu.memory_space<hbm>> -> memref<1025xf32, #tpu.memory_space<hbm>>
    %dma_start3A_153 = arith.constant 0 : i32
    %dma_start3A_154 = tpu.memref_slice %arg6[%dma_start3A_146, %dma_start3A_153] : memref<32x1025xf32, #tpu.memory_space<vmem>> -> memref<1x1025xf32, #tpu.memory_space<vmem>>
    %dma_start3A_155 = tpu.memref_squeeze %dma_start3A_154 : memref<1x1025xf32, #tpu.memory_space<vmem>> -> memref<1025xf32, #tpu.memory_space<vmem>>
    %dma_start3A_156 = arith.constant 0 : i32
    %dma_start3A_157 = tpu.memref_slice %arg2[%add3A_145, %squeeze3A_17, %dma_start3A_156] : memref<1024x16x1025xf32, #tpu.memory_space<hbm>> -> memref<1x1x1025xf32, #tpu.memory_space<hbm>>
    %dma_start3A_158 = tpu.memref_squeeze %dma_start3A_157 : memref<1x1x1025xf32, #tpu.memory_space<hbm>> -> memref<1025xf32, #tpu.memory_space<hbm>>
    tpu.enqueue_dma source(%dma_start3A_158 : memref<1025xf32, #tpu.memory_space<hbm>>) target(%dma_start3A_155 : memref<1025xf32, #tpu.memory_space<vmem>>) target_semaphore(%arg7 : memref<!tpu.dma_semaphore, #tpu.memory_space<semaphore_mem>>)
    %add3A_159 = arith.constant 6 : i32
    %add3A_160 = arith.addi %mul3A_2, %add3A_159 : i32
    %dma_start3A_161 = arith.constant 6 : i32
    %dma_start3A_162 = arith.constant 0 : i32
    %dma_start3A_163 = tpu.memref_slice %arg6[%dma_start3A_161, %dma_start3A_162] : memref<32x1025xf32, #tpu.memory_space<vmem>> -> memref<1x1025xf32, #tpu.memory_space<vmem>>
    %dma_start3A_164 = tpu.memref_squeeze %dma_start3A_163 : memref<1x1025xf32, #tpu.memory_space<vmem>> -> memref<1025xf32, #tpu.memory_space<vmem>>
    %dma_start3A_165 = arith.constant 0 : i32
    %dma_start3A_166 = tpu.memref_slice %arg2[%add3A_160, %squeeze3A_19, %dma_start3A_165] : memref<1024x16x1025xf32, #tpu.memory_space<hbm>> -> memref<1x1x1025xf32, #tpu.memory_space<hbm>>
    %dma_start3A_167 = tpu.memref_squeeze %dma_start3A_166 : memref<1x1x1025xf32, #tpu.memory_space<hbm>> -> memref<1025xf32, #tpu.memory_space<hbm>>
    %dma_start3A_168 = arith.constant 0 : i32
    %dma_start3A_169 = tpu.memref_slice %arg6[%dma_start3A_161, %dma_start3A_168] : memref<32x1025xf32, #tpu.memory_space<vmem>> -> memref<1x1025xf32, #tpu.memory_space<vmem>>
    %dma_start3A_170 = tpu.memref_squeeze %dma_start3A_169 : memref<1x1025xf32, #tpu.memory_space<vmem>> -> memref<1025xf32, #tpu.memory_space<vmem>>
    %dma_start3A_171 = arith.constant 0 : i32
    %dma_start3A_172 = tpu.memref_slice %arg2[%add3A_160, %squeeze3A_19, %dma_start3A_171] : memref<1024x16x1025xf32, #tpu.memory_space<hbm>> -> memref<1x1x1025xf32, #tpu.memory_space<hbm>>
    %dma_start3A_173 = tpu.memref_squeeze %dma_start3A_172 : memref<1x1x1025xf32, #tpu.memory_space<hbm>> -> memref<1025xf32, #tpu.memory_space<hbm>>
    tpu.enqueue_dma source(%dma_start3A_173 : memref<1025xf32, #tpu.memory_space<hbm>>) target(%dma_start3A_170 : memref<1025xf32, #tpu.memory_space<vmem>>) target_semaphore(%arg7 : memref<!tpu.dma_semaphore, #tpu.memory_space<semaphore_mem>>)
    %add3A_174 = arith.constant 7 : i32
    %add3A_175 = arith.addi %mul3A_2, %add3A_174 : i32
    %dma_start3A_176 = arith.constant 7 : i32
    %dma_start3A_177 = arith.constant 0 : i32
    %dma_start3A_178 = tpu.memref_slice %arg6[%dma_start3A_176, %dma_start3A_177] : memref<32x1025xf32, #tpu.memory_space<vmem>> -> memref<1x1025xf32, #tpu.memory_space<vmem>>
    %dma_start3A_179 = tpu.memref_squeeze %dma_start3A_178 : memref<1x1025xf32, #tpu.memory_space<vmem>> -> memref<1025xf32, #tpu.memory_space<vmem>>
    %dma_start3A_180 = arith.constant 0 : i32
    %dma_start3A_181 = tpu.memref_slice %arg2[%add3A_175, %squeeze3A_21, %dma_start3A_180] : memref<1024x16x1025xf32, #tpu.memory_space<hbm>> -> memref<1x1x1025xf32, #tpu.memory_space<hbm>>
    %dma_start3A_182 = tpu.memref_squeeze %dma_start3A_181 : memref<1x1x1025xf32, #tpu.memory_space<hbm>> -> memref<1025xf32, #tpu.memory_space<hbm>>
    %dma_start3A_183 = arith.constant 0 : i32
    %dma_start3A_184 = tpu.memref_slice %arg6[%dma_start3A_176, %dma_start3A_183] : memref<32x1025xf32, #tpu.memory_space<vmem>> -> memref<1x1025xf32, #tpu.memory_space<vmem>>
    %dma_start3A_185 = tpu.memref_squeeze %dma_start3A_184 : memref<1x1025xf32, #tpu.memory_space<vmem>> -> memref<1025xf32, #tpu.memory_space<vmem>>
    %dma_start3A_186 = arith.constant 0 : i32
    %dma_start3A_187 = tpu.memref_slice %arg2[%add3A_175, %squeeze3A_21, %dma_start3A_186] : memref<1024x16x1025xf32, #tpu.memory_space<hbm>> -> memref<1x1x1025xf32, #tpu.memory_space<hbm>>
    %dma_start3A_188 = tpu.memref_squeeze %dma_start3A_187 : memref<1x1x1025xf32, #tpu.memory_space<hbm>> -> memref<1025xf32, #tpu.memory_space<hbm>>
    tpu.enqueue_dma source(%dma_start3A_188 : memref<1025xf32, #tpu.memory_space<hbm>>) target(%dma_start3A_185 : memref<1025xf32, #tpu.memory_space<vmem>>) target_semaphore(%arg7 : memref<!tpu.dma_semaphore, #tpu.memory_space<semaphore_mem>>)
    %add3A_189 = arith.constant 8 : i32
    %add3A_190 = arith.addi %mul3A_2, %add3A_189 : i32
    %dma_start3A_191 = arith.constant 8 : i32
    %dma_start3A_192 = arith.constant 0 : i32
    %dma_start3A_193 = tpu.memref_slice %arg6[%dma_start3A_191, %dma_start3A_192] : memref<32x1025xf32, #tpu.memory_space<vmem>> -> memref<1x1025xf32, #tpu.memory_space<vmem>>
    %dma_start3A_194 = tpu.memref_squeeze %dma_start3A_193 : memref<1x1025xf32, #tpu.memory_space<vmem>> -> memref<1025xf32, #tpu.memory_space<vmem>>
    %dma_start3A_195 = arith.constant 0 : i32
    %dma_start3A_196 = tpu.memref_slice %arg2[%add3A_190, %squeeze3A_23, %dma_start3A_195] : memref<1024x16x1025xf32, #tpu.memory_space<hbm>> -> memref<1x1x1025xf32, #tpu.memory_space<hbm>>
    %dma_start3A_197 = tpu.memref_squeeze %dma_start3A_196 : memref<1x1x1025xf32, #tpu.memory_space<hbm>> -> memref<1025xf32, #tpu.memory_space<hbm>>
    %dma_start3A_198 = arith.constant 0 : i32
    %dma_start3A_199 = tpu.memref_slice %arg6[%dma_start3A_191, %dma_start3A_198] : memref<32x1025xf32, #tpu.memory_space<vmem>> -> memref<1x1025xf32, #tpu.memory_space<vmem>>
    %dma_start3A_200 = tpu.memref_squeeze %dma_start3A_199 : memref<1x1025xf32, #tpu.memory_space<vmem>> -> memref<1025xf32, #tpu.memory_space<vmem>>
    %dma_start3A_201 = arith.constant 0 : i32
    %dma_start3A_202 = tpu.memref_slice %arg2[%add3A_190, %squeeze3A_23, %dma_start3A_201] : memref<1024x16x1025xf32, #tpu.memory_space<hbm>> -> memref<1x1x1025xf32, #tpu.memory_space<hbm>>
    %dma_start3A_203 = tpu.memref_squeeze %dma_start3A_202 : memref<1x1x1025xf32, #tpu.memory_space<hbm>> -> memref<1025xf32, #tpu.memory_space<hbm>>
    tpu.enqueue_dma source(%dma_start3A_203 : memref<1025xf32, #tpu.memory_space<hbm>>) target(%dma_start3A_200 : memref<1025xf32, #tpu.memory_space<vmem>>) target_semaphore(%arg7 : memref<!tpu.dma_semaphore, #tpu.memory_space<semaphore_mem>>)
    %add3A_204 = arith.constant 9 : i32
    %add3A_205 = arith.addi %mul3A_2, %add3A_204 : i32
    %dma_start3A_206 = arith.constant 9 : i32
    %dma_start3A_207 = arith.constant 0 : i32
    %dma_start3A_208 = tpu.memref_slice %arg6[%dma_start3A_206, %dma_start3A_207] : memref<32x1025xf32, #tpu.memory_space<vmem>> -> memref<1x1025xf32, #tpu.memory_space<vmem>>
    %dma_start3A_209 = tpu.memref_squeeze %dma_start3A_208 : memref<1x1025xf32, #tpu.memory_space<vmem>> -> memref<1025xf32, #tpu.memory_space<vmem>>
    %dma_start3A_210 = arith.constant 0 : i32
    %dma_start3A_211 = tpu.memref_slice %arg2[%add3A_205, %squeeze3A_25, %dma_start3A_210] : memref<1024x16x1025xf32, #tpu.memory_space<hbm>> -> memref<1x1x1025xf32, #tpu.memory_space<hbm>>
    %dma_start3A_212 = tpu.memref_squeeze %dma_start3A_211 : memref<1x1x1025xf32, #tpu.memory_space<hbm>> -> memref<1025xf32, #tpu.memory_space<hbm>>
    %dma_start3A_213 = arith.constant 0 : i32
    %dma_start3A_214 = tpu.memref_slice %arg6[%dma_start3A_206, %dma_start3A_213] : memref<32x1025xf32, #tpu.memory_space<vmem>> -> memref<1x1025xf32, #tpu.memory_space<vmem>>
    %dma_start3A_215 = tpu.memref_squeeze %dma_start3A_214 : memref<1x1025xf32, #tpu.memory_space<vmem>> -> memref<1025xf32, #tpu.memory_space<vmem>>
    %dma_start3A_216 = arith.constant 0 : i32
    %dma_start3A_217 = tpu.memref_slice %arg2[%add3A_205, %squeeze3A_25, %dma_start3A_216] : memref<1024x16x1025xf32, #tpu.memory_space<hbm>> -> memref<1x1x1025xf32, #tpu.memory_space<hbm>>
    %dma_start3A_218 = tpu.memref_squeeze %dma_start3A_217 : memref<1x1x1025xf32, #tpu.memory_space<hbm>> -> memref<1025xf32, #tpu.memory_space<hbm>>
    tpu.enqueue_dma source(%dma_start3A_218 : memref<1025xf32, #tpu.memory_space<hbm>>) target(%dma_start3A_215 : memref<1025xf32, #tpu.memory_space<vmem>>) target_semaphore(%arg7 : memref<!tpu.dma_semaphore, #tpu.memory_space<semaphore_mem>>)
    %add3A_219 = arith.constant 10 : i32
    %add3A_220 = arith.addi %mul3A_2, %add3A_219 : i32
    %dma_start3A_221 = arith.constant 10 : i32
    %dma_start3A_222 = arith.constant 0 : i32
    %dma_start3A_223 = tpu.memref_slice %arg6[%dma_start3A_221, %dma_start3A_222] : memref<32x1025xf32, #tpu.memory_space<vmem>> -> memref<1x1025xf32, #tpu.memory_space<vmem>>
    %dma_start3A_224 = tpu.memref_squeeze %dma_start3A_223 : memref<1x1025xf32, #tpu.memory_space<vmem>> -> memref<1025xf32, #tpu.memory_space<vmem>>
    %dma_start3A_225 = arith.constant 0 : i32
    %dma_start3A_226 = tpu.memref_slice %arg2[%add3A_220, %squeeze3A_27, %dma_start3A_225] : memref<1024x16x1025xf32, #tpu.memory_space<hbm>> -> memref<1x1x1025xf32, #tpu.memory_space<hbm>>
    %dma_start3A_227 = tpu.memref_squeeze %dma_start3A_226 : memref<1x1x1025xf32, #tpu.memory_space<hbm>> -> memref<1025xf32, #tpu.memory_space<hbm>>
    %dma_start3A_228 = arith.constant 0 : i32
    %dma_start3A_229 = tpu.memref_slice %arg6[%dma_start3A_221, %dma_start3A_228] : memref<32x1025xf32, #tpu.memory_space<vmem>> -> memref<1x1025xf32, #tpu.memory_space<vmem>>
    %dma_start3A_230 = tpu.memref_squeeze %dma_start3A_229 : memref<1x1025xf32, #tpu.memory_space<vmem>> -> memref<1025xf32, #tpu.memory_space<vmem>>
    %dma_start3A_231 = arith.constant 0 : i32
    %dma_start3A_232 = tpu.memref_slice %arg2[%add3A_220, %squeeze3A_27, %dma_start3A_231] : memref<1024x16x1025xf32, #tpu.memory_space<hbm>> -> memref<1x1x1025xf32, #tpu.memory_space<hbm>>
    %dma_start3A_233 = tpu.memref_squeeze %dma_start3A_232 : memref<1x1x1025xf32, #tpu.memory_space<hbm>> -> memref<1025xf32, #tpu.memory_space<hbm>>
    tpu.enqueue_dma source(%dma_start3A_233 : memref<1025xf32, #tpu.memory_space<hbm>>) target(%dma_start3A_230 : memref<1025xf32, #tpu.memory_space<vmem>>) target_semaphore(%arg7 : memref<!tpu.dma_semaphore, #tpu.memory_space<semaphore_mem>>)
    %add3A_234 = arith.constant 11 : i32
    %add3A_235 = arith.addi %mul3A_2, %add3A_234 : i32
    %dma_start3A_236 = arith.constant 11 : i32
    %dma_start3A_237 = arith.constant 0 : i32
    %dma_start3A_238 = tpu.memref_slice %arg6[%dma_start3A_236, %dma_start3A_237] : memref<32x1025xf32, #tpu.memory_space<vmem>> -> memref<1x1025xf32, #tpu.memory_space<vmem>>
    %dma_start3A_239 = tpu.memref_squeeze %dma_start3A_238 : memref<1x1025xf32, #tpu.memory_space<vmem>> -> memref<1025xf32, #tpu.memory_space<vmem>>
    %dma_start3A_240 = arith.constant 0 : i32
    %dma_start3A_241 = tpu.memref_slice %arg2[%add3A_235, %squeeze3A_29, %dma_start3A_240] : memref<1024x16x1025xf32, #tpu.memory_space<hbm>> -> memref<1x1x1025xf32, #tpu.memory_space<hbm>>
    %dma_start3A_242 = tpu.memref_squeeze %dma_start3A_241 : memref<1x1x1025xf32, #tpu.memory_space<hbm>> -> memref<1025xf32, #tpu.memory_space<hbm>>
    %dma_start3A_243 = arith.constant 0 : i32
    %dma_start3A_244 = tpu.memref_slice %arg6[%dma_start3A_236, %dma_start3A_243] : memref<32x1025xf32, #tpu.memory_space<vmem>> -> memref<1x1025xf32, #tpu.memory_space<vmem>>
    %dma_start3A_245 = tpu.memref_squeeze %dma_start3A_244 : memref<1x1025xf32, #tpu.memory_space<vmem>> -> memref<1025xf32, #tpu.memory_space<vmem>>
    %dma_start3A_246 = arith.constant 0 : i32
    %dma_start3A_247 = tpu.memref_slice %arg2[%add3A_235, %squeeze3A_29, %dma_start3A_246] : memref<1024x16x1025xf32, #tpu.memory_space<hbm>> -> memref<1x1x1025xf32, #tpu.memory_space<hbm>>
    %dma_start3A_248 = tpu.memref_squeeze %dma_start3A_247 : memref<1x1x1025xf32, #tpu.memory_space<hbm>> -> memref<1025xf32, #tpu.memory_space<hbm>>
    tpu.enqueue_dma source(%dma_start3A_248 : memref<1025xf32, #tpu.memory_space<hbm>>) target(%dma_start3A_245 : memref<1025xf32, #tpu.memory_space<vmem>>) target_semaphore(%arg7 : memref<!tpu.dma_semaphore, #tpu.memory_space<semaphore_mem>>)
    %add3A_249 = arith.constant 12 : i32
    %add3A_250 = arith.addi %mul3A_2, %add3A_249 : i32
    %dma_start3A_251 = arith.constant 12 : i32
    %dma_start3A_252 = arith.constant 0 : i32
    %dma_start3A_253 = tpu.memref_slice %arg6[%dma_start3A_251, %dma_start3A_252] : memref<32x1025xf32, #tpu.memory_space<vmem>> -> memref<1x1025xf32, #tpu.memory_space<vmem>>
    %dma_start3A_254 = tpu.memref_squeeze %dma_start3A_253 : memref<1x1025xf32, #tpu.memory_space<vmem>> -> memref<1025xf32, #tpu.memory_space<vmem>>
    %dma_start3A_255 = arith.constant 0 : i32
    %dma_start3A_256 = tpu.memref_slice %arg2[%add3A_250, %squeeze3A_31, %dma_start3A_255] : memref<1024x16x1025xf32, #tpu.memory_space<hbm>> -> memref<1x1x1025xf32, #tpu.memory_space<hbm>>
    %dma_start3A_257 = tpu.memref_squeeze %dma_start3A_256 : memref<1x1x1025xf32, #tpu.memory_space<hbm>> -> memref<1025xf32, #tpu.memory_space<hbm>>
    %dma_start3A_258 = arith.constant 0 : i32
    %dma_start3A_259 = tpu.memref_slice %arg6[%dma_start3A_251, %dma_start3A_258] : memref<32x1025xf32, #tpu.memory_space<vmem>> -> memref<1x1025xf32, #tpu.memory_space<vmem>>
    %dma_start3A_260 = tpu.memref_squeeze %dma_start3A_259 : memref<1x1025xf32, #tpu.memory_space<vmem>> -> memref<1025xf32, #tpu.memory_space<vmem>>
    %dma_start3A_261 = arith.constant 0 : i32
    %dma_start3A_262 = tpu.memref_slice %arg2[%add3A_250, %squeeze3A_31, %dma_start3A_261] : memref<1024x16x1025xf32, #tpu.memory_space<hbm>> -> memref<1x1x1025xf32, #tpu.memory_space<hbm>>
    %dma_start3A_263 = tpu.memref_squeeze %dma_start3A_262 : memref<1x1x1025xf32, #tpu.memory_space<hbm>> -> memref<1025xf32, #tpu.memory_space<hbm>>
    tpu.enqueue_dma source(%dma_start3A_263 : memref<1025xf32, #tpu.memory_space<hbm>>) target(%dma_start3A_260 : memref<1025xf32, #tpu.memory_space<vmem>>) target_semaphore(%arg7 : memref<!tpu.dma_semaphore, #tpu.memory_space<semaphore_mem>>)
    %add3A_264 = arith.constant 13 : i32
    %add3A_265 = arith.addi %mul3A_2, %add3A_264 : i32
    %dma_start3A_266 = arith.constant 13 : i32
    %dma_start3A_267 = arith.constant 0 : i32
    %dma_start3A_268 = tpu.memref_slice %arg6[%dma_start3A_266, %dma_start3A_267] : memref<32x1025xf32, #tpu.memory_space<vmem>> -> memref<1x1025xf32, #tpu.memory_space<vmem>>
    %dma_start3A_269 = tpu.memref_squeeze %dma_start3A_268 : memref<1x1025xf32, #tpu.memory_space<vmem>> -> memref<1025xf32, #tpu.memory_space<vmem>>
    %dma_start3A_270 = arith.constant 0 : i32
    %dma_start3A_271 = tpu.memref_slice %arg2[%add3A_265, %squeeze3A_33, %dma_start3A_270] : memref<1024x16x1025xf32, #tpu.memory_space<hbm>> -> memref<1x1x1025xf32, #tpu.memory_space<hbm>>
    %dma_start3A_272 = tpu.memref_squeeze %dma_start3A_271 : memref<1x1x1025xf32, #tpu.memory_space<hbm>> -> memref<1025xf32, #tpu.memory_space<hbm>>
    %dma_start3A_273 = arith.constant 0 : i32
    %dma_start3A_274 = tpu.memref_slice %arg6[%dma_start3A_266, %dma_start3A_273] : memref<32x1025xf32, #tpu.memory_space<vmem>> -> memref<1x1025xf32, #tpu.memory_space<vmem>>
    %dma_start3A_275 = tpu.memref_squeeze %dma_start3A_274 : memref<1x1025xf32, #tpu.memory_space<vmem>> -> memref<1025xf32, #tpu.memory_space<vmem>>
    %dma_start3A_276 = arith.constant 0 : i32
    %dma_start3A_277 = tpu.memref_slice %arg2[%add3A_265, %squeeze3A_33, %dma_start3A_276] : memref<1024x16x1025xf32, #tpu.memory_space<hbm>> -> memref<1x1x1025xf32, #tpu.memory_space<hbm>>
    %dma_start3A_278 = tpu.memref_squeeze %dma_start3A_277 : memref<1x1x1025xf32, #tpu.memory_space<hbm>> -> memref<1025xf32, #tpu.memory_space<hbm>>
    tpu.enqueue_dma source(%dma_start3A_278 : memref<1025xf32, #tpu.memory_space<hbm>>) target(%dma_start3A_275 : memref<1025xf32, #tpu.memory_space<vmem>>) target_semaphore(%arg7 : memref<!tpu.dma_semaphore, #tpu.memory_space<semaphore_mem>>)
    %add3A_279 = arith.constant 14 : i32
    %add3A_280 = arith.addi %mul3A_2, %add3A_279 : i32
    %dma_start3A_281 = arith.constant 14 : i32
    %dma_start3A_282 = arith.constant 0 : i32
    %dma_start3A_283 = tpu.memref_slice %arg6[%dma_start3A_281, %dma_start3A_282] : memref<32x1025xf32, #tpu.memory_space<vmem>> -> memref<1x1025xf32, #tpu.memory_space<vmem>>
    %dma_start3A_284 = tpu.memref_squeeze %dma_start3A_283 : memref<1x1025xf32, #tpu.memory_space<vmem>> -> memref<1025xf32, #tpu.memory_space<vmem>>
    %dma_start3A_285 = arith.constant 0 : i32
    %dma_start3A_286 = tpu.memref_slice %arg2[%add3A_280, %squeeze3A_35, %dma_start3A_285] : memref<1024x16x1025xf32, #tpu.memory_space<hbm>> -> memref<1x1x1025xf32, #tpu.memory_space<hbm>>
    %dma_start3A_287 = tpu.memref_squeeze %dma_start3A_286 : memref<1x1x1025xf32, #tpu.memory_space<hbm>> -> memref<1025xf32, #tpu.memory_space<hbm>>
    %dma_start3A_288 = arith.constant 0 : i32
    %dma_start3A_289 = tpu.memref_slice %arg6[%dma_start3A_281, %dma_start3A_288] : memref<32x1025xf32, #tpu.memory_space<vmem>> -> memref<1x1025xf32, #tpu.memory_space<vmem>>
    %dma_start3A_290 = tpu.memref_squeeze %dma_start3A_289 : memref<1x1025xf32, #tpu.memory_space<vmem>> -> memref<1025xf32, #tpu.memory_space<vmem>>
    %dma_start3A_291 = arith.constant 0 : i32
    %dma_start3A_292 = tpu.memref_slice %arg2[%add3A_280, %squeeze3A_35, %dma_start3A_291] : memref<1024x16x1025xf32, #tpu.memory_space<hbm>> -> memref<1x1x1025xf32, #tpu.memory_space<hbm>>
    %dma_start3A_293 = tpu.memref_squeeze %dma_start3A_292 : memref<1x1x1025xf32, #tpu.memory_space<hbm>> -> memref<1025xf32, #tpu.memory_space<hbm>>
    tpu.enqueue_dma source(%dma_start3A_293 : memref<1025xf32, #tpu.memory_space<hbm>>) target(%dma_start3A_290 : memref<1025xf32, #tpu.memory_space<vmem>>) target_semaphore(%arg7 : memref<!tpu.dma_semaphore, #tpu.memory_space<semaphore_mem>>)
    %add3A_294 = arith.constant 15 : i32
    %add3A_295 = arith.addi %mul3A_2, %add3A_294 : i32
    %dma_start3A_296 = arith.constant 15 : i32
    %dma_start3A_297 = arith.constant 0 : i32
    %dma_start3A_298 = tpu.memref_slice %arg6[%dma_start3A_296, %dma_start3A_297] : memref<32x1025xf32, #tpu.memory_space<vmem>> -> memref<1x1025xf32, #tpu.memory_space<vmem>>
    %dma_start3A_299 = tpu.memref_squeeze %dma_start3A_298 : memref<1x1025xf32, #tpu.memory_space<vmem>> -> memref<1025xf32, #tpu.memory_space<vmem>>
    %dma_start3A_300 = arith.constant 0 : i32
    %dma_start3A_301 = tpu.memref_slice %arg2[%add3A_295, %squeeze3A_37, %dma_start3A_300] : memref<1024x16x1025xf32, #tpu.memory_space<hbm>> -> memref<1x1x1025xf32, #tpu.memory_space<hbm>>
    %dma_start3A_302 = tpu.memref_squeeze %dma_start3A_301 : memref<1x1x1025xf32, #tpu.memory_space<hbm>> -> memref<1025xf32, #tpu.memory_space<hbm>>
    %dma_start3A_303 = arith.constant 0 : i32
    %dma_start3A_304 = tpu.memref_slice %arg6[%dma_start3A_296, %dma_start3A_303] : memref<32x1025xf32, #tpu.memory_space<vmem>> -> memref<1x1025xf32, #tpu.memory_space<vmem>>
    %dma_start3A_305 = tpu.memref_squeeze %dma_start3A_304 : memref<1x1025xf32, #tpu.memory_space<vmem>> -> memref<1025xf32, #tpu.memory_space<vmem>>
    %dma_start3A_306 = arith.constant 0 : i32
    %dma_start3A_307 = tpu.memref_slice %arg2[%add3A_295, %squeeze3A_37, %dma_start3A_306] : memref<1024x16x1025xf32, #tpu.memory_space<hbm>> -> memref<1x1x1025xf32, #tpu.memory_space<hbm>>
    %dma_start3A_308 = tpu.memref_squeeze %dma_start3A_307 : memref<1x1x1025xf32, #tpu.memory_space<hbm>> -> memref<1025xf32, #tpu.memory_space<hbm>>
    tpu.enqueue_dma source(%dma_start3A_308 : memref<1025xf32, #tpu.memory_space<hbm>>) target(%dma_start3A_305 : memref<1025xf32, #tpu.memory_space<vmem>>) target_semaphore(%arg7 : memref<!tpu.dma_semaphore, #tpu.memory_space<semaphore_mem>>)
    %add3A_309 = arith.constant 16 : i32
    %add3A_310 = arith.addi %mul3A_2, %add3A_309 : i32
    %dma_start3A_311 = arith.constant 16 : i32
    %dma_start3A_312 = arith.constant 0 : i32
    %dma_start3A_313 = tpu.memref_slice %arg6[%dma_start3A_311, %dma_start3A_312] : memref<32x1025xf32, #tpu.memory_space<vmem>> -> memref<1x1025xf32, #tpu.memory_space<vmem>>
    %dma_start3A_314 = tpu.memref_squeeze %dma_start3A_313 : memref<1x1025xf32, #tpu.memory_space<vmem>> -> memref<1025xf32, #tpu.memory_space<vmem>>
    %dma_start3A_315 = arith.constant 0 : i32
    %dma_start3A_316 = tpu.memref_slice %arg2[%add3A_310, %squeeze3A_39, %dma_start3A_315] : memref<1024x16x1025xf32, #tpu.memory_space<hbm>> -> memref<1x1x1025xf32, #tpu.memory_space<hbm>>
    %dma_start3A_317 = tpu.memref_squeeze %dma_start3A_316 : memref<1x1x1025xf32, #tpu.memory_space<hbm>> -> memref<1025xf32, #tpu.memory_space<hbm>>
    %dma_start3A_318 = arith.constant 0 : i32
    %dma_start3A_319 = tpu.memref_slice %arg6[%dma_start3A_311, %dma_start3A_318] : memref<32x1025xf32, #tpu.memory_space<vmem>> -> memref<1x1025xf32, #tpu.memory_space<vmem>>
    %dma_start3A_320 = tpu.memref_squeeze %dma_start3A_319 : memref<1x1025xf32, #tpu.memory_space<vmem>> -> memref<1025xf32, #tpu.memory_space<vmem>>
    %dma_start3A_321 = arith.constant 0 : i32
    %dma_start3A_322 = tpu.memref_slice %arg2[%add3A_310, %squeeze3A_39, %dma_start3A_321] : memref<1024x16x1025xf32, #tpu.memory_space<hbm>> -> memref<1x1x1025xf32, #tpu.memory_space<hbm>>
    %dma_start3A_323 = tpu.memref_squeeze %dma_start3A_322 : memref<1x1x1025xf32, #tpu.memory_space<hbm>> -> memref<1025xf32, #tpu.memory_space<hbm>>
    tpu.enqueue_dma source(%dma_start3A_323 : memref<1025xf32, #tpu.memory_space<hbm>>) target(%dma_start3A_320 : memref<1025xf32, #tpu.memory_space<vmem>>) target_semaphore(%arg7 : memref<!tpu.dma_semaphore, #tpu.memory_space<semaphore_mem>>)
    %add3A_324 = arith.constant 17 : i32
    %add3A_325 = arith.addi %mul3A_2, %add3A_324 : i32
    %dma_start3A_326 = arith.constant 17 : i32
    %dma_start3A_327 = arith.constant 0 : i32
    %dma_start3A_328 = tpu.memref_slice %arg6[%dma_start3A_326, %dma_start3A_327] : memref<32x1025xf32, #tpu.memory_space<vmem>> -> memref<1x1025xf32, #tpu.memory_space<vmem>>
    %dma_start3A_329 = tpu.memref_squeeze %dma_start3A_328 : memref<1x1025xf32, #tpu.memory_space<vmem>> -> memref<1025xf32, #tpu.memory_space<vmem>>
    %dma_start3A_330 = arith.constant 0 : i32
    %dma_start3A_331 = tpu.memref_slice %arg2[%add3A_325, %squeeze3A_41, %dma_start3A_330] : memref<1024x16x1025xf32, #tpu.memory_space<hbm>> -> memref<1x1x1025xf32, #tpu.memory_space<hbm>>
    %dma_start3A_332 = tpu.memref_squeeze %dma_start3A_331 : memref<1x1x1025xf32, #tpu.memory_space<hbm>> -> memref<1025xf32, #tpu.memory_space<hbm>>
    %dma_start3A_333 = arith.constant 0 : i32
    %dma_start3A_334 = tpu.memref_slice %arg6[%dma_start3A_326, %dma_start3A_333] : memref<32x1025xf32, #tpu.memory_space<vmem>> -> memref<1x1025xf32, #tpu.memory_space<vmem>>
    %dma_start3A_335 = tpu.memref_squeeze %dma_start3A_334 : memref<1x1025xf32, #tpu.memory_space<vmem>> -> memref<1025xf32, #tpu.memory_space<vmem>>
    %dma_start3A_336 = arith.constant 0 : i32
    %dma_start3A_337 = tpu.memref_slice %arg2[%add3A_325, %squeeze3A_41, %dma_start3A_336] : memref<1024x16x1025xf32, #tpu.memory_space<hbm>> -> memref<1x1x1025xf32, #tpu.memory_space<hbm>>
    %dma_start3A_338 = tpu.memref_squeeze %dma_start3A_337 : memref<1x1x1025xf32, #tpu.memory_space<hbm>> -> memref<1025xf32, #tpu.memory_space<hbm>>
    tpu.enqueue_dma source(%dma_start3A_338 : memref<1025xf32, #tpu.memory_space<hbm>>) target(%dma_start3A_335 : memref<1025xf32, #tpu.memory_space<vmem>>) target_semaphore(%arg7 : memref<!tpu.dma_semaphore, #tpu.memory_space<semaphore_mem>>)
    %add3A_339 = arith.constant 18 : i32
    %add3A_340 = arith.addi %mul3A_2, %add3A_339 : i32
    %dma_start3A_341 = arith.constant 18 : i32
    %dma_start3A_342 = arith.constant 0 : i32
    %dma_start3A_343 = tpu.memref_slice %arg6[%dma_start3A_341, %dma_start3A_342] : memref<32x1025xf32, #tpu.memory_space<vmem>> -> memref<1x1025xf32, #tpu.memory_space<vmem>>
    %dma_start3A_344 = tpu.memref_squeeze %dma_start3A_343 : memref<1x1025xf32, #tpu.memory_space<vmem>> -> memref<1025xf32, #tpu.memory_space<vmem>>
    %dma_start3A_345 = arith.constant 0 : i32
    %dma_start3A_346 = tpu.memref_slice %arg2[%add3A_340, %squeeze3A_43, %dma_start3A_345] : memref<1024x16x1025xf32, #tpu.memory_space<hbm>> -> memref<1x1x1025xf32, #tpu.memory_space<hbm>>
    %dma_start3A_347 = tpu.memref_squeeze %dma_start3A_346 : memref<1x1x1025xf32, #tpu.memory_space<hbm>> -> memref<1025xf32, #tpu.memory_space<hbm>>
    %dma_start3A_348 = arith.constant 0 : i32
    %dma_start3A_349 = tpu.memref_slice %arg6[%dma_start3A_341, %dma_start3A_348] : memref<32x1025xf32, #tpu.memory_space<vmem>> -> memref<1x1025xf32, #tpu.memory_space<vmem>>
    %dma_start3A_350 = tpu.memref_squeeze %dma_start3A_349 : memref<1x1025xf32, #tpu.memory_space<vmem>> -> memref<1025xf32, #tpu.memory_space<vmem>>
    %dma_start3A_351 = arith.constant 0 : i32
    %dma_start3A_352 = tpu.memref_slice %arg2[%add3A_340, %squeeze3A_43, %dma_start3A_351] : memref<1024x16x1025xf32, #tpu.memory_space<hbm>> -> memref<1x1x1025xf32, #tpu.memory_space<hbm>>
    %dma_start3A_353 = tpu.memref_squeeze %dma_start3A_352 : memref<1x1x1025xf32, #tpu.memory_space<hbm>> -> memref<1025xf32, #tpu.memory_space<hbm>>
    tpu.enqueue_dma source(%dma_start3A_353 : memref<1025xf32, #tpu.memory_space<hbm>>) target(%dma_start3A_350 : memref<1025xf32, #tpu.memory_space<vmem>>) target_semaphore(%arg7 : memref<!tpu.dma_semaphore, #tpu.memory_space<semaphore_mem>>)
    %add3A_354 = arith.constant 19 : i32
    %add3A_355 = arith.addi %mul3A_2, %add3A_354 : i32
    %dma_start3A_356 = arith.constant 19 : i32
    %dma_start3A_357 = arith.constant 0 : i32
    %dma_start3A_358 = tpu.memref_slice %arg6[%dma_start3A_356, %dma_start3A_357] : memref<32x1025xf32, #tpu.memory_space<vmem>> -> memref<1x1025xf32, #tpu.memory_space<vmem>>
    %dma_start3A_359 = tpu.memref_squeeze %dma_start3A_358 : memref<1x1025xf32, #tpu.memory_space<vmem>> -> memref<1025xf32, #tpu.memory_space<vmem>>
    %dma_start3A_360 = arith.constant 0 : i32
    %dma_start3A_361 = tpu.memref_slice %arg2[%add3A_355, %squeeze3A_45, %dma_start3A_360] : memref<1024x16x1025xf32, #tpu.memory_space<hbm>> -> memref<1x1x1025xf32, #tpu.memory_space<hbm>>
    %dma_start3A_362 = tpu.memref_squeeze %dma_start3A_361 : memref<1x1x1025xf32, #tpu.memory_space<hbm>> -> memref<1025xf32, #tpu.memory_space<hbm>>
    %dma_start3A_363 = arith.constant 0 : i32
    %dma_start3A_364 = tpu.memref_slice %arg6[%dma_start3A_356, %dma_start3A_363] : memref<32x1025xf32, #tpu.memory_space<vmem>> -> memref<1x1025xf32, #tpu.memory_space<vmem>>
    %dma_start3A_365 = tpu.memref_squeeze %dma_start3A_364 : memref<1x1025xf32, #tpu.memory_space<vmem>> -> memref<1025xf32, #tpu.memory_space<vmem>>
    %dma_start3A_366 = arith.constant 0 : i32
    %dma_start3A_367 = tpu.memref_slice %arg2[%add3A_355, %squeeze3A_45, %dma_start3A_366] : memref<1024x16x1025xf32, #tpu.memory_space<hbm>> -> memref<1x1x1025xf32, #tpu.memory_space<hbm>>
    %dma_start3A_368 = tpu.memref_squeeze %dma_start3A_367 : memref<1x1x1025xf32, #tpu.memory_space<hbm>> -> memref<1025xf32, #tpu.memory_space<hbm>>
    tpu.enqueue_dma source(%dma_start3A_368 : memref<1025xf32, #tpu.memory_space<hbm>>) target(%dma_start3A_365 : memref<1025xf32, #tpu.memory_space<vmem>>) target_semaphore(%arg7 : memref<!tpu.dma_semaphore, #tpu.memory_space<semaphore_mem>>)
    %add3A_369 = arith.constant 20 : i32
    %add3A_370 = arith.addi %mul3A_2, %add3A_369 : i32
    %dma_start3A_371 = arith.constant 20 : i32
    %dma_start3A_372 = arith.constant 0 : i32
    %dma_start3A_373 = tpu.memref_slice %arg6[%dma_start3A_371, %dma_start3A_372] : memref<32x1025xf32, #tpu.memory_space<vmem>> -> memref<1x1025xf32, #tpu.memory_space<vmem>>
    %dma_start3A_374 = tpu.memref_squeeze %dma_start3A_373 : memref<1x1025xf32, #tpu.memory_space<vmem>> -> memref<1025xf32, #tpu.memory_space<vmem>>
    %dma_start3A_375 = arith.constant 0 : i32
    %dma_start3A_376 = tpu.memref_slice %arg2[%add3A_370, %squeeze3A_47, %dma_start3A_375] : memref<1024x16x1025xf32, #tpu.memory_space<hbm>> -> memref<1x1x1025xf32, #tpu.memory_space<hbm>>
    %dma_start3A_377 = tpu.memref_squeeze %dma_start3A_376 : memref<1x1x1025xf32, #tpu.memory_space<hbm>> -> memref<1025xf32, #tpu.memory_space<hbm>>
    %dma_start3A_378 = arith.constant 0 : i32
    %dma_start3A_379 = tpu.memref_slice %arg6[%dma_start3A_371, %dma_start3A_378] : memref<32x1025xf32, #tpu.memory_space<vmem>> -> memref<1x1025xf32, #tpu.memory_space<vmem>>
    %dma_start3A_380 = tpu.memref_squeeze %dma_start3A_379 : memref<1x1025xf32, #tpu.memory_space<vmem>> -> memref<1025xf32, #tpu.memory_space<vmem>>
    %dma_start3A_381 = arith.constant 0 : i32
    %dma_start3A_382 = tpu.memref_slice %arg2[%add3A_370, %squeeze3A_47, %dma_start3A_381] : memref<1024x16x1025xf32, #tpu.memory_space<hbm>> -> memref<1x1x1025xf32, #tpu.memory_space<hbm>>
    %dma_start3A_383 = tpu.memref_squeeze %dma_start3A_382 : memref<1x1x1025xf32, #tpu.memory_space<hbm>> -> memref<1025xf32, #tpu.memory_space<hbm>>
    tpu.enqueue_dma source(%dma_start3A_383 : memref<1025xf32, #tpu.memory_space<hbm>>) target(%dma_start3A_380 : memref<1025xf32, #tpu.memory_space<vmem>>) target_semaphore(%arg7 : memref<!tpu.dma_semaphore, #tpu.memory_space<semaphore_mem>>)
    %add3A_384 = arith.constant 21 : i32
    %add3A_385 = arith.addi %mul3A_2, %add3A_384 : i32
    %dma_start3A_386 = arith.constant 21 : i32
    %dma_start3A_387 = arith.constant 0 : i32
    %dma_start3A_388 = tpu.memref_slice %arg6[%dma_start3A_386, %dma_start3A_387] : memref<32x1025xf32, #tpu.memory_space<vmem>> -> memref<1x1025xf32, #tpu.memory_space<vmem>>
    %dma_start3A_389 = tpu.memref_squeeze %dma_start3A_388 : memref<1x1025xf32, #tpu.memory_space<vmem>> -> memref<1025xf32, #tpu.memory_space<vmem>>
    %dma_start3A_390 = arith.constant 0 : i32
    %dma_start3A_391 = tpu.memref_slice %arg2[%add3A_385, %squeeze3A_49, %dma_start3A_390] : memref<1024x16x1025xf32, #tpu.memory_space<hbm>> -> memref<1x1x1025xf32, #tpu.memory_space<hbm>>
    %dma_start3A_392 = tpu.memref_squeeze %dma_start3A_391 : memref<1x1x1025xf32, #tpu.memory_space<hbm>> -> memref<1025xf32, #tpu.memory_space<hbm>>
    %dma_start3A_393 = arith.constant 0 : i32
    %dma_start3A_394 = tpu.memref_slice %arg6[%dma_start3A_386, %dma_start3A_393] : memref<32x1025xf32, #tpu.memory_space<vmem>> -> memref<1x1025xf32, #tpu.memory_space<vmem>>
    %dma_start3A_395 = tpu.memref_squeeze %dma_start3A_394 : memref<1x1025xf32, #tpu.memory_space<vmem>> -> memref<1025xf32, #tpu.memory_space<vmem>>
    %dma_start3A_396 = arith.constant 0 : i32
    %dma_start3A_397 = tpu.memref_slice %arg2[%add3A_385, %squeeze3A_49, %dma_start3A_396] : memref<1024x16x1025xf32, #tpu.memory_space<hbm>> -> memref<1x1x1025xf32, #tpu.memory_space<hbm>>
    %dma_start3A_398 = tpu.memref_squeeze %dma_start3A_397 : memref<1x1x1025xf32, #tpu.memory_space<hbm>> -> memref<1025xf32, #tpu.memory_space<hbm>>
    tpu.enqueue_dma source(%dma_start3A_398 : memref<1025xf32, #tpu.memory_space<hbm>>) target(%dma_start3A_395 : memref<1025xf32, #tpu.memory_space<vmem>>) target_semaphore(%arg7 : memref<!tpu.dma_semaphore, #tpu.memory_space<semaphore_mem>>)
    %add3A_399 = arith.constant 22 : i32
    %add3A_400 = arith.addi %mul3A_2, %add3A_399 : i32
    %dma_start3A_401 = arith.constant 22 : i32
    %dma_start3A_402 = arith.constant 0 : i32
    %dma_start3A_403 = tpu.memref_slice %arg6[%dma_start3A_401, %dma_start3A_402] : memref<32x1025xf32, #tpu.memory_space<vmem>> -> memref<1x1025xf32, #tpu.memory_space<vmem>>
    %dma_start3A_404 = tpu.memref_squeeze %dma_start3A_403 : memref<1x1025xf32, #tpu.memory_space<vmem>> -> memref<1025xf32, #tpu.memory_space<vmem>>
    %dma_start3A_405 = arith.constant 0 : i32
    %dma_start3A_406 = tpu.memref_slice %arg2[%add3A_400, %squeeze3A_51, %dma_start3A_405] : memref<1024x16x1025xf32, #tpu.memory_space<hbm>> -> memref<1x1x1025xf32, #tpu.memory_space<hbm>>
    %dma_start3A_407 = tpu.memref_squeeze %dma_start3A_406 : memref<1x1x1025xf32, #tpu.memory_space<hbm>> -> memref<1025xf32, #tpu.memory_space<hbm>>
    %dma_start3A_408 = arith.constant 0 : i32
    %dma_start3A_409 = tpu.memref_slice %arg6[%dma_start3A_401, %dma_start3A_408] : memref<32x1025xf32, #tpu.memory_space<vmem>> -> memref<1x1025xf32, #tpu.memory_space<vmem>>
    %dma_start3A_410 = tpu.memref_squeeze %dma_start3A_409 : memref<1x1025xf32, #tpu.memory_space<vmem>> -> memref<1025xf32, #tpu.memory_space<vmem>>
    %dma_start3A_411 = arith.constant 0 : i32
    %dma_start3A_412 = tpu.memref_slice %arg2[%add3A_400, %squeeze3A_51, %dma_start3A_411] : memref<1024x16x1025xf32, #tpu.memory_space<hbm>> -> memref<1x1x1025xf32, #tpu.memory_space<hbm>>
    %dma_start3A_413 = tpu.memref_squeeze %dma_start3A_412 : memref<1x1x1025xf32, #tpu.memory_space<hbm>> -> memref<1025xf32, #tpu.memory_space<hbm>>
    tpu.enqueue_dma source(%dma_start3A_413 : memref<1025xf32, #tpu.memory_space<hbm>>) target(%dma_start3A_410 : memref<1025xf32, #tpu.memory_space<vmem>>) target_semaphore(%arg7 : memref<!tpu.dma_semaphore, #tpu.memory_space<semaphore_mem>>)
    %add3A_414 = arith.constant 23 : i32
    %add3A_415 = arith.addi %mul3A_2, %add3A_414 : i32
    %dma_start3A_416 = arith.constant 23 : i32
    %dma_start3A_417 = arith.constant 0 : i32
    %dma_start3A_418 = tpu.memref_slice %arg6[%dma_start3A_416, %dma_start3A_417] : memref<32x1025xf32, #tpu.memory_space<vmem>> -> memref<1x1025xf32, #tpu.memory_space<vmem>>
    %dma_start3A_419 = tpu.memref_squeeze %dma_start3A_418 : memref<1x1025xf32, #tpu.memory_space<vmem>> -> memref<1025xf32, #tpu.memory_space<vmem>>
    %dma_start3A_420 = arith.constant 0 : i32
    %dma_start3A_421 = tpu.memref_slice %arg2[%add3A_415, %squeeze3A_53, %dma_start3A_420] : memref<1024x16x1025xf32, #tpu.memory_space<hbm>> -> memref<1x1x1025xf32, #tpu.memory_space<hbm>>
    %dma_start3A_422 = tpu.memref_squeeze %dma_start3A_421 : memref<1x1x1025xf32, #tpu.memory_space<hbm>> -> memref<1025xf32, #tpu.memory_space<hbm>>
    %dma_start3A_423 = arith.constant 0 : i32
    %dma_start3A_424 = tpu.memref_slice %arg6[%dma_start3A_416, %dma_start3A_423] : memref<32x1025xf32, #tpu.memory_space<vmem>> -> memref<1x1025xf32, #tpu.memory_space<vmem>>
    %dma_start3A_425 = tpu.memref_squeeze %dma_start3A_424 : memref<1x1025xf32, #tpu.memory_space<vmem>> -> memref<1025xf32, #tpu.memory_space<vmem>>
    %dma_start3A_426 = arith.constant 0 : i32
    %dma_start3A_427 = tpu.memref_slice %arg2[%add3A_415, %squeeze3A_53, %dma_start3A_426] : memref<1024x16x1025xf32, #tpu.memory_space<hbm>> -> memref<1x1x1025xf32, #tpu.memory_space<hbm>>
    %dma_start3A_428 = tpu.memref_squeeze %dma_start3A_427 : memref<1x1x1025xf32, #tpu.memory_space<hbm>> -> memref<1025xf32, #tpu.memory_space<hbm>>
    tpu.enqueue_dma source(%dma_start3A_428 : memref<1025xf32, #tpu.memory_space<hbm>>) target(%dma_start3A_425 : memref<1025xf32, #tpu.memory_space<vmem>>) target_semaphore(%arg7 : memref<!tpu.dma_semaphore, #tpu.memory_space<semaphore_mem>>)
    %add3A_429 = arith.constant 24 : i32
    %add3A_430 = arith.addi %mul3A_2, %add3A_429 : i32
    %dma_start3A_431 = arith.constant 24 : i32
    %dma_start3A_432 = arith.constant 0 : i32
    %dma_start3A_433 = tpu.memref_slice %arg6[%dma_start3A_431, %dma_start3A_432] : memref<32x1025xf32, #tpu.memory_space<vmem>> -> memref<1x1025xf32, #tpu.memory_space<vmem>>
    %dma_start3A_434 = tpu.memref_squeeze %dma_start3A_433 : memref<1x1025xf32, #tpu.memory_space<vmem>> -> memref<1025xf32, #tpu.memory_space<vmem>>
    %dma_start3A_435 = arith.constant 0 : i32
    %dma_start3A_436 = tpu.memref_slice %arg2[%add3A_430, %squeeze3A_55, %dma_start3A_435] : memref<1024x16x1025xf32, #tpu.memory_space<hbm>> -> memref<1x1x1025xf32, #tpu.memory_space<hbm>>
    %dma_start3A_437 = tpu.memref_squeeze %dma_start3A_436 : memref<1x1x1025xf32, #tpu.memory_space<hbm>> -> memref<1025xf32, #tpu.memory_space<hbm>>
    %dma_start3A_438 = arith.constant 0 : i32
    %dma_start3A_439 = tpu.memref_slice %arg6[%dma_start3A_431, %dma_start3A_438] : memref<32x1025xf32, #tpu.memory_space<vmem>> -> memref<1x1025xf32, #tpu.memory_space<vmem>>
    %dma_start3A_440 = tpu.memref_squeeze %dma_start3A_439 : memref<1x1025xf32, #tpu.memory_space<vmem>> -> memref<1025xf32, #tpu.memory_space<vmem>>
    %dma_start3A_441 = arith.constant 0 : i32
    %dma_start3A_442 = tpu.memref_slice %arg2[%add3A_430, %squeeze3A_55, %dma_start3A_441] : memref<1024x16x1025xf32, #tpu.memory_space<hbm>> -> memref<1x1x1025xf32, #tpu.memory_space<hbm>>
    %dma_start3A_443 = tpu.memref_squeeze %dma_start3A_442 : memref<1x1x1025xf32, #tpu.memory_space<hbm>> -> memref<1025xf32, #tpu.memory_space<hbm>>
    tpu.enqueue_dma source(%dma_start3A_443 : memref<1025xf32, #tpu.memory_space<hbm>>) target(%dma_start3A_440 : memref<1025xf32, #tpu.memory_space<vmem>>) target_semaphore(%arg7 : memref<!tpu.dma_semaphore, #tpu.memory_space<semaphore_mem>>)
    %add3A_444 = arith.constant 25 : i32
    %add3A_445 = arith.addi %mul3A_2, %add3A_444 : i32
    %dma_start3A_446 = arith.constant 25 : i32
    %dma_start3A_447 = arith.constant 0 : i32
    %dma_start3A_448 = tpu.memref_slice %arg6[%dma_start3A_446, %dma_start3A_447] : memref<32x1025xf32, #tpu.memory_space<vmem>> -> memref<1x1025xf32, #tpu.memory_space<vmem>>
    %dma_start3A_449 = tpu.memref_squeeze %dma_start3A_448 : memref<1x1025xf32, #tpu.memory_space<vmem>> -> memref<1025xf32, #tpu.memory_space<vmem>>
    %dma_start3A_450 = arith.constant 0 : i32
    %dma_start3A_451 = tpu.memref_slice %arg2[%add3A_445, %squeeze3A_57, %dma_start3A_450] : memref<1024x16x1025xf32, #tpu.memory_space<hbm>> -> memref<1x1x1025xf32, #tpu.memory_space<hbm>>
    %dma_start3A_452 = tpu.memref_squeeze %dma_start3A_451 : memref<1x1x1025xf32, #tpu.memory_space<hbm>> -> memref<1025xf32, #tpu.memory_space<hbm>>
    %dma_start3A_453 = arith.constant 0 : i32
    %dma_start3A_454 = tpu.memref_slice %arg6[%dma_start3A_446, %dma_start3A_453] : memref<32x1025xf32, #tpu.memory_space<vmem>> -> memref<1x1025xf32, #tpu.memory_space<vmem>>
    %dma_start3A_455 = tpu.memref_squeeze %dma_start3A_454 : memref<1x1025xf32, #tpu.memory_space<vmem>> -> memref<1025xf32, #tpu.memory_space<vmem>>
    %dma_start3A_456 = arith.constant 0 : i32
    %dma_start3A_457 = tpu.memref_slice %arg2[%add3A_445, %squeeze3A_57, %dma_start3A_456] : memref<1024x16x1025xf32, #tpu.memory_space<hbm>> -> memref<1x1x1025xf32, #tpu.memory_space<hbm>>
    %dma_start3A_458 = tpu.memref_squeeze %dma_start3A_457 : memref<1x1x1025xf32, #tpu.memory_space<hbm>> -> memref<1025xf32, #tpu.memory_space<hbm>>
    tpu.enqueue_dma source(%dma_start3A_458 : memref<1025xf32, #tpu.memory_space<hbm>>) target(%dma_start3A_455 : memref<1025xf32, #tpu.memory_space<vmem>>) target_semaphore(%arg7 : memref<!tpu.dma_semaphore, #tpu.memory_space<semaphore_mem>>)
    %add3A_459 = arith.constant 26 : i32
    %add3A_460 = arith.addi %mul3A_2, %add3A_459 : i32
    %dma_start3A_461 = arith.constant 26 : i32
    %dma_start3A_462 = arith.constant 0 : i32
    %dma_start3A_463 = tpu.memref_slice %arg6[%dma_start3A_461, %dma_start3A_462] : memref<32x1025xf32, #tpu.memory_space<vmem>> -> memref<1x1025xf32, #tpu.memory_space<vmem>>
    %dma_start3A_464 = tpu.memref_squeeze %dma_start3A_463 : memref<1x1025xf32, #tpu.memory_space<vmem>> -> memref<1025xf32, #tpu.memory_space<vmem>>
    %dma_start3A_465 = arith.constant 0 : i32
    %dma_start3A_466 = tpu.memref_slice %arg2[%add3A_460, %squeeze3A_59, %dma_start3A_465] : memref<1024x16x1025xf32, #tpu.memory_space<hbm>> -> memref<1x1x1025xf32, #tpu.memory_space<hbm>>
    %dma_start3A_467 = tpu.memref_squeeze %dma_start3A_466 : memref<1x1x1025xf32, #tpu.memory_space<hbm>> -> memref<1025xf32, #tpu.memory_space<hbm>>
    %dma_start3A_468 = arith.constant 0 : i32
    %dma_start3A_469 = tpu.memref_slice %arg6[%dma_start3A_461, %dma_start3A_468] : memref<32x1025xf32, #tpu.memory_space<vmem>> -> memref<1x1025xf32, #tpu.memory_space<vmem>>
    %dma_start3A_470 = tpu.memref_squeeze %dma_start3A_469 : memref<1x1025xf32, #tpu.memory_space<vmem>> -> memref<1025xf32, #tpu.memory_space<vmem>>
    %dma_start3A_471 = arith.constant 0 : i32
    %dma_start3A_472 = tpu.memref_slice %arg2[%add3A_460, %squeeze3A_59, %dma_start3A_471] : memref<1024x16x1025xf32, #tpu.memory_space<hbm>> -> memref<1x1x1025xf32, #tpu.memory_space<hbm>>
    %dma_start3A_473 = tpu.memref_squeeze %dma_start3A_472 : memref<1x1x1025xf32, #tpu.memory_space<hbm>> -> memref<1025xf32, #tpu.memory_space<hbm>>
    tpu.enqueue_dma source(%dma_start3A_473 : memref<1025xf32, #tpu.memory_space<hbm>>) target(%dma_start3A_470 : memref<1025xf32, #tpu.memory_space<vmem>>) target_semaphore(%arg7 : memref<!tpu.dma_semaphore, #tpu.memory_space<semaphore_mem>>)
    %add3A_474 = arith.constant 27 : i32
    %add3A_475 = arith.addi %mul3A_2, %add3A_474 : i32
    %dma_start3A_476 = arith.constant 27 : i32
    %dma_start3A_477 = arith.constant 0 : i32
    %dma_start3A_478 = tpu.memref_slice %arg6[%dma_start3A_476, %dma_start3A_477] : memref<32x1025xf32, #tpu.memory_space<vmem>> -> memref<1x1025xf32, #tpu.memory_space<vmem>>
    %dma_start3A_479 = tpu.memref_squeeze %dma_start3A_478 : memref<1x1025xf32, #tpu.memory_space<vmem>> -> memref<1025xf32, #tpu.memory_space<vmem>>
    %dma_start3A_480 = arith.constant 0 : i32
    %dma_start3A_481 = tpu.memref_slice %arg2[%add3A_475, %squeeze3A_61, %dma_start3A_480] : memref<1024x16x1025xf32, #tpu.memory_space<hbm>> -> memref<1x1x1025xf32, #tpu.memory_space<hbm>>
    %dma_start3A_482 = tpu.memref_squeeze %dma_start3A_481 : memref<1x1x1025xf32, #tpu.memory_space<hbm>> -> memref<1025xf32, #tpu.memory_space<hbm>>
    %dma_start3A_483 = arith.constant 0 : i32
    %dma_start3A_484 = tpu.memref_slice %arg6[%dma_start3A_476, %dma_start3A_483] : memref<32x1025xf32, #tpu.memory_space<vmem>> -> memref<1x1025xf32, #tpu.memory_space<vmem>>
    %dma_start3A_485 = tpu.memref_squeeze %dma_start3A_484 : memref<1x1025xf32, #tpu.memory_space<vmem>> -> memref<1025xf32, #tpu.memory_space<vmem>>
    %dma_start3A_486 = arith.constant 0 : i32
    %dma_start3A_487 = tpu.memref_slice %arg2[%add3A_475, %squeeze3A_61, %dma_start3A_486] : memref<1024x16x1025xf32, #tpu.memory_space<hbm>> -> memref<1x1x1025xf32, #tpu.memory_space<hbm>>
    %dma_start3A_488 = tpu.memref_squeeze %dma_start3A_487 : memref<1x1x1025xf32, #tpu.memory_space<hbm>> -> memref<1025xf32, #tpu.memory_space<hbm>>
    tpu.enqueue_dma source(%dma_start3A_488 : memref<1025xf32, #tpu.memory_space<hbm>>) target(%dma_start3A_485 : memref<1025xf32, #tpu.memory_space<vmem>>) target_semaphore(%arg7 : memref<!tpu.dma_semaphore, #tpu.memory_space<semaphore_mem>>)
    %add3A_489 = arith.constant 28 : i32
    %add3A_490 = arith.addi %mul3A_2, %add3A_489 : i32
    %dma_start3A_491 = arith.constant 28 : i32
    %dma_start3A_492 = arith.constant 0 : i32
    %dma_start3A_493 = tpu.memref_slice %arg6[%dma_start3A_491, %dma_start3A_492] : memref<32x1025xf32, #tpu.memory_space<vmem>> -> memref<1x1025xf32, #tpu.memory_space<vmem>>
    %dma_start3A_494 = tpu.memref_squeeze %dma_start3A_493 : memref<1x1025xf32, #tpu.memory_space<vmem>> -> memref<1025xf32, #tpu.memory_space<vmem>>
    %dma_start3A_495 = arith.constant 0 : i32
    %dma_start3A_496 = tpu.memref_slice %arg2[%add3A_490, %squeeze3A_63, %dma_start3A_495] : memref<1024x16x1025xf32, #tpu.memory_space<hbm>> -> memref<1x1x1025xf32, #tpu.memory_space<hbm>>
    %dma_start3A_497 = tpu.memref_squeeze %dma_start3A_496 : memref<1x1x1025xf32, #tpu.memory_space<hbm>> -> memref<1025xf32, #tpu.memory_space<hbm>>
    %dma_start3A_498 = arith.constant 0 : i32
    %dma_start3A_499 = tpu.memref_slice %arg6[%dma_start3A_491, %dma_start3A_498] : memref<32x1025xf32, #tpu.memory_space<vmem>> -> memref<1x1025xf32, #tpu.memory_space<vmem>>
    %dma_start3A_500 = tpu.memref_squeeze %dma_start3A_499 : memref<1x1025xf32, #tpu.memory_space<vmem>> -> memref<1025xf32, #tpu.memory_space<vmem>>
    %dma_start3A_501 = arith.constant 0 : i32
    %dma_start3A_502 = tpu.memref_slice %arg2[%add3A_490, %squeeze3A_63, %dma_start3A_501] : memref<1024x16x1025xf32, #tpu.memory_space<hbm>> -> memref<1x1x1025xf32, #tpu.memory_space<hbm>>
    %dma_start3A_503 = tpu.memref_squeeze %dma_start3A_502 : memref<1x1x1025xf32, #tpu.memory_space<hbm>> -> memref<1025xf32, #tpu.memory_space<hbm>>
    tpu.enqueue_dma source(%dma_start3A_503 : memref<1025xf32, #tpu.memory_space<hbm>>) target(%dma_start3A_500 : memref<1025xf32, #tpu.memory_space<vmem>>) target_semaphore(%arg7 : memref<!tpu.dma_semaphore, #tpu.memory_space<semaphore_mem>>)
    %add3A_504 = arith.constant 29 : i32
    %add3A_505 = arith.addi %mul3A_2, %add3A_504 : i32
    %dma_start3A_506 = arith.constant 29 : i32
    %dma_start3A_507 = arith.constant 0 : i32
    %dma_start3A_508 = tpu.memref_slice %arg6[%dma_start3A_506, %dma_start3A_507] : memref<32x1025xf32, #tpu.memory_space<vmem>> -> memref<1x1025xf32, #tpu.memory_space<vmem>>
    %dma_start3A_509 = tpu.memref_squeeze %dma_start3A_508 : memref<1x1025xf32, #tpu.memory_space<vmem>> -> memref<1025xf32, #tpu.memory_space<vmem>>
    %dma_start3A_510 = arith.constant 0 : i32
    %dma_start3A_511 = tpu.memref_slice %arg2[%add3A_505, %squeeze3A_65, %dma_start3A_510] : memref<1024x16x1025xf32, #tpu.memory_space<hbm>> -> memref<1x1x1025xf32, #tpu.memory_space<hbm>>
    %dma_start3A_512 = tpu.memref_squeeze %dma_start3A_511 : memref<1x1x1025xf32, #tpu.memory_space<hbm>> -> memref<1025xf32, #tpu.memory_space<hbm>>
    %dma_start3A_513 = arith.constant 0 : i32
    %dma_start3A_514 = tpu.memref_slice %arg6[%dma_start3A_506, %dma_start3A_513] : memref<32x1025xf32, #tpu.memory_space<vmem>> -> memref<1x1025xf32, #tpu.memory_space<vmem>>
    %dma_start3A_515 = tpu.memref_squeeze %dma_start3A_514 : memref<1x1025xf32, #tpu.memory_space<vmem>> -> memref<1025xf32, #tpu.memory_space<vmem>>
    %dma_start3A_516 = arith.constant 0 : i32
    %dma_start3A_517 = tpu.memref_slice %arg2[%add3A_505, %squeeze3A_65, %dma_start3A_516] : memref<1024x16x1025xf32, #tpu.memory_space<hbm>> -> memref<1x1x1025xf32, #tpu.memory_space<hbm>>
    %dma_start3A_518 = tpu.memref_squeeze %dma_start3A_517 : memref<1x1x1025xf32, #tpu.memory_space<hbm>> -> memref<1025xf32, #tpu.memory_space<hbm>>
    tpu.enqueue_dma source(%dma_start3A_518 : memref<1025xf32, #tpu.memory_space<hbm>>) target(%dma_start3A_515 : memref<1025xf32, #tpu.memory_space<vmem>>) target_semaphore(%arg7 : memref<!tpu.dma_semaphore, #tpu.memory_space<semaphore_mem>>)
    %add3A_519 = arith.constant 30 : i32
    %add3A_520 = arith.addi %mul3A_2, %add3A_519 : i32
    %dma_start3A_521 = arith.constant 30 : i32
    %dma_start3A_522 = arith.constant 0 : i32
    %dma_start3A_523 = tpu.memref_slice %arg6[%dma_start3A_521, %dma_start3A_522] : memref<32x1025xf32, #tpu.memory_space<vmem>> -> memref<1x1025xf32, #tpu.memory_space<vmem>>
    %dma_start3A_524 = tpu.memref_squeeze %dma_start3A_523 : memref<1x1025xf32, #tpu.memory_space<vmem>> -> memref<1025xf32, #tpu.memory_space<vmem>>
    %dma_start3A_525 = arith.constant 0 : i32
    %dma_start3A_526 = tpu.memref_slice %arg2[%add3A_520, %squeeze3A_67, %dma_start3A_525] : memref<1024x16x1025xf32, #tpu.memory_space<hbm>> -> memref<1x1x1025xf32, #tpu.memory_space<hbm>>
    %dma_start3A_527 = tpu.memref_squeeze %dma_start3A_526 : memref<1x1x1025xf32, #tpu.memory_space<hbm>> -> memref<1025xf32, #tpu.memory_space<hbm>>
    %dma_start3A_528 = arith.constant 0 : i32
    %dma_start3A_529 = tpu.memref_slice %arg6[%dma_start3A_521, %dma_start3A_528] : memref<32x1025xf32, #tpu.memory_space<vmem>> -> memref<1x1025xf32, #tpu.memory_space<vmem>>
    %dma_start3A_530 = tpu.memref_squeeze %dma_start3A_529 : memref<1x1025xf32, #tpu.memory_space<vmem>> -> memref<1025xf32, #tpu.memory_space<vmem>>
    %dma_start3A_531 = arith.constant 0 : i32
    %dma_start3A_532 = tpu.memref_slice %arg2[%add3A_520, %squeeze3A_67, %dma_start3A_531] : memref<1024x16x1025xf32, #tpu.memory_space<hbm>> -> memref<1x1x1025xf32, #tpu.memory_space<hbm>>
    %dma_start3A_533 = tpu.memref_squeeze %dma_start3A_532 : memref<1x1x1025xf32, #tpu.memory_space<hbm>> -> memref<1025xf32, #tpu.memory_space<hbm>>
    tpu.enqueue_dma source(%dma_start3A_533 : memref<1025xf32, #tpu.memory_space<hbm>>) target(%dma_start3A_530 : memref<1025xf32, #tpu.memory_space<vmem>>) target_semaphore(%arg7 : memref<!tpu.dma_semaphore, #tpu.memory_space<semaphore_mem>>)
    %add3A_534 = arith.constant 31 : i32
    %add3A_535 = arith.addi %mul3A_2, %add3A_534 : i32
    %dma_start3A_536 = arith.constant 31 : i32
    %dma_start3A_537 = arith.constant 0 : i32
    %dma_start3A_538 = tpu.memref_slice %arg6[%dma_start3A_536, %dma_start3A_537] : memref<32x1025xf32, #tpu.memory_space<vmem>> -> memref<1x1025xf32, #tpu.memory_space<vmem>>
    %dma_start3A_539 = tpu.memref_squeeze %dma_start3A_538 : memref<1x1025xf32, #tpu.memory_space<vmem>> -> memref<1025xf32, #tpu.memory_space<vmem>>
    %dma_start3A_540 = arith.constant 0 : i32
    %dma_start3A_541 = tpu.memref_slice %arg2[%add3A_535, %squeeze3A_69, %dma_start3A_540] : memref<1024x16x1025xf32, #tpu.memory_space<hbm>> -> memref<1x1x1025xf32, #tpu.memory_space<hbm>>
    %dma_start3A_542 = tpu.memref_squeeze %dma_start3A_541 : memref<1x1x1025xf32, #tpu.memory_space<hbm>> -> memref<1025xf32, #tpu.memory_space<hbm>>
    %dma_start3A_543 = arith.constant 0 : i32
    %dma_start3A_544 = tpu.memref_slice %arg6[%dma_start3A_536, %dma_start3A_543] : memref<32x1025xf32, #tpu.memory_space<vmem>> -> memref<1x1025xf32, #tpu.memory_space<vmem>>
    %dma_start3A_545 = tpu.memref_squeeze %dma_start3A_544 : memref<1x1025xf32, #tpu.memory_space<vmem>> -> memref<1025xf32, #tpu.memory_space<vmem>>
    %dma_start3A_546 = arith.constant 0 : i32
    %dma_start3A_547 = tpu.memref_slice %arg2[%add3A_535, %squeeze3A_69, %dma_start3A_546] : memref<1024x16x1025xf32, #tpu.memory_space<hbm>> -> memref<1x1x1025xf32, #tpu.memory_space<hbm>>
    %dma_start3A_548 = tpu.memref_squeeze %dma_start3A_547 : memref<1x1x1025xf32, #tpu.memory_space<hbm>> -> memref<1025xf32, #tpu.memory_space<hbm>>
    tpu.enqueue_dma source(%dma_start3A_548 : memref<1025xf32, #tpu.memory_space<hbm>>) target(%dma_start3A_545 : memref<1025xf32, #tpu.memory_space<vmem>>) target_semaphore(%arg7 : memref<!tpu.dma_semaphore, #tpu.memory_space<semaphore_mem>>)
    %dma_wait3A = arith.constant 0 : i32
    %dma_wait3A_549 = arith.constant 0 : i32
    %dma_wait3A_550 = tpu.memref_slice %arg6[%dma_wait3A, %dma_wait3A_549] : memref<32x1025xf32, #tpu.memory_space<vmem>> -> memref<1x1025xf32, #tpu.memory_space<vmem>>
    %dma_wait3A_551 = tpu.memref_squeeze %dma_wait3A_550 : memref<1x1025xf32, #tpu.memory_space<vmem>> -> memref<1025xf32, #tpu.memory_space<vmem>>
    %dma_wait3A_552 = arith.constant 0 : i32
    %dma_wait3A_553 = tpu.memref_slice %arg2[%add3A_71, %squeeze3A, %dma_wait3A_552] : memref<1024x16x1025xf32, #tpu.memory_space<hbm>> -> memref<1x1x1025xf32, #tpu.memory_space<hbm>>
    %dma_wait3A_554 = tpu.memref_squeeze %dma_wait3A_553 : memref<1x1x1025xf32, #tpu.memory_space<hbm>> -> memref<1025xf32, #tpu.memory_space<hbm>>
    %dma_wait3A_555 = arith.constant 0 : i32
    %dma_wait3A_556 = tpu.memref_slice %arg6[%dma_wait3A, %dma_wait3A_555] : memref<32x1025xf32, #tpu.memory_space<vmem>> -> memref<1x1025xf32, #tpu.memory_space<vmem>>
    %dma_wait3A_557 = tpu.memref_squeeze %dma_wait3A_556 : memref<1x1025xf32, #tpu.memory_space<vmem>> -> memref<1025xf32, #tpu.memory_space<vmem>>
    %dma_wait3A_558 = arith.constant 0 : i32
    %dma_wait3A_559 = tpu.memref_slice %arg2[%add3A_71, %squeeze3A, %dma_wait3A_558] : memref<1024x16x1025xf32, #tpu.memory_space<hbm>> -> memref<1x1x1025xf32, #tpu.memory_space<hbm>>
    %dma_wait3A_560 = tpu.memref_squeeze %dma_wait3A_559 : memref<1x1x1025xf32, #tpu.memory_space<hbm>> -> memref<1025xf32, #tpu.memory_space<hbm>>
    tpu.wait_dma2 semaphore(%arg7 : memref<!tpu.dma_semaphore, #tpu.memory_space<semaphore_mem>>) src(%dma_wait3A_560 : memref<1025xf32, #tpu.memory_space<hbm>>) dst(%dma_wait3A_557 : memref<1025xf32, #tpu.memory_space<vmem>>)
    %dma_wait3A_561 = arith.constant 1 : i32
    %dma_wait3A_562 = arith.constant 0 : i32
    %dma_wait3A_563 = tpu.memref_slice %arg6[%dma_wait3A_561, %dma_wait3A_562] : memref<32x1025xf32, #tpu.memory_space<vmem>> -> memref<1x1025xf32, #tpu.memory_space<vmem>>
    %dma_wait3A_564 = tpu.memref_squeeze %dma_wait3A_563 : memref<1x1025xf32, #tpu.memory_space<vmem>> -> memref<1025xf32, #tpu.memory_space<vmem>>
    %dma_wait3A_565 = arith.constant 0 : i32
    %dma_wait3A_566 = tpu.memref_slice %arg2[%add3A_85, %squeeze3A_9, %dma_wait3A_565] : memref<1024x16x1025xf32, #tpu.memory_space<hbm>> -> memref<1x1x1025xf32, #tpu.memory_space<hbm>>
    %dma_wait3A_567 = tpu.memref_squeeze %dma_wait3A_566 : memref<1x1x1025xf32, #tpu.memory_space<hbm>> -> memref<1025xf32, #tpu.memory_space<hbm>>
    %dma_wait3A_568 = arith.constant 0 : i32
    %dma_wait3A_569 = tpu.memref_slice %arg6[%dma_wait3A_561, %dma_wait3A_568] : memref<32x1025xf32, #tpu.memory_space<vmem>> -> memref<1x1025xf32, #tpu.memory_space<vmem>>
    %dma_wait3A_570 = tpu.memref_squeeze %dma_wait3A_569 : memref<1x1025xf32, #tpu.memory_space<vmem>> -> memref<1025xf32, #tpu.memory_space<vmem>>
    %dma_wait3A_571 = arith.constant 0 : i32
    %dma_wait3A_572 = tpu.memref_slice %arg2[%add3A_85, %squeeze3A_9, %dma_wait3A_571] : memref<1024x16x1025xf32, #tpu.memory_space<hbm>> -> memref<1x1x1025xf32, #tpu.memory_space<hbm>>
    %dma_wait3A_573 = tpu.memref_squeeze %dma_wait3A_572 : memref<1x1x1025xf32, #tpu.memory_space<hbm>> -> memref<1025xf32, #tpu.memory_space<hbm>>
    tpu.wait_dma2 semaphore(%arg7 : memref<!tpu.dma_semaphore, #tpu.memory_space<semaphore_mem>>) src(%dma_wait3A_573 : memref<1025xf32, #tpu.memory_space<hbm>>) dst(%dma_wait3A_570 : memref<1025xf32, #tpu.memory_space<vmem>>)
    %dma_wait3A_574 = arith.constant 2 : i32
    %dma_wait3A_575 = arith.constant 0 : i32
    %dma_wait3A_576 = tpu.memref_slice %arg6[%dma_wait3A_574, %dma_wait3A_575] : memref<32x1025xf32, #tpu.memory_space<vmem>> -> memref<1x1025xf32, #tpu.memory_space<vmem>>
    %dma_wait3A_577 = tpu.memref_squeeze %dma_wait3A_576 : memref<1x1025xf32, #tpu.memory_space<vmem>> -> memref<1025xf32, #tpu.memory_space<vmem>>
    %dma_wait3A_578 = arith.constant 0 : i32
    %dma_wait3A_579 = tpu.memref_slice %arg2[%add3A_100, %squeeze3A_11, %dma_wait3A_578] : memref<1024x16x1025xf32, #tpu.memory_space<hbm>> -> memref<1x1x1025xf32, #tpu.memory_space<hbm>>
    %dma_wait3A_580 = tpu.memref_squeeze %dma_wait3A_579 : memref<1x1x1025xf32, #tpu.memory_space<hbm>> -> memref<1025xf32, #tpu.memory_space<hbm>>
    %dma_wait3A_581 = arith.constant 0 : i32
    %dma_wait3A_582 = tpu.memref_slice %arg6[%dma_wait3A_574, %dma_wait3A_581] : memref<32x1025xf32, #tpu.memory_space<vmem>> -> memref<1x1025xf32, #tpu.memory_space<vmem>>
    %dma_wait3A_583 = tpu.memref_squeeze %dma_wait3A_582 : memref<1x1025xf32, #tpu.memory_space<vmem>> -> memref<1025xf32, #tpu.memory_space<vmem>>
    %dma_wait3A_584 = arith.constant 0 : i32
    %dma_wait3A_585 = tpu.memref_slice %arg2[%add3A_100, %squeeze3A_11, %dma_wait3A_584] : memref<1024x16x1025xf32, #tpu.memory_space<hbm>> -> memref<1x1x1025xf32, #tpu.memory_space<hbm>>
    %dma_wait3A_586 = tpu.memref_squeeze %dma_wait3A_585 : memref<1x1x1025xf32, #tpu.memory_space<hbm>> -> memref<1025xf32, #tpu.memory_space<hbm>>
    tpu.wait_dma2 semaphore(%arg7 : memref<!tpu.dma_semaphore, #tpu.memory_space<semaphore_mem>>) src(%dma_wait3A_586 : memref<1025xf32, #tpu.memory_space<hbm>>) dst(%dma_wait3A_583 : memref<1025xf32, #tpu.memory_space<vmem>>)
    %dma_wait3A_587 = arith.constant 3 : i32
    %dma_wait3A_588 = arith.constant 0 : i32
    %dma_wait3A_589 = tpu.memref_slice %arg6[%dma_wait3A_587, %dma_wait3A_588] : memref<32x1025xf32, #tpu.memory_space<vmem>> -> memref<1x1025xf32, #tpu.memory_space<vmem>>
    %dma_wait3A_590 = tpu.memref_squeeze %dma_wait3A_589 : memref<1x1025xf32, #tpu.memory_space<vmem>> -> memref<1025xf32, #tpu.memory_space<vmem>>
    %dma_wait3A_591 = arith.constant 0 : i32
    %dma_wait3A_592 = tpu.memref_slice %arg2[%add3A_115, %squeeze3A_13, %dma_wait3A_591] : memref<1024x16x1025xf32, #tpu.memory_space<hbm>> -> memref<1x1x1025xf32, #tpu.memory_space<hbm>>
    %dma_wait3A_593 = tpu.memref_squeeze %dma_wait3A_592 : memref<1x1x1025xf32, #tpu.memory_space<hbm>> -> memref<1025xf32, #tpu.memory_space<hbm>>
    %dma_wait3A_594 = arith.constant 0 : i32
    %dma_wait3A_595 = tpu.memref_slice %arg6[%dma_wait3A_587, %dma_wait3A_594] : memref<32x1025xf32, #tpu.memory_space<vmem>> -> memref<1x1025xf32, #tpu.memory_space<vmem>>
    %dma_wait3A_596 = tpu.memref_squeeze %dma_wait3A_595 : memref<1x1025xf32, #tpu.memory_space<vmem>> -> memref<1025xf32, #tpu.memory_space<vmem>>
    %dma_wait3A_597 = arith.constant 0 : i32
    %dma_wait3A_598 = tpu.memref_slice %arg2[%add3A_115, %squeeze3A_13, %dma_wait3A_597] : memref<1024x16x1025xf32, #tpu.memory_space<hbm>> -> memref<1x1x1025xf32, #tpu.memory_space<hbm>>
    %dma_wait3A_599 = tpu.memref_squeeze %dma_wait3A_598 : memref<1x1x1025xf32, #tpu.memory_space<hbm>> -> memref<1025xf32, #tpu.memory_space<hbm>>
    tpu.wait_dma2 semaphore(%arg7 : memref<!tpu.dma_semaphore, #tpu.memory_space<semaphore_mem>>) src(%dma_wait3A_599 : memref<1025xf32, #tpu.memory_space<hbm>>) dst(%dma_wait3A_596 : memref<1025xf32, #tpu.memory_space<vmem>>)
    %dma_wait3A_600 = arith.constant 4 : i32
    %dma_wait3A_601 = arith.constant 0 : i32
    %dma_wait3A_602 = tpu.memref_slice %arg6[%dma_wait3A_600, %dma_wait3A_601] : memref<32x1025xf32, #tpu.memory_space<vmem>> -> memref<1x1025xf32, #tpu.memory_space<vmem>>
    %dma_wait3A_603 = tpu.memref_squeeze %dma_wait3A_602 : memref<1x1025xf32, #tpu.memory_space<vmem>> -> memref<1025xf32, #tpu.memory_space<vmem>>
    %dma_wait3A_604 = arith.constant 0 : i32
    %dma_wait3A_605 = tpu.memref_slice %arg2[%add3A_130, %squeeze3A_15, %dma_wait3A_604] : memref<1024x16x1025xf32, #tpu.memory_space<hbm>> -> memref<1x1x1025xf32, #tpu.memory_space<hbm>>
    %dma_wait3A_606 = tpu.memref_squeeze %dma_wait3A_605 : memref<1x1x1025xf32, #tpu.memory_space<hbm>> -> memref<1025xf32, #tpu.memory_space<hbm>>
    %dma_wait3A_607 = arith.constant 0 : i32
    %dma_wait3A_608 = tpu.memref_slice %arg6[%dma_wait3A_600, %dma_wait3A_607] : memref<32x1025xf32, #tpu.memory_space<vmem>> -> memref<1x1025xf32, #tpu.memory_space<vmem>>
    %dma_wait3A_609 = tpu.memref_squeeze %dma_wait3A_608 : memref<1x1025xf32, #tpu.memory_space<vmem>> -> memref<1025xf32, #tpu.memory_space<vmem>>
    %dma_wait3A_610 = arith.constant 0 : i32
    %dma_wait3A_611 = tpu.memref_slice %arg2[%add3A_130, %squeeze3A_15, %dma_wait3A_610] : memref<1024x16x1025xf32, #tpu.memory_space<hbm>> -> memref<1x1x1025xf32, #tpu.memory_space<hbm>>
    %dma_wait3A_612 = tpu.memref_squeeze %dma_wait3A_611 : memref<1x1x1025xf32, #tpu.memory_space<hbm>> -> memref<1025xf32, #tpu.memory_space<hbm>>
    tpu.wait_dma2 semaphore(%arg7 : memref<!tpu.dma_semaphore, #tpu.memory_space<semaphore_mem>>) src(%dma_wait3A_612 : memref<1025xf32, #tpu.memory_space<hbm>>) dst(%dma_wait3A_609 : memref<1025xf32, #tpu.memory_space<vmem>>)
    %dma_wait3A_613 = arith.constant 5 : i32
    %dma_wait3A_614 = arith.constant 0 : i32
    %dma_wait3A_615 = tpu.memref_slice %arg6[%dma_wait3A_613, %dma_wait3A_614] : memref<32x1025xf32, #tpu.memory_space<vmem>> -> memref<1x1025xf32, #tpu.memory_space<vmem>>
    %dma_wait3A_616 = tpu.memref_squeeze %dma_wait3A_615 : memref<1x1025xf32, #tpu.memory_space<vmem>> -> memref<1025xf32, #tpu.memory_space<vmem>>
    %dma_wait3A_617 = arith.constant 0 : i32
    %dma_wait3A_618 = tpu.memref_slice %arg2[%add3A_145, %squeeze3A_17, %dma_wait3A_617] : memref<1024x16x1025xf32, #tpu.memory_space<hbm>> -> memref<1x1x1025xf32, #tpu.memory_space<hbm>>
    %dma_wait3A_619 = tpu.memref_squeeze %dma_wait3A_618 : memref<1x1x1025xf32, #tpu.memory_space<hbm>> -> memref<1025xf32, #tpu.memory_space<hbm>>
    %dma_wait3A_620 = arith.constant 0 : i32
    %dma_wait3A_621 = tpu.memref_slice %arg6[%dma_wait3A_613, %dma_wait3A_620] : memref<32x1025xf32, #tpu.memory_space<vmem>> -> memref<1x1025xf32, #tpu.memory_space<vmem>>
    %dma_wait3A_622 = tpu.memref_squeeze %dma_wait3A_621 : memref<1x1025xf32, #tpu.memory_space<vmem>> -> memref<1025xf32, #tpu.memory_space<vmem>>
    %dma_wait3A_623 = arith.constant 0 : i32
    %dma_wait3A_624 = tpu.memref_slice %arg2[%add3A_145, %squeeze3A_17, %dma_wait3A_623] : memref<1024x16x1025xf32, #tpu.memory_space<hbm>> -> memref<1x1x1025xf32, #tpu.memory_space<hbm>>
    %dma_wait3A_625 = tpu.memref_squeeze %dma_wait3A_624 : memref<1x1x1025xf32, #tpu.memory_space<hbm>> -> memref<1025xf32, #tpu.memory_space<hbm>>
    tpu.wait_dma2 semaphore(%arg7 : memref<!tpu.dma_semaphore, #tpu.memory_space<semaphore_mem>>) src(%dma_wait3A_625 : memref<1025xf32, #tpu.memory_space<hbm>>) dst(%dma_wait3A_622 : memref<1025xf32, #tpu.memory_space<vmem>>)
    %dma_wait3A_626 = arith.constant 6 : i32
    %dma_wait3A_627 = arith.constant 0 : i32
    %dma_wait3A_628 = tpu.memref_slice %arg6[%dma_wait3A_626, %dma_wait3A_627] : memref<32x1025xf32, #tpu.memory_space<vmem>> -> memref<1x1025xf32, #tpu.memory_space<vmem>>
    %dma_wait3A_629 = tpu.memref_squeeze %dma_wait3A_628 : memref<1x1025xf32, #tpu.memory_space<vmem>> -> memref<1025xf32, #tpu.memory_space<vmem>>
    %dma_wait3A_630 = arith.constant 0 : i32
    %dma_wait3A_631 = tpu.memref_slice %arg2[%add3A_160, %squeeze3A_19, %dma_wait3A_630] : memref<1024x16x1025xf32, #tpu.memory_space<hbm>> -> memref<1x1x1025xf32, #tpu.memory_space<hbm>>
    %dma_wait3A_632 = tpu.memref_squeeze %dma_wait3A_631 : memref<1x1x1025xf32, #tpu.memory_space<hbm>> -> memref<1025xf32, #tpu.memory_space<hbm>>
    %dma_wait3A_633 = arith.constant 0 : i32
    %dma_wait3A_634 = tpu.memref_slice %arg6[%dma_wait3A_626, %dma_wait3A_633] : memref<32x1025xf32, #tpu.memory_space<vmem>> -> memref<1x1025xf32, #tpu.memory_space<vmem>>
    %dma_wait3A_635 = tpu.memref_squeeze %dma_wait3A_634 : memref<1x1025xf32, #tpu.memory_space<vmem>> -> memref<1025xf32, #tpu.memory_space<vmem>>
    %dma_wait3A_636 = arith.constant 0 : i32
    %dma_wait3A_637 = tpu.memref_slice %arg2[%add3A_160, %squeeze3A_19, %dma_wait3A_636] : memref<1024x16x1025xf32, #tpu.memory_space<hbm>> -> memref<1x1x1025xf32, #tpu.memory_space<hbm>>
    %dma_wait3A_638 = tpu.memref_squeeze %dma_wait3A_637 : memref<1x1x1025xf32, #tpu.memory_space<hbm>> -> memref<1025xf32, #tpu.memory_space<hbm>>
    tpu.wait_dma2 semaphore(%arg7 : memref<!tpu.dma_semaphore, #tpu.memory_space<semaphore_mem>>) src(%dma_wait3A_638 : memref<1025xf32, #tpu.memory_space<hbm>>) dst(%dma_wait3A_635 : memref<1025xf32, #tpu.memory_space<vmem>>)
    %dma_wait3A_639 = arith.constant 7 : i32
    %dma_wait3A_640 = arith.constant 0 : i32
    %dma_wait3A_641 = tpu.memref_slice %arg6[%dma_wait3A_639, %dma_wait3A_640] : memref<32x1025xf32, #tpu.memory_space<vmem>> -> memref<1x1025xf32, #tpu.memory_space<vmem>>
    %dma_wait3A_642 = tpu.memref_squeeze %dma_wait3A_641 : memref<1x1025xf32, #tpu.memory_space<vmem>> -> memref<1025xf32, #tpu.memory_space<vmem>>
    %dma_wait3A_643 = arith.constant 0 : i32
    %dma_wait3A_644 = tpu.memref_slice %arg2[%add3A_175, %squeeze3A_21, %dma_wait3A_643] : memref<1024x16x1025xf32, #tpu.memory_space<hbm>> -> memref<1x1x1025xf32, #tpu.memory_space<hbm>>
    %dma_wait3A_645 = tpu.memref_squeeze %dma_wait3A_644 : memref<1x1x1025xf32, #tpu.memory_space<hbm>> -> memref<1025xf32, #tpu.memory_space<hbm>>
    %dma_wait3A_646 = arith.constant 0 : i32
    %dma_wait3A_647 = tpu.memref_slice %arg6[%dma_wait3A_639, %dma_wait3A_646] : memref<32x1025xf32, #tpu.memory_space<vmem>> -> memref<1x1025xf32, #tpu.memory_space<vmem>>
    %dma_wait3A_648 = tpu.memref_squeeze %dma_wait3A_647 : memref<1x1025xf32, #tpu.memory_space<vmem>> -> memref<1025xf32, #tpu.memory_space<vmem>>
    %dma_wait3A_649 = arith.constant 0 : i32
    %dma_wait3A_650 = tpu.memref_slice %arg2[%add3A_175, %squeeze3A_21, %dma_wait3A_649] : memref<1024x16x1025xf32, #tpu.memory_space<hbm>> -> memref<1x1x1025xf32, #tpu.memory_space<hbm>>
    %dma_wait3A_651 = tpu.memref_squeeze %dma_wait3A_650 : memref<1x1x1025xf32, #tpu.memory_space<hbm>> -> memref<1025xf32, #tpu.memory_space<hbm>>
    tpu.wait_dma2 semaphore(%arg7 : memref<!tpu.dma_semaphore, #tpu.memory_space<semaphore_mem>>) src(%dma_wait3A_651 : memref<1025xf32, #tpu.memory_space<hbm>>) dst(%dma_wait3A_648 : memref<1025xf32, #tpu.memory_space<vmem>>)
    %dma_wait3A_652 = arith.constant 8 : i32
    %dma_wait3A_653 = arith.constant 0 : i32
    %dma_wait3A_654 = tpu.memref_slice %arg6[%dma_wait3A_652, %dma_wait3A_653] : memref<32x1025xf32, #tpu.memory_space<vmem>> -> memref<1x1025xf32, #tpu.memory_space<vmem>>
    %dma_wait3A_655 = tpu.memref_squeeze %dma_wait3A_654 : memref<1x1025xf32, #tpu.memory_space<vmem>> -> memref<1025xf32, #tpu.memory_space<vmem>>
    %dma_wait3A_656 = arith.constant 0 : i32
    %dma_wait3A_657 = tpu.memref_slice %arg2[%add3A_190, %squeeze3A_23, %dma_wait3A_656] : memref<1024x16x1025xf32, #tpu.memory_space<hbm>> -> memref<1x1x1025xf32, #tpu.memory_space<hbm>>
    %dma_wait3A_658 = tpu.memref_squeeze %dma_wait3A_657 : memref<1x1x1025xf32, #tpu.memory_space<hbm>> -> memref<1025xf32, #tpu.memory_space<hbm>>
    %dma_wait3A_659 = arith.constant 0 : i32
    %dma_wait3A_660 = tpu.memref_slice %arg6[%dma_wait3A_652, %dma_wait3A_659] : memref<32x1025xf32, #tpu.memory_space<vmem>> -> memref<1x1025xf32, #tpu.memory_space<vmem>>
    %dma_wait3A_661 = tpu.memref_squeeze %dma_wait3A_660 : memref<1x1025xf32, #tpu.memory_space<vmem>> -> memref<1025xf32, #tpu.memory_space<vmem>>
    %dma_wait3A_662 = arith.constant 0 : i32
    %dma_wait3A_663 = tpu.memref_slice %arg2[%add3A_190, %squeeze3A_23, %dma_wait3A_662] : memref<1024x16x1025xf32, #tpu.memory_space<hbm>> -> memref<1x1x1025xf32, #tpu.memory_space<hbm>>
    %dma_wait3A_664 = tpu.memref_squeeze %dma_wait3A_663 : memref<1x1x1025xf32, #tpu.memory_space<hbm>> -> memref<1025xf32, #tpu.memory_space<hbm>>
    tpu.wait_dma2 semaphore(%arg7 : memref<!tpu.dma_semaphore, #tpu.memory_space<semaphore_mem>>) src(%dma_wait3A_664 : memref<1025xf32, #tpu.memory_space<hbm>>) dst(%dma_wait3A_661 : memref<1025xf32, #tpu.memory_space<vmem>>)
    %dma_wait3A_665 = arith.constant 9 : i32
    %dma_wait3A_666 = arith.constant 0 : i32
    %dma_wait3A_667 = tpu.memref_slice %arg6[%dma_wait3A_665, %dma_wait3A_666] : memref<32x1025xf32, #tpu.memory_space<vmem>> -> memref<1x1025xf32, #tpu.memory_space<vmem>>
    %dma_wait3A_668 = tpu.memref_squeeze %dma_wait3A_667 : memref<1x1025xf32, #tpu.memory_space<vmem>> -> memref<1025xf32, #tpu.memory_space<vmem>>
    %dma_wait3A_669 = arith.constant 0 : i32
    %dma_wait3A_670 = tpu.memref_slice %arg2[%add3A_205, %squeeze3A_25, %dma_wait3A_669] : memref<1024x16x1025xf32, #tpu.memory_space<hbm>> -> memref<1x1x1025xf32, #tpu.memory_space<hbm>>
    %dma_wait3A_671 = tpu.memref_squeeze %dma_wait3A_670 : memref<1x1x1025xf32, #tpu.memory_space<hbm>> -> memref<1025xf32, #tpu.memory_space<hbm>>
    %dma_wait3A_672 = arith.constant 0 : i32
    %dma_wait3A_673 = tpu.memref_slice %arg6[%dma_wait3A_665, %dma_wait3A_672] : memref<32x1025xf32, #tpu.memory_space<vmem>> -> memref<1x1025xf32, #tpu.memory_space<vmem>>
    %dma_wait3A_674 = tpu.memref_squeeze %dma_wait3A_673 : memref<1x1025xf32, #tpu.memory_space<vmem>> -> memref<1025xf32, #tpu.memory_space<vmem>>
    %dma_wait3A_675 = arith.constant 0 : i32
    %dma_wait3A_676 = tpu.memref_slice %arg2[%add3A_205, %squeeze3A_25, %dma_wait3A_675] : memref<1024x16x1025xf32, #tpu.memory_space<hbm>> -> memref<1x1x1025xf32, #tpu.memory_space<hbm>>
    %dma_wait3A_677 = tpu.memref_squeeze %dma_wait3A_676 : memref<1x1x1025xf32, #tpu.memory_space<hbm>> -> memref<1025xf32, #tpu.memory_space<hbm>>
    tpu.wait_dma2 semaphore(%arg7 : memref<!tpu.dma_semaphore, #tpu.memory_space<semaphore_mem>>) src(%dma_wait3A_677 : memref<1025xf32, #tpu.memory_space<hbm>>) dst(%dma_wait3A_674 : memref<1025xf32, #tpu.memory_space<vmem>>)
    %dma_wait3A_678 = arith.constant 10 : i32
    %dma_wait3A_679 = arith.constant 0 : i32
    %dma_wait3A_680 = tpu.memref_slice %arg6[%dma_wait3A_678, %dma_wait3A_679] : memref<32x1025xf32, #tpu.memory_space<vmem>> -> memref<1x1025xf32, #tpu.memory_space<vmem>>
    %dma_wait3A_681 = tpu.memref_squeeze %dma_wait3A_680 : memref<1x1025xf32, #tpu.memory_space<vmem>> -> memref<1025xf32, #tpu.memory_space<vmem>>
    %dma_wait3A_682 = arith.constant 0 : i32
    %dma_wait3A_683 = tpu.memref_slice %arg2[%add3A_220, %squeeze3A_27, %dma_wait3A_682] : memref<1024x16x1025xf32, #tpu.memory_space<hbm>> -> memref<1x1x1025xf32, #tpu.memory_space<hbm>>
    %dma_wait3A_684 = tpu.memref_squeeze %dma_wait3A_683 : memref<1x1x1025xf32, #tpu.memory_space<hbm>> -> memref<1025xf32, #tpu.memory_space<hbm>>
    %dma_wait3A_685 = arith.constant 0 : i32
    %dma_wait3A_686 = tpu.memref_slice %arg6[%dma_wait3A_678, %dma_wait3A_685] : memref<32x1025xf32, #tpu.memory_space<vmem>> -> memref<1x1025xf32, #tpu.memory_space<vmem>>
    %dma_wait3A_687 = tpu.memref_squeeze %dma_wait3A_686 : memref<1x1025xf32, #tpu.memory_space<vmem>> -> memref<1025xf32, #tpu.memory_space<vmem>>
    %dma_wait3A_688 = arith.constant 0 : i32
    %dma_wait3A_689 = tpu.memref_slice %arg2[%add3A_220, %squeeze3A_27, %dma_wait3A_688] : memref<1024x16x1025xf32, #tpu.memory_space<hbm>> -> memref<1x1x1025xf32, #tpu.memory_space<hbm>>
    %dma_wait3A_690 = tpu.memref_squeeze %dma_wait3A_689 : memref<1x1x1025xf32, #tpu.memory_space<hbm>> -> memref<1025xf32, #tpu.memory_space<hbm>>
    tpu.wait_dma2 semaphore(%arg7 : memref<!tpu.dma_semaphore, #tpu.memory_space<semaphore_mem>>) src(%dma_wait3A_690 : memref<1025xf32, #tpu.memory_space<hbm>>) dst(%dma_wait3A_687 : memref<1025xf32, #tpu.memory_space<vmem>>)
    %dma_wait3A_691 = arith.constant 11 : i32
    %dma_wait3A_692 = arith.constant 0 : i32
    %dma_wait3A_693 = tpu.memref_slice %arg6[%dma_wait3A_691, %dma_wait3A_692] : memref<32x1025xf32, #tpu.memory_space<vmem>> -> memref<1x1025xf32, #tpu.memory_space<vmem>>
    %dma_wait3A_694 = tpu.memref_squeeze %dma_wait3A_693 : memref<1x1025xf32, #tpu.memory_space<vmem>> -> memref<1025xf32, #tpu.memory_space<vmem>>
    %dma_wait3A_695 = arith.constant 0 : i32
    %dma_wait3A_696 = tpu.memref_slice %arg2[%add3A_235, %squeeze3A_29, %dma_wait3A_695] : memref<1024x16x1025xf32, #tpu.memory_space<hbm>> -> memref<1x1x1025xf32, #tpu.memory_space<hbm>>
    %dma_wait3A_697 = tpu.memref_squeeze %dma_wait3A_696 : memref<1x1x1025xf32, #tpu.memory_space<hbm>> -> memref<1025xf32, #tpu.memory_space<hbm>>
    %dma_wait3A_698 = arith.constant 0 : i32
    %dma_wait3A_699 = tpu.memref_slice %arg6[%dma_wait3A_691, %dma_wait3A_698] : memref<32x1025xf32, #tpu.memory_space<vmem>> -> memref<1x1025xf32, #tpu.memory_space<vmem>>
    %dma_wait3A_700 = tpu.memref_squeeze %dma_wait3A_699 : memref<1x1025xf32, #tpu.memory_space<vmem>> -> memref<1025xf32, #tpu.memory_space<vmem>>
    %dma_wait3A_701 = arith.constant 0 : i32
    %dma_wait3A_702 = tpu.memref_slice %arg2[%add3A_235, %squeeze3A_29, %dma_wait3A_701] : memref<1024x16x1025xf32, #tpu.memory_space<hbm>> -> memref<1x1x1025xf32, #tpu.memory_space<hbm>>
    %dma_wait3A_703 = tpu.memref_squeeze %dma_wait3A_702 : memref<1x1x1025xf32, #tpu.memory_space<hbm>> -> memref<1025xf32, #tpu.memory_space<hbm>>
    tpu.wait_dma2 semaphore(%arg7 : memref<!tpu.dma_semaphore, #tpu.memory_space<semaphore_mem>>) src(%dma_wait3A_703 : memref<1025xf32, #tpu.memory_space<hbm>>) dst(%dma_wait3A_700 : memref<1025xf32, #tpu.memory_space<vmem>>)
    %dma_wait3A_704 = arith.constant 12 : i32
    %dma_wait3A_705 = arith.constant 0 : i32
    %dma_wait3A_706 = tpu.memref_slice %arg6[%dma_wait3A_704, %dma_wait3A_705] : memref<32x1025xf32, #tpu.memory_space<vmem>> -> memref<1x1025xf32, #tpu.memory_space<vmem>>
    %dma_wait3A_707 = tpu.memref_squeeze %dma_wait3A_706 : memref<1x1025xf32, #tpu.memory_space<vmem>> -> memref<1025xf32, #tpu.memory_space<vmem>>
    %dma_wait3A_708 = arith.constant 0 : i32
    %dma_wait3A_709 = tpu.memref_slice %arg2[%add3A_250, %squeeze3A_31, %dma_wait3A_708] : memref<1024x16x1025xf32, #tpu.memory_space<hbm>> -> memref<1x1x1025xf32, #tpu.memory_space<hbm>>
    %dma_wait3A_710 = tpu.memref_squeeze %dma_wait3A_709 : memref<1x1x1025xf32, #tpu.memory_space<hbm>> -> memref<1025xf32, #tpu.memory_space<hbm>>
    %dma_wait3A_711 = arith.constant 0 : i32
    %dma_wait3A_712 = tpu.memref_slice %arg6[%dma_wait3A_704, %dma_wait3A_711] : memref<32x1025xf32, #tpu.memory_space<vmem>> -> memref<1x1025xf32, #tpu.memory_space<vmem>>
    %dma_wait3A_713 = tpu.memref_squeeze %dma_wait3A_712 : memref<1x1025xf32, #tpu.memory_space<vmem>> -> memref<1025xf32, #tpu.memory_space<vmem>>
    %dma_wait3A_714 = arith.constant 0 : i32
    %dma_wait3A_715 = tpu.memref_slice %arg2[%add3A_250, %squeeze3A_31, %dma_wait3A_714] : memref<1024x16x1025xf32, #tpu.memory_space<hbm>> -> memref<1x1x1025xf32, #tpu.memory_space<hbm>>
    %dma_wait3A_716 = tpu.memref_squeeze %dma_wait3A_715 : memref<1x1x1025xf32, #tpu.memory_space<hbm>> -> memref<1025xf32, #tpu.memory_space<hbm>>
    tpu.wait_dma2 semaphore(%arg7 : memref<!tpu.dma_semaphore, #tpu.memory_space<semaphore_mem>>) src(%dma_wait3A_716 : memref<1025xf32, #tpu.memory_space<hbm>>) dst(%dma_wait3A_713 : memref<1025xf32, #tpu.memory_space<vmem>>)
    %dma_wait3A_717 = arith.constant 13 : i32
    %dma_wait3A_718 = arith.constant 0 : i32
    %dma_wait3A_719 = tpu.memref_slice %arg6[%dma_wait3A_717, %dma_wait3A_718] : memref<32x1025xf32, #tpu.memory_space<vmem>> -> memref<1x1025xf32, #tpu.memory_space<vmem>>
    %dma_wait3A_720 = tpu.memref_squeeze %dma_wait3A_719 : memref<1x1025xf32, #tpu.memory_space<vmem>> -> memref<1025xf32, #tpu.memory_space<vmem>>
    %dma_wait3A_721 = arith.constant 0 : i32
    %dma_wait3A_722 = tpu.memref_slice %arg2[%add3A_265, %squeeze3A_33, %dma_wait3A_721] : memref<1024x16x1025xf32, #tpu.memory_space<hbm>> -> memref<1x1x1025xf32, #tpu.memory_space<hbm>>
    %dma_wait3A_723 = tpu.memref_squeeze %dma_wait3A_722 : memref<1x1x1025xf32, #tpu.memory_space<hbm>> -> memref<1025xf32, #tpu.memory_space<hbm>>
    %dma_wait3A_724 = arith.constant 0 : i32
    %dma_wait3A_725 = tpu.memref_slice %arg6[%dma_wait3A_717, %dma_wait3A_724] : memref<32x1025xf32, #tpu.memory_space<vmem>> -> memref<1x1025xf32, #tpu.memory_space<vmem>>
    %dma_wait3A_726 = tpu.memref_squeeze %dma_wait3A_725 : memref<1x1025xf32, #tpu.memory_space<vmem>> -> memref<1025xf32, #tpu.memory_space<vmem>>
    %dma_wait3A_727 = arith.constant 0 : i32
    %dma_wait3A_728 = tpu.memref_slice %arg2[%add3A_265, %squeeze3A_33, %dma_wait3A_727] : memref<1024x16x1025xf32, #tpu.memory_space<hbm>> -> memref<1x1x1025xf32, #tpu.memory_space<hbm>>
    %dma_wait3A_729 = tpu.memref_squeeze %dma_wait3A_728 : memref<1x1x1025xf32, #tpu.memory_space<hbm>> -> memref<1025xf32, #tpu.memory_space<hbm>>
    tpu.wait_dma2 semaphore(%arg7 : memref<!tpu.dma_semaphore, #tpu.memory_space<semaphore_mem>>) src(%dma_wait3A_729 : memref<1025xf32, #tpu.memory_space<hbm>>) dst(%dma_wait3A_726 : memref<1025xf32, #tpu.memory_space<vmem>>)
    %dma_wait3A_730 = arith.constant 14 : i32
    %dma_wait3A_731 = arith.constant 0 : i32
    %dma_wait3A_732 = tpu.memref_slice %arg6[%dma_wait3A_730, %dma_wait3A_731] : memref<32x1025xf32, #tpu.memory_space<vmem>> -> memref<1x1025xf32, #tpu.memory_space<vmem>>
    %dma_wait3A_733 = tpu.memref_squeeze %dma_wait3A_732 : memref<1x1025xf32, #tpu.memory_space<vmem>> -> memref<1025xf32, #tpu.memory_space<vmem>>
    %dma_wait3A_734 = arith.constant 0 : i32
    %dma_wait3A_735 = tpu.memref_slice %arg2[%add3A_280, %squeeze3A_35, %dma_wait3A_734] : memref<1024x16x1025xf32, #tpu.memory_space<hbm>> -> memref<1x1x1025xf32, #tpu.memory_space<hbm>>
    %dma_wait3A_736 = tpu.memref_squeeze %dma_wait3A_735 : memref<1x1x1025xf32, #tpu.memory_space<hbm>> -> memref<1025xf32, #tpu.memory_space<hbm>>
    %dma_wait3A_737 = arith.constant 0 : i32
    %dma_wait3A_738 = tpu.memref_slice %arg6[%dma_wait3A_730, %dma_wait3A_737] : memref<32x1025xf32, #tpu.memory_space<vmem>> -> memref<1x1025xf32, #tpu.memory_space<vmem>>
    %dma_wait3A_739 = tpu.memref_squeeze %dma_wait3A_738 : memref<1x1025xf32, #tpu.memory_space<vmem>> -> memref<1025xf32, #tpu.memory_space<vmem>>
    %dma_wait3A_740 = arith.constant 0 : i32
    %dma_wait3A_741 = tpu.memref_slice %arg2[%add3A_280, %squeeze3A_35, %dma_wait3A_740] : memref<1024x16x1025xf32, #tpu.memory_space<hbm>> -> memref<1x1x1025xf32, #tpu.memory_space<hbm>>
    %dma_wait3A_742 = tpu.memref_squeeze %dma_wait3A_741 : memref<1x1x1025xf32, #tpu.memory_space<hbm>> -> memref<1025xf32, #tpu.memory_space<hbm>>
    tpu.wait_dma2 semaphore(%arg7 : memref<!tpu.dma_semaphore, #tpu.memory_space<semaphore_mem>>) src(%dma_wait3A_742 : memref<1025xf32, #tpu.memory_space<hbm>>) dst(%dma_wait3A_739 : memref<1025xf32, #tpu.memory_space<vmem>>)
    %dma_wait3A_743 = arith.constant 15 : i32
    %dma_wait3A_744 = arith.constant 0 : i32
    %dma_wait3A_745 = tpu.memref_slice %arg6[%dma_wait3A_743, %dma_wait3A_744] : memref<32x1025xf32, #tpu.memory_space<vmem>> -> memref<1x1025xf32, #tpu.memory_space<vmem>>
    %dma_wait3A_746 = tpu.memref_squeeze %dma_wait3A_745 : memref<1x1025xf32, #tpu.memory_space<vmem>> -> memref<1025xf32, #tpu.memory_space<vmem>>
    %dma_wait3A_747 = arith.constant 0 : i32
    %dma_wait3A_748 = tpu.memref_slice %arg2[%add3A_295, %squeeze3A_37, %dma_wait3A_747] : memref<1024x16x1025xf32, #tpu.memory_space<hbm>> -> memref<1x1x1025xf32, #tpu.memory_space<hbm>>
    %dma_wait3A_749 = tpu.memref_squeeze %dma_wait3A_748 : memref<1x1x1025xf32, #tpu.memory_space<hbm>> -> memref<1025xf32, #tpu.memory_space<hbm>>
    %dma_wait3A_750 = arith.constant 0 : i32
    %dma_wait3A_751 = tpu.memref_slice %arg6[%dma_wait3A_743, %dma_wait3A_750] : memref<32x1025xf32, #tpu.memory_space<vmem>> -> memref<1x1025xf32, #tpu.memory_space<vmem>>
    %dma_wait3A_752 = tpu.memref_squeeze %dma_wait3A_751 : memref<1x1025xf32, #tpu.memory_space<vmem>> -> memref<1025xf32, #tpu.memory_space<vmem>>
    %dma_wait3A_753 = arith.constant 0 : i32
    %dma_wait3A_754 = tpu.memref_slice %arg2[%add3A_295, %squeeze3A_37, %dma_wait3A_753] : memref<1024x16x1025xf32, #tpu.memory_space<hbm>> -> memref<1x1x1025xf32, #tpu.memory_space<hbm>>
    %dma_wait3A_755 = tpu.memref_squeeze %dma_wait3A_754 : memref<1x1x1025xf32, #tpu.memory_space<hbm>> -> memref<1025xf32, #tpu.memory_space<hbm>>
    tpu.wait_dma2 semaphore(%arg7 : memref<!tpu.dma_semaphore, #tpu.memory_space<semaphore_mem>>) src(%dma_wait3A_755 : memref<1025xf32, #tpu.memory_space<hbm>>) dst(%dma_wait3A_752 : memref<1025xf32, #tpu.memory_space<vmem>>)
    %dma_wait3A_756 = arith.constant 16 : i32
    %dma_wait3A_757 = arith.constant 0 : i32
    %dma_wait3A_758 = tpu.memref_slice %arg6[%dma_wait3A_756, %dma_wait3A_757] : memref<32x1025xf32, #tpu.memory_space<vmem>> -> memref<1x1025xf32, #tpu.memory_space<vmem>>
    %dma_wait3A_759 = tpu.memref_squeeze %dma_wait3A_758 : memref<1x1025xf32, #tpu.memory_space<vmem>> -> memref<1025xf32, #tpu.memory_space<vmem>>
    %dma_wait3A_760 = arith.constant 0 : i32
    %dma_wait3A_761 = tpu.memref_slice %arg2[%add3A_310, %squeeze3A_39, %dma_wait3A_760] : memref<1024x16x1025xf32, #tpu.memory_space<hbm>> -> memref<1x1x1025xf32, #tpu.memory_space<hbm>>
    %dma_wait3A_762 = tpu.memref_squeeze %dma_wait3A_761 : memref<1x1x1025xf32, #tpu.memory_space<hbm>> -> memref<1025xf32, #tpu.memory_space<hbm>>
    %dma_wait3A_763 = arith.constant 0 : i32
    %dma_wait3A_764 = tpu.memref_slice %arg6[%dma_wait3A_756, %dma_wait3A_763] : memref<32x1025xf32, #tpu.memory_space<vmem>> -> memref<1x1025xf32, #tpu.memory_space<vmem>>
    %dma_wait3A_765 = tpu.memref_squeeze %dma_wait3A_764 : memref<1x1025xf32, #tpu.memory_space<vmem>> -> memref<1025xf32, #tpu.memory_space<vmem>>
    %dma_wait3A_766 = arith.constant 0 : i32
    %dma_wait3A_767 = tpu.memref_slice %arg2[%add3A_310, %squeeze3A_39, %dma_wait3A_766] : memref<1024x16x1025xf32, #tpu.memory_space<hbm>> -> memref<1x1x1025xf32, #tpu.memory_space<hbm>>
    %dma_wait3A_768 = tpu.memref_squeeze %dma_wait3A_767 : memref<1x1x1025xf32, #tpu.memory_space<hbm>> -> memref<1025xf32, #tpu.memory_space<hbm>>
    tpu.wait_dma2 semaphore(%arg7 : memref<!tpu.dma_semaphore, #tpu.memory_space<semaphore_mem>>) src(%dma_wait3A_768 : memref<1025xf32, #tpu.memory_space<hbm>>) dst(%dma_wait3A_765 : memref<1025xf32, #tpu.memory_space<vmem>>)
    %dma_wait3A_769 = arith.constant 17 : i32
    %dma_wait3A_770 = arith.constant 0 : i32
    %dma_wait3A_771 = tpu.memref_slice %arg6[%dma_wait3A_769, %dma_wait3A_770] : memref<32x1025xf32, #tpu.memory_space<vmem>> -> memref<1x1025xf32, #tpu.memory_space<vmem>>
    %dma_wait3A_772 = tpu.memref_squeeze %dma_wait3A_771 : memref<1x1025xf32, #tpu.memory_space<vmem>> -> memref<1025xf32, #tpu.memory_space<vmem>>
    %dma_wait3A_773 = arith.constant 0 : i32
    %dma_wait3A_774 = tpu.memref_slice %arg2[%add3A_325, %squeeze3A_41, %dma_wait3A_773] : memref<1024x16x1025xf32, #tpu.memory_space<hbm>> -> memref<1x1x1025xf32, #tpu.memory_space<hbm>>
    %dma_wait3A_775 = tpu.memref_squeeze %dma_wait3A_774 : memref<1x1x1025xf32, #tpu.memory_space<hbm>> -> memref<1025xf32, #tpu.memory_space<hbm>>
    %dma_wait3A_776 = arith.constant 0 : i32
    %dma_wait3A_777 = tpu.memref_slice %arg6[%dma_wait3A_769, %dma_wait3A_776] : memref<32x1025xf32, #tpu.memory_space<vmem>> -> memref<1x1025xf32, #tpu.memory_space<vmem>>
    %dma_wait3A_778 = tpu.memref_squeeze %dma_wait3A_777 : memref<1x1025xf32, #tpu.memory_space<vmem>> -> memref<1025xf32, #tpu.memory_space<vmem>>
    %dma_wait3A_779 = arith.constant 0 : i32
    %dma_wait3A_780 = tpu.memref_slice %arg2[%add3A_325, %squeeze3A_41, %dma_wait3A_779] : memref<1024x16x1025xf32, #tpu.memory_space<hbm>> -> memref<1x1x1025xf32, #tpu.memory_space<hbm>>
    %dma_wait3A_781 = tpu.memref_squeeze %dma_wait3A_780 : memref<1x1x1025xf32, #tpu.memory_space<hbm>> -> memref<1025xf32, #tpu.memory_space<hbm>>
    tpu.wait_dma2 semaphore(%arg7 : memref<!tpu.dma_semaphore, #tpu.memory_space<semaphore_mem>>) src(%dma_wait3A_781 : memref<1025xf32, #tpu.memory_space<hbm>>) dst(%dma_wait3A_778 : memref<1025xf32, #tpu.memory_space<vmem>>)
    %dma_wait3A_782 = arith.constant 18 : i32
    %dma_wait3A_783 = arith.constant 0 : i32
    %dma_wait3A_784 = tpu.memref_slice %arg6[%dma_wait3A_782, %dma_wait3A_783] : memref<32x1025xf32, #tpu.memory_space<vmem>> -> memref<1x1025xf32, #tpu.memory_space<vmem>>
    %dma_wait3A_785 = tpu.memref_squeeze %dma_wait3A_784 : memref<1x1025xf32, #tpu.memory_space<vmem>> -> memref<1025xf32, #tpu.memory_space<vmem>>
    %dma_wait3A_786 = arith.constant 0 : i32
    %dma_wait3A_787 = tpu.memref_slice %arg2[%add3A_340, %squeeze3A_43, %dma_wait3A_786] : memref<1024x16x1025xf32, #tpu.memory_space<hbm>> -> memref<1x1x1025xf32, #tpu.memory_space<hbm>>
    %dma_wait3A_788 = tpu.memref_squeeze %dma_wait3A_787 : memref<1x1x1025xf32, #tpu.memory_space<hbm>> -> memref<1025xf32, #tpu.memory_space<hbm>>
    %dma_wait3A_789 = arith.constant 0 : i32
    %dma_wait3A_790 = tpu.memref_slice %arg6[%dma_wait3A_782, %dma_wait3A_789] : memref<32x1025xf32, #tpu.memory_space<vmem>> -> memref<1x1025xf32, #tpu.memory_space<vmem>>
    %dma_wait3A_791 = tpu.memref_squeeze %dma_wait3A_790 : memref<1x1025xf32, #tpu.memory_space<vmem>> -> memref<1025xf32, #tpu.memory_space<vmem>>
    %dma_wait3A_792 = arith.constant 0 : i32
    %dma_wait3A_793 = tpu.memref_slice %arg2[%add3A_340, %squeeze3A_43, %dma_wait3A_792] : memref<1024x16x1025xf32, #tpu.memory_space<hbm>> -> memref<1x1x1025xf32, #tpu.memory_space<hbm>>
    %dma_wait3A_794 = tpu.memref_squeeze %dma_wait3A_793 : memref<1x1x1025xf32, #tpu.memory_space<hbm>> -> memref<1025xf32, #tpu.memory_space<hbm>>
    tpu.wait_dma2 semaphore(%arg7 : memref<!tpu.dma_semaphore, #tpu.memory_space<semaphore_mem>>) src(%dma_wait3A_794 : memref<1025xf32, #tpu.memory_space<hbm>>) dst(%dma_wait3A_791 : memref<1025xf32, #tpu.memory_space<vmem>>)
    %dma_wait3A_795 = arith.constant 19 : i32
    %dma_wait3A_796 = arith.constant 0 : i32
    %dma_wait3A_797 = tpu.memref_slice %arg6[%dma_wait3A_795, %dma_wait3A_796] : memref<32x1025xf32, #tpu.memory_space<vmem>> -> memref<1x1025xf32, #tpu.memory_space<vmem>>
    %dma_wait3A_798 = tpu.memref_squeeze %dma_wait3A_797 : memref<1x1025xf32, #tpu.memory_space<vmem>> -> memref<1025xf32, #tpu.memory_space<vmem>>
    %dma_wait3A_799 = arith.constant 0 : i32
    %dma_wait3A_800 = tpu.memref_slice %arg2[%add3A_355, %squeeze3A_45, %dma_wait3A_799] : memref<1024x16x1025xf32, #tpu.memory_space<hbm>> -> memref<1x1x1025xf32, #tpu.memory_space<hbm>>
    %dma_wait3A_801 = tpu.memref_squeeze %dma_wait3A_800 : memref<1x1x1025xf32, #tpu.memory_space<hbm>> -> memref<1025xf32, #tpu.memory_space<hbm>>
    %dma_wait3A_802 = arith.constant 0 : i32
    %dma_wait3A_803 = tpu.memref_slice %arg6[%dma_wait3A_795, %dma_wait3A_802] : memref<32x1025xf32, #tpu.memory_space<vmem>> -> memref<1x1025xf32, #tpu.memory_space<vmem>>
    %dma_wait3A_804 = tpu.memref_squeeze %dma_wait3A_803 : memref<1x1025xf32, #tpu.memory_space<vmem>> -> memref<1025xf32, #tpu.memory_space<vmem>>
    %dma_wait3A_805 = arith.constant 0 : i32
    %dma_wait3A_806 = tpu.memref_slice %arg2[%add3A_355, %squeeze3A_45, %dma_wait3A_805] : memref<1024x16x1025xf32, #tpu.memory_space<hbm>> -> memref<1x1x1025xf32, #tpu.memory_space<hbm>>
    %dma_wait3A_807 = tpu.memref_squeeze %dma_wait3A_806 : memref<1x1x1025xf32, #tpu.memory_space<hbm>> -> memref<1025xf32, #tpu.memory_space<hbm>>
    tpu.wait_dma2 semaphore(%arg7 : memref<!tpu.dma_semaphore, #tpu.memory_space<semaphore_mem>>) src(%dma_wait3A_807 : memref<1025xf32, #tpu.memory_space<hbm>>) dst(%dma_wait3A_804 : memref<1025xf32, #tpu.memory_space<vmem>>)
    %dma_wait3A_808 = arith.constant 20 : i32
    %dma_wait3A_809 = arith.constant 0 : i32
    %dma_wait3A_810 = tpu.memref_slice %arg6[%dma_wait3A_808, %dma_wait3A_809] : memref<32x1025xf32, #tpu.memory_space<vmem>> -> memref<1x1025xf32, #tpu.memory_space<vmem>>
    %dma_wait3A_811 = tpu.memref_squeeze %dma_wait3A_810 : memref<1x1025xf32, #tpu.memory_space<vmem>> -> memref<1025xf32, #tpu.memory_space<vmem>>
    %dma_wait3A_812 = arith.constant 0 : i32
    %dma_wait3A_813 = tpu.memref_slice %arg2[%add3A_370, %squeeze3A_47, %dma_wait3A_812] : memref<1024x16x1025xf32, #tpu.memory_space<hbm>> -> memref<1x1x1025xf32, #tpu.memory_space<hbm>>
    %dma_wait3A_814 = tpu.memref_squeeze %dma_wait3A_813 : memref<1x1x1025xf32, #tpu.memory_space<hbm>> -> memref<1025xf32, #tpu.memory_space<hbm>>
    %dma_wait3A_815 = arith.constant 0 : i32
    %dma_wait3A_816 = tpu.memref_slice %arg6[%dma_wait3A_808, %dma_wait3A_815] : memref<32x1025xf32, #tpu.memory_space<vmem>> -> memref<1x1025xf32, #tpu.memory_space<vmem>>
    %dma_wait3A_817 = tpu.memref_squeeze %dma_wait3A_816 : memref<1x1025xf32, #tpu.memory_space<vmem>> -> memref<1025xf32, #tpu.memory_space<vmem>>
    %dma_wait3A_818 = arith.constant 0 : i32
    %dma_wait3A_819 = tpu.memref_slice %arg2[%add3A_370, %squeeze3A_47, %dma_wait3A_818] : memref<1024x16x1025xf32, #tpu.memory_space<hbm>> -> memref<1x1x1025xf32, #tpu.memory_space<hbm>>
    %dma_wait3A_820 = tpu.memref_squeeze %dma_wait3A_819 : memref<1x1x1025xf32, #tpu.memory_space<hbm>> -> memref<1025xf32, #tpu.memory_space<hbm>>
    tpu.wait_dma2 semaphore(%arg7 : memref<!tpu.dma_semaphore, #tpu.memory_space<semaphore_mem>>) src(%dma_wait3A_820 : memref<1025xf32, #tpu.memory_space<hbm>>) dst(%dma_wait3A_817 : memref<1025xf32, #tpu.memory_space<vmem>>)
    %dma_wait3A_821 = arith.constant 21 : i32
    %dma_wait3A_822 = arith.constant 0 : i32
    %dma_wait3A_823 = tpu.memref_slice %arg6[%dma_wait3A_821, %dma_wait3A_822] : memref<32x1025xf32, #tpu.memory_space<vmem>> -> memref<1x1025xf32, #tpu.memory_space<vmem>>
    %dma_wait3A_824 = tpu.memref_squeeze %dma_wait3A_823 : memref<1x1025xf32, #tpu.memory_space<vmem>> -> memref<1025xf32, #tpu.memory_space<vmem>>
    %dma_wait3A_825 = arith.constant 0 : i32
    %dma_wait3A_826 = tpu.memref_slice %arg2[%add3A_385, %squeeze3A_49, %dma_wait3A_825] : memref<1024x16x1025xf32, #tpu.memory_space<hbm>> -> memref<1x1x1025xf32, #tpu.memory_space<hbm>>
    %dma_wait3A_827 = tpu.memref_squeeze %dma_wait3A_826 : memref<1x1x1025xf32, #tpu.memory_space<hbm>> -> memref<1025xf32, #tpu.memory_space<hbm>>
    %dma_wait3A_828 = arith.constant 0 : i32
    %dma_wait3A_829 = tpu.memref_slice %arg6[%dma_wait3A_821, %dma_wait3A_828] : memref<32x1025xf32, #tpu.memory_space<vmem>> -> memref<1x1025xf32, #tpu.memory_space<vmem>>
    %dma_wait3A_830 = tpu.memref_squeeze %dma_wait3A_829 : memref<1x1025xf32, #tpu.memory_space<vmem>> -> memref<1025xf32, #tpu.memory_space<vmem>>
    %dma_wait3A_831 = arith.constant 0 : i32
    %dma_wait3A_832 = tpu.memref_slice %arg2[%add3A_385, %squeeze3A_49, %dma_wait3A_831] : memref<1024x16x1025xf32, #tpu.memory_space<hbm>> -> memref<1x1x1025xf32, #tpu.memory_space<hbm>>
    %dma_wait3A_833 = tpu.memref_squeeze %dma_wait3A_832 : memref<1x1x1025xf32, #tpu.memory_space<hbm>> -> memref<1025xf32, #tpu.memory_space<hbm>>
    tpu.wait_dma2 semaphore(%arg7 : memref<!tpu.dma_semaphore, #tpu.memory_space<semaphore_mem>>) src(%dma_wait3A_833 : memref<1025xf32, #tpu.memory_space<hbm>>) dst(%dma_wait3A_830 : memref<1025xf32, #tpu.memory_space<vmem>>)
    %dma_wait3A_834 = arith.constant 22 : i32
    %dma_wait3A_835 = arith.constant 0 : i32
    %dma_wait3A_836 = tpu.memref_slice %arg6[%dma_wait3A_834, %dma_wait3A_835] : memref<32x1025xf32, #tpu.memory_space<vmem>> -> memref<1x1025xf32, #tpu.memory_space<vmem>>
    %dma_wait3A_837 = tpu.memref_squeeze %dma_wait3A_836 : memref<1x1025xf32, #tpu.memory_space<vmem>> -> memref<1025xf32, #tpu.memory_space<vmem>>
    %dma_wait3A_838 = arith.constant 0 : i32
    %dma_wait3A_839 = tpu.memref_slice %arg2[%add3A_400, %squeeze3A_51, %dma_wait3A_838] : memref<1024x16x1025xf32, #tpu.memory_space<hbm>> -> memref<1x1x1025xf32, #tpu.memory_space<hbm>>
    %dma_wait3A_840 = tpu.memref_squeeze %dma_wait3A_839 : memref<1x1x1025xf32, #tpu.memory_space<hbm>> -> memref<1025xf32, #tpu.memory_space<hbm>>
    %dma_wait3A_841 = arith.constant 0 : i32
    %dma_wait3A_842 = tpu.memref_slice %arg6[%dma_wait3A_834, %dma_wait3A_841] : memref<32x1025xf32, #tpu.memory_space<vmem>> -> memref<1x1025xf32, #tpu.memory_space<vmem>>
    %dma_wait3A_843 = tpu.memref_squeeze %dma_wait3A_842 : memref<1x1025xf32, #tpu.memory_space<vmem>> -> memref<1025xf32, #tpu.memory_space<vmem>>
    %dma_wait3A_844 = arith.constant 0 : i32
    %dma_wait3A_845 = tpu.memref_slice %arg2[%add3A_400, %squeeze3A_51, %dma_wait3A_844] : memref<1024x16x1025xf32, #tpu.memory_space<hbm>> -> memref<1x1x1025xf32, #tpu.memory_space<hbm>>
    %dma_wait3A_846 = tpu.memref_squeeze %dma_wait3A_845 : memref<1x1x1025xf32, #tpu.memory_space<hbm>> -> memref<1025xf32, #tpu.memory_space<hbm>>
    tpu.wait_dma2 semaphore(%arg7 : memref<!tpu.dma_semaphore, #tpu.memory_space<semaphore_mem>>) src(%dma_wait3A_846 : memref<1025xf32, #tpu.memory_space<hbm>>) dst(%dma_wait3A_843 : memref<1025xf32, #tpu.memory_space<vmem>>)
    %dma_wait3A_847 = arith.constant 23 : i32
    %dma_wait3A_848 = arith.constant 0 : i32
    %dma_wait3A_849 = tpu.memref_slice %arg6[%dma_wait3A_847, %dma_wait3A_848] : memref<32x1025xf32, #tpu.memory_space<vmem>> -> memref<1x1025xf32, #tpu.memory_space<vmem>>
    %dma_wait3A_850 = tpu.memref_squeeze %dma_wait3A_849 : memref<1x1025xf32, #tpu.memory_space<vmem>> -> memref<1025xf32, #tpu.memory_space<vmem>>
    %dma_wait3A_851 = arith.constant 0 : i32
    %dma_wait3A_852 = tpu.memref_slice %arg2[%add3A_415, %squeeze3A_53, %dma_wait3A_851] : memref<1024x16x1025xf32, #tpu.memory_space<hbm>> -> memref<1x1x1025xf32, #tpu.memory_space<hbm>>
    %dma_wait3A_853 = tpu.memref_squeeze %dma_wait3A_852 : memref<1x1x1025xf32, #tpu.memory_space<hbm>> -> memref<1025xf32, #tpu.memory_space<hbm>>
    %dma_wait3A_854 = arith.constant 0 : i32
    %dma_wait3A_855 = tpu.memref_slice %arg6[%dma_wait3A_847, %dma_wait3A_854] : memref<32x1025xf32, #tpu.memory_space<vmem>> -> memref<1x1025xf32, #tpu.memory_space<vmem>>
    %dma_wait3A_856 = tpu.memref_squeeze %dma_wait3A_855 : memref<1x1025xf32, #tpu.memory_space<vmem>> -> memref<1025xf32, #tpu.memory_space<vmem>>
    %dma_wait3A_857 = arith.constant 0 : i32
    %dma_wait3A_858 = tpu.memref_slice %arg2[%add3A_415, %squeeze3A_53, %dma_wait3A_857] : memref<1024x16x1025xf32, #tpu.memory_space<hbm>> -> memref<1x1x1025xf32, #tpu.memory_space<hbm>>
    %dma_wait3A_859 = tpu.memref_squeeze %dma_wait3A_858 : memref<1x1x1025xf32, #tpu.memory_space<hbm>> -> memref<1025xf32, #tpu.memory_space<hbm>>
    tpu.wait_dma2 semaphore(%arg7 : memref<!tpu.dma_semaphore, #tpu.memory_space<semaphore_mem>>) src(%dma_wait3A_859 : memref<1025xf32, #tpu.memory_space<hbm>>) dst(%dma_wait3A_856 : memref<1025xf32, #tpu.memory_space<vmem>>)
    %dma_wait3A_860 = arith.constant 24 : i32
    %dma_wait3A_861 = arith.constant 0 : i32
    %dma_wait3A_862 = tpu.memref_slice %arg6[%dma_wait3A_860, %dma_wait3A_861] : memref<32x1025xf32, #tpu.memory_space<vmem>> -> memref<1x1025xf32, #tpu.memory_space<vmem>>
    %dma_wait3A_863 = tpu.memref_squeeze %dma_wait3A_862 : memref<1x1025xf32, #tpu.memory_space<vmem>> -> memref<1025xf32, #tpu.memory_space<vmem>>
    %dma_wait3A_864 = arith.constant 0 : i32
    %dma_wait3A_865 = tpu.memref_slice %arg2[%add3A_430, %squeeze3A_55, %dma_wait3A_864] : memref<1024x16x1025xf32, #tpu.memory_space<hbm>> -> memref<1x1x1025xf32, #tpu.memory_space<hbm>>
    %dma_wait3A_866 = tpu.memref_squeeze %dma_wait3A_865 : memref<1x1x1025xf32, #tpu.memory_space<hbm>> -> memref<1025xf32, #tpu.memory_space<hbm>>
    %dma_wait3A_867 = arith.constant 0 : i32
    %dma_wait3A_868 = tpu.memref_slice %arg6[%dma_wait3A_860, %dma_wait3A_867] : memref<32x1025xf32, #tpu.memory_space<vmem>> -> memref<1x1025xf32, #tpu.memory_space<vmem>>
    %dma_wait3A_869 = tpu.memref_squeeze %dma_wait3A_868 : memref<1x1025xf32, #tpu.memory_space<vmem>> -> memref<1025xf32, #tpu.memory_space<vmem>>
    %dma_wait3A_870 = arith.constant 0 : i32
    %dma_wait3A_871 = tpu.memref_slice %arg2[%add3A_430, %squeeze3A_55, %dma_wait3A_870] : memref<1024x16x1025xf32, #tpu.memory_space<hbm>> -> memref<1x1x1025xf32, #tpu.memory_space<hbm>>
    %dma_wait3A_872 = tpu.memref_squeeze %dma_wait3A_871 : memref<1x1x1025xf32, #tpu.memory_space<hbm>> -> memref<1025xf32, #tpu.memory_space<hbm>>
    tpu.wait_dma2 semaphore(%arg7 : memref<!tpu.dma_semaphore, #tpu.memory_space<semaphore_mem>>) src(%dma_wait3A_872 : memref<1025xf32, #tpu.memory_space<hbm>>) dst(%dma_wait3A_869 : memref<1025xf32, #tpu.memory_space<vmem>>)
    %dma_wait3A_873 = arith.constant 25 : i32
    %dma_wait3A_874 = arith.constant 0 : i32
    %dma_wait3A_875 = tpu.memref_slice %arg6[%dma_wait3A_873, %dma_wait3A_874] : memref<32x1025xf32, #tpu.memory_space<vmem>> -> memref<1x1025xf32, #tpu.memory_space<vmem>>
    %dma_wait3A_876 = tpu.memref_squeeze %dma_wait3A_875 : memref<1x1025xf32, #tpu.memory_space<vmem>> -> memref<1025xf32, #tpu.memory_space<vmem>>
    %dma_wait3A_877 = arith.constant 0 : i32
    %dma_wait3A_878 = tpu.memref_slice %arg2[%add3A_445, %squeeze3A_57, %dma_wait3A_877] : memref<1024x16x1025xf32, #tpu.memory_space<hbm>> -> memref<1x1x1025xf32, #tpu.memory_space<hbm>>
    %dma_wait3A_879 = tpu.memref_squeeze %dma_wait3A_878 : memref<1x1x1025xf32, #tpu.memory_space<hbm>> -> memref<1025xf32, #tpu.memory_space<hbm>>
    %dma_wait3A_880 = arith.constant 0 : i32
    %dma_wait3A_881 = tpu.memref_slice %arg6[%dma_wait3A_873, %dma_wait3A_880] : memref<32x1025xf32, #tpu.memory_space<vmem>> -> memref<1x1025xf32, #tpu.memory_space<vmem>>
    %dma_wait3A_882 = tpu.memref_squeeze %dma_wait3A_881 : memref<1x1025xf32, #tpu.memory_space<vmem>> -> memref<1025xf32, #tpu.memory_space<vmem>>
    %dma_wait3A_883 = arith.constant 0 : i32
    %dma_wait3A_884 = tpu.memref_slice %arg2[%add3A_445, %squeeze3A_57, %dma_wait3A_883] : memref<1024x16x1025xf32, #tpu.memory_space<hbm>> -> memref<1x1x1025xf32, #tpu.memory_space<hbm>>
    %dma_wait3A_885 = tpu.memref_squeeze %dma_wait3A_884 : memref<1x1x1025xf32, #tpu.memory_space<hbm>> -> memref<1025xf32, #tpu.memory_space<hbm>>
    tpu.wait_dma2 semaphore(%arg7 : memref<!tpu.dma_semaphore, #tpu.memory_space<semaphore_mem>>) src(%dma_wait3A_885 : memref<1025xf32, #tpu.memory_space<hbm>>) dst(%dma_wait3A_882 : memref<1025xf32, #tpu.memory_space<vmem>>)
    %dma_wait3A_886 = arith.constant 26 : i32
    %dma_wait3A_887 = arith.constant 0 : i32
    %dma_wait3A_888 = tpu.memref_slice %arg6[%dma_wait3A_886, %dma_wait3A_887] : memref<32x1025xf32, #tpu.memory_space<vmem>> -> memref<1x1025xf32, #tpu.memory_space<vmem>>
    %dma_wait3A_889 = tpu.memref_squeeze %dma_wait3A_888 : memref<1x1025xf32, #tpu.memory_space<vmem>> -> memref<1025xf32, #tpu.memory_space<vmem>>
    %dma_wait3A_890 = arith.constant 0 : i32
    %dma_wait3A_891 = tpu.memref_slice %arg2[%add3A_460, %squeeze3A_59, %dma_wait3A_890] : memref<1024x16x1025xf32, #tpu.memory_space<hbm>> -> memref<1x1x1025xf32, #tpu.memory_space<hbm>>
    %dma_wait3A_892 = tpu.memref_squeeze %dma_wait3A_891 : memref<1x1x1025xf32, #tpu.memory_space<hbm>> -> memref<1025xf32, #tpu.memory_space<hbm>>
    %dma_wait3A_893 = arith.constant 0 : i32
    %dma_wait3A_894 = tpu.memref_slice %arg6[%dma_wait3A_886, %dma_wait3A_893] : memref<32x1025xf32, #tpu.memory_space<vmem>> -> memref<1x1025xf32, #tpu.memory_space<vmem>>
    %dma_wait3A_895 = tpu.memref_squeeze %dma_wait3A_894 : memref<1x1025xf32, #tpu.memory_space<vmem>> -> memref<1025xf32, #tpu.memory_space<vmem>>
    %dma_wait3A_896 = arith.constant 0 : i32
    %dma_wait3A_897 = tpu.memref_slice %arg2[%add3A_460, %squeeze3A_59, %dma_wait3A_896] : memref<1024x16x1025xf32, #tpu.memory_space<hbm>> -> memref<1x1x1025xf32, #tpu.memory_space<hbm>>
    %dma_wait3A_898 = tpu.memref_squeeze %dma_wait3A_897 : memref<1x1x1025xf32, #tpu.memory_space<hbm>> -> memref<1025xf32, #tpu.memory_space<hbm>>
    tpu.wait_dma2 semaphore(%arg7 : memref<!tpu.dma_semaphore, #tpu.memory_space<semaphore_mem>>) src(%dma_wait3A_898 : memref<1025xf32, #tpu.memory_space<hbm>>) dst(%dma_wait3A_895 : memref<1025xf32, #tpu.memory_space<vmem>>)
    %dma_wait3A_899 = arith.constant 27 : i32
    %dma_wait3A_900 = arith.constant 0 : i32
    %dma_wait3A_901 = tpu.memref_slice %arg6[%dma_wait3A_899, %dma_wait3A_900] : memref<32x1025xf32, #tpu.memory_space<vmem>> -> memref<1x1025xf32, #tpu.memory_space<vmem>>
    %dma_wait3A_902 = tpu.memref_squeeze %dma_wait3A_901 : memref<1x1025xf32, #tpu.memory_space<vmem>> -> memref<1025xf32, #tpu.memory_space<vmem>>
    %dma_wait3A_903 = arith.constant 0 : i32
    %dma_wait3A_904 = tpu.memref_slice %arg2[%add3A_475, %squeeze3A_61, %dma_wait3A_903] : memref<1024x16x1025xf32, #tpu.memory_space<hbm>> -> memref<1x1x1025xf32, #tpu.memory_space<hbm>>
    %dma_wait3A_905 = tpu.memref_squeeze %dma_wait3A_904 : memref<1x1x1025xf32, #tpu.memory_space<hbm>> -> memref<1025xf32, #tpu.memory_space<hbm>>
    %dma_wait3A_906 = arith.constant 0 : i32
    %dma_wait3A_907 = tpu.memref_slice %arg6[%dma_wait3A_899, %dma_wait3A_906] : memref<32x1025xf32, #tpu.memory_space<vmem>> -> memref<1x1025xf32, #tpu.memory_space<vmem>>
    %dma_wait3A_908 = tpu.memref_squeeze %dma_wait3A_907 : memref<1x1025xf32, #tpu.memory_space<vmem>> -> memref<1025xf32, #tpu.memory_space<vmem>>
    %dma_wait3A_909 = arith.constant 0 : i32
    %dma_wait3A_910 = tpu.memref_slice %arg2[%add3A_475, %squeeze3A_61, %dma_wait3A_909] : memref<1024x16x1025xf32, #tpu.memory_space<hbm>> -> memref<1x1x1025xf32, #tpu.memory_space<hbm>>
    %dma_wait3A_911 = tpu.memref_squeeze %dma_wait3A_910 : memref<1x1x1025xf32, #tpu.memory_space<hbm>> -> memref<1025xf32, #tpu.memory_space<hbm>>
    tpu.wait_dma2 semaphore(%arg7 : memref<!tpu.dma_semaphore, #tpu.memory_space<semaphore_mem>>) src(%dma_wait3A_911 : memref<1025xf32, #tpu.memory_space<hbm>>) dst(%dma_wait3A_908 : memref<1025xf32, #tpu.memory_space<vmem>>)
    %dma_wait3A_912 = arith.constant 28 : i32
    %dma_wait3A_913 = arith.constant 0 : i32
    %dma_wait3A_914 = tpu.memref_slice %arg6[%dma_wait3A_912, %dma_wait3A_913] : memref<32x1025xf32, #tpu.memory_space<vmem>> -> memref<1x1025xf32, #tpu.memory_space<vmem>>
    %dma_wait3A_915 = tpu.memref_squeeze %dma_wait3A_914 : memref<1x1025xf32, #tpu.memory_space<vmem>> -> memref<1025xf32, #tpu.memory_space<vmem>>
    %dma_wait3A_916 = arith.constant 0 : i32
    %dma_wait3A_917 = tpu.memref_slice %arg2[%add3A_490, %squeeze3A_63, %dma_wait3A_916] : memref<1024x16x1025xf32, #tpu.memory_space<hbm>> -> memref<1x1x1025xf32, #tpu.memory_space<hbm>>
    %dma_wait3A_918 = tpu.memref_squeeze %dma_wait3A_917 : memref<1x1x1025xf32, #tpu.memory_space<hbm>> -> memref<1025xf32, #tpu.memory_space<hbm>>
    %dma_wait3A_919 = arith.constant 0 : i32
    %dma_wait3A_920 = tpu.memref_slice %arg6[%dma_wait3A_912, %dma_wait3A_919] : memref<32x1025xf32, #tpu.memory_space<vmem>> -> memref<1x1025xf32, #tpu.memory_space<vmem>>
    %dma_wait3A_921 = tpu.memref_squeeze %dma_wait3A_920 : memref<1x1025xf32, #tpu.memory_space<vmem>> -> memref<1025xf32, #tpu.memory_space<vmem>>
    %dma_wait3A_922 = arith.constant 0 : i32
    %dma_wait3A_923 = tpu.memref_slice %arg2[%add3A_490, %squeeze3A_63, %dma_wait3A_922] : memref<1024x16x1025xf32, #tpu.memory_space<hbm>> -> memref<1x1x1025xf32, #tpu.memory_space<hbm>>
    %dma_wait3A_924 = tpu.memref_squeeze %dma_wait3A_923 : memref<1x1x1025xf32, #tpu.memory_space<hbm>> -> memref<1025xf32, #tpu.memory_space<hbm>>
    tpu.wait_dma2 semaphore(%arg7 : memref<!tpu.dma_semaphore, #tpu.memory_space<semaphore_mem>>) src(%dma_wait3A_924 : memref<1025xf32, #tpu.memory_space<hbm>>) dst(%dma_wait3A_921 : memref<1025xf32, #tpu.memory_space<vmem>>)
    %dma_wait3A_925 = arith.constant 29 : i32
    %dma_wait3A_926 = arith.constant 0 : i32
    %dma_wait3A_927 = tpu.memref_slice %arg6[%dma_wait3A_925, %dma_wait3A_926] : memref<32x1025xf32, #tpu.memory_space<vmem>> -> memref<1x1025xf32, #tpu.memory_space<vmem>>
    %dma_wait3A_928 = tpu.memref_squeeze %dma_wait3A_927 : memref<1x1025xf32, #tpu.memory_space<vmem>> -> memref<1025xf32, #tpu.memory_space<vmem>>
    %dma_wait3A_929 = arith.constant 0 : i32
    %dma_wait3A_930 = tpu.memref_slice %arg2[%add3A_505, %squeeze3A_65, %dma_wait3A_929] : memref<1024x16x1025xf32, #tpu.memory_space<hbm>> -> memref<1x1x1025xf32, #tpu.memory_space<hbm>>
    %dma_wait3A_931 = tpu.memref_squeeze %dma_wait3A_930 : memref<1x1x1025xf32, #tpu.memory_space<hbm>> -> memref<1025xf32, #tpu.memory_space<hbm>>
    %dma_wait3A_932 = arith.constant 0 : i32
    %dma_wait3A_933 = tpu.memref_slice %arg6[%dma_wait3A_925, %dma_wait3A_932] : memref<32x1025xf32, #tpu.memory_space<vmem>> -> memref<1x1025xf32, #tpu.memory_space<vmem>>
    %dma_wait3A_934 = tpu.memref_squeeze %dma_wait3A_933 : memref<1x1025xf32, #tpu.memory_space<vmem>> -> memref<1025xf32, #tpu.memory_space<vmem>>
    %dma_wait3A_935 = arith.constant 0 : i32
    %dma_wait3A_936 = tpu.memref_slice %arg2[%add3A_505, %squeeze3A_65, %dma_wait3A_935] : memref<1024x16x1025xf32, #tpu.memory_space<hbm>> -> memref<1x1x1025xf32, #tpu.memory_space<hbm>>
    %dma_wait3A_937 = tpu.memref_squeeze %dma_wait3A_936 : memref<1x1x1025xf32, #tpu.memory_space<hbm>> -> memref<1025xf32, #tpu.memory_space<hbm>>
    tpu.wait_dma2 semaphore(%arg7 : memref<!tpu.dma_semaphore, #tpu.memory_space<semaphore_mem>>) src(%dma_wait3A_937 : memref<1025xf32, #tpu.memory_space<hbm>>) dst(%dma_wait3A_934 : memref<1025xf32, #tpu.memory_space<vmem>>)
    %dma_wait3A_938 = arith.constant 30 : i32
    %dma_wait3A_939 = arith.constant 0 : i32
    %dma_wait3A_940 = tpu.memref_slice %arg6[%dma_wait3A_938, %dma_wait3A_939] : memref<32x1025xf32, #tpu.memory_space<vmem>> -> memref<1x1025xf32, #tpu.memory_space<vmem>>
    %dma_wait3A_941 = tpu.memref_squeeze %dma_wait3A_940 : memref<1x1025xf32, #tpu.memory_space<vmem>> -> memref<1025xf32, #tpu.memory_space<vmem>>
    %dma_wait3A_942 = arith.constant 0 : i32
    %dma_wait3A_943 = tpu.memref_slice %arg2[%add3A_520, %squeeze3A_67, %dma_wait3A_942] : memref<1024x16x1025xf32, #tpu.memory_space<hbm>> -> memref<1x1x1025xf32, #tpu.memory_space<hbm>>
    %dma_wait3A_944 = tpu.memref_squeeze %dma_wait3A_943 : memref<1x1x1025xf32, #tpu.memory_space<hbm>> -> memref<1025xf32, #tpu.memory_space<hbm>>
    %dma_wait3A_945 = arith.constant 0 : i32
    %dma_wait3A_946 = tpu.memref_slice %arg6[%dma_wait3A_938, %dma_wait3A_945] : memref<32x1025xf32, #tpu.memory_space<vmem>> -> memref<1x1025xf32, #tpu.memory_space<vmem>>
    %dma_wait3A_947 = tpu.memref_squeeze %dma_wait3A_946 : memref<1x1025xf32, #tpu.memory_space<vmem>> -> memref<1025xf32, #tpu.memory_space<vmem>>
    %dma_wait3A_948 = arith.constant 0 : i32
    %dma_wait3A_949 = tpu.memref_slice %arg2[%add3A_520, %squeeze3A_67, %dma_wait3A_948] : memref<1024x16x1025xf32, #tpu.memory_space<hbm>> -> memref<1x1x1025xf32, #tpu.memory_space<hbm>>
    %dma_wait3A_950 = tpu.memref_squeeze %dma_wait3A_949 : memref<1x1x1025xf32, #tpu.memory_space<hbm>> -> memref<1025xf32, #tpu.memory_space<hbm>>
    tpu.wait_dma2 semaphore(%arg7 : memref<!tpu.dma_semaphore, #tpu.memory_space<semaphore_mem>>) src(%dma_wait3A_950 : memref<1025xf32, #tpu.memory_space<hbm>>) dst(%dma_wait3A_947 : memref<1025xf32, #tpu.memory_space<vmem>>)
    %dma_wait3A_951 = arith.constant 31 : i32
    %dma_wait3A_952 = arith.constant 0 : i32
    %dma_wait3A_953 = tpu.memref_slice %arg6[%dma_wait3A_951, %dma_wait3A_952] : memref<32x1025xf32, #tpu.memory_space<vmem>> -> memref<1x1025xf32, #tpu.memory_space<vmem>>
    %dma_wait3A_954 = tpu.memref_squeeze %dma_wait3A_953 : memref<1x1025xf32, #tpu.memory_space<vmem>> -> memref<1025xf32, #tpu.memory_space<vmem>>
    %dma_wait3A_955 = arith.constant 0 : i32
    %dma_wait3A_956 = tpu.memref_slice %arg2[%add3A_535, %squeeze3A_69, %dma_wait3A_955] : memref<1024x16x1025xf32, #tpu.memory_space<hbm>> -> memref<1x1x1025xf32, #tpu.memory_space<hbm>>
    %dma_wait3A_957 = tpu.memref_squeeze %dma_wait3A_956 : memref<1x1x1025xf32, #tpu.memory_space<hbm>> -> memref<1025xf32, #tpu.memory_space<hbm>>
    %dma_wait3A_958 = arith.constant 0 : i32
    %dma_wait3A_959 = tpu.memref_slice %arg6[%dma_wait3A_951, %dma_wait3A_958] : memref<32x1025xf32, #tpu.memory_space<vmem>> -> memref<1x1025xf32, #tpu.memory_space<vmem>>
    %dma_wait3A_960 = tpu.memref_squeeze %dma_wait3A_959 : memref<1x1025xf32, #tpu.memory_space<vmem>> -> memref<1025xf32, #tpu.memory_space<vmem>>
    %dma_wait3A_961 = arith.constant 0 : i32
    %dma_wait3A_962 = tpu.memref_slice %arg2[%add3A_535, %squeeze3A_69, %dma_wait3A_961] : memref<1024x16x1025xf32, #tpu.memory_space<hbm>> -> memref<1x1x1025xf32, #tpu.memory_space<hbm>>
    %dma_wait3A_963 = tpu.memref_squeeze %dma_wait3A_962 : memref<1x1x1025xf32, #tpu.memory_space<hbm>> -> memref<1025xf32, #tpu.memory_space<hbm>>
    tpu.wait_dma2 semaphore(%arg7 : memref<!tpu.dma_semaphore, #tpu.memory_space<semaphore_mem>>) src(%dma_wait3A_963 : memref<1025xf32, #tpu.memory_space<hbm>>) dst(%dma_wait3A_960 : memref<1025xf32, #tpu.memory_space<vmem>>)
    "tpu.region"() ({
      %run_scoped3A = tpu.sem_alloc : memref<!tpu.dma_semaphore, #tpu.memory_space<semaphore_mem>>
      %dma_start3A_964 = arith.constant 0 : i32
      %dma_start3A_965 = tpu.memref_slice %arg4[%mul3A_2, %dma_start3A_964] : memref<1024x1025xf32, #tpu.memory_space<hbm>> -> memref<32x1025xf32, #tpu.memory_space<hbm>>
      %dma_start3A_966 = arith.constant 0 : i32
      %dma_start3A_967 = tpu.memref_slice %arg4[%mul3A_2, %dma_start3A_966] : memref<1024x1025xf32, #tpu.memory_space<hbm>> -> memref<32x1025xf32, #tpu.memory_space<hbm>>
      tpu.enqueue_dma source(%arg6 : memref<32x1025xf32, #tpu.memory_space<vmem>>) target(%dma_start3A_967 : memref<32x1025xf32, #tpu.memory_space<hbm>>) target_semaphore(%run_scoped3A : memref<!tpu.dma_semaphore, #tpu.memory_space<semaphore_mem>>)
      %dma_wait3A_968 = arith.constant 0 : i32
      %dma_wait3A_969 = tpu.memref_slice %arg4[%mul3A_2, %dma_wait3A_968] : memref<1024x1025xf32, #tpu.memory_space<hbm>> -> memref<32x1025xf32, #tpu.memory_space<hbm>>
      %dma_wait3A_970 = arith.constant 0 : i32
      %dma_wait3A_971 = tpu.memref_slice %arg4[%mul3A_2, %dma_wait3A_970] : memref<1024x1025xf32, #tpu.memory_space<hbm>> -> memref<32x1025xf32, #tpu.memory_space<hbm>>
      tpu.wait_dma2 semaphore(%run_scoped3A : memref<!tpu.dma_semaphore, #tpu.memory_space<semaphore_mem>>) src(%arg6 : memref<32x1025xf32, #tpu.memory_space<vmem>>) dst(%dma_wait3A_971 : memref<32x1025xf32, #tpu.memory_space<hbm>>)
      tpu.yield
    }) : () -> ()
    return
  }
}

</mosaic_0001>

<sc_bundles>
// kernel: kernel.3.cloned.1.call-start
scs
__scs_entry_jumppad:
0x0: {  	(pc) =	sbr.rel $0x88, $3  }
0x1: {  	(tag) =	ssettag $0x0;
	lr =	simm.s32 $0x1  }
0x2: {  	[smem:$0x3FA0] =	sst lr;
	_ =	strace $0xD0000000  }
0x3: {  	_ = 	snop  }
0x4: {  	_ = 	snop  }
0x5: {  	_ = 	snop  }
0x6: {  	_ = 	snop  }
0x7: {  	_ = 	snop  }
__scs_overlays_trampoline_lowered:
0x8: {  	[smem:$0x3FAF] =	sst s0  }
0x9: {  	[smem:$0x3FB0] =	sst s1  }
0xa: {  	[smem:$0x3FB1] =	sst s2  }
0xb: {  	[smem:$0x3FB2] =	sst s3  }
0xc: {  	[smem:$0x3FB3] =	sst s4  }
0xd: {  	[smem:$0x3FB4] =	sst s5  }
0xe: {  	[smem:$0x3FB5] =	sst s6  }
0xf: {  	[smem:$0x3FB6] =	sst s7  }
0x10: {  	[smem:$0x3FB7] =	sst s8  }
0x11: {  	[smem:$0x3FB8] =	sst s9;
	s0 =	simm.s32 @!p0 $0x0  }
0x12: {  	s1 =	sld [smem:$0x3F9E];
	s0 =	simm.s32 @p0 $0x1  }
0x13: {  	[smem:$0x3FB9] =	sst s0;
	s0 =	simm.s32 @!p1 $0x0  }
0x14: {  	s2 =	sld [smem:$0x3F9D];
	s0 =	simm.s32 @p1 $0x1  }
0x15: {  	[smem:$0x3FBA] =	sst s0;
	s0 =	simm.s32 @!p2 $0x0  }
0x16: {  	s3 =	sld [smem:$0x3FDB];
	s0 =	simm.s32 @p2 $0x1  }
0x17: {  	s4 =	simm.s32 $0x1BF5;
	[smem:$0x3FBC] =	sst s0  }
0x18: {  	s0 =	sld [smem:$0x3F9F];
	_ =	swait.ge [sflag:s4], $0x0  }
0x19: {  	s7 =	sld [smem:$0x3FA0]  }
0x1a: {  	s8 =	sadd.s32 $0xFFFFE003, lr  }
0x1b: {  	s9 =	sadd.s32 $0xFFFFFEF7, lr;
	s5 =	simm.s32 $0xFFFFFFFF;
	p2 =	slt.u32 s8, $0xFFFFF086  }
0x1c: {  	p1 =	slt.u32 s9, $0xF7A;
	s5 =	simm.s32 @!p2 $0x0  }
0x1d: {  	s5 =	simm.s32 @p1 $0x1;
	p0 =	seq.s32 s7, s2  }
0x1e: {  	s7 =	smul.u32 @!p0 $0xF7A, s2;
	p2 =	seq.s32 @!p0 s5, $0x0  }
0x1f: {  	s9 =	smul.u32 $0xF7A, s1;
	s8 =	simm.s32 @!p0 $0x1BF5;
	p2 =	por !p2, p0  }
0x20: {  	[sflag:s8] =	ssyncset.s32 @!p0 $0xFFFFF086;
	s6 =	sadd.s32 @!p0 s3, s7;
	s7 =	simm.s32 @!p0 $0x108  }
0x21: {  	s3 =	sadd.s32 s3, s9;
	s6 =	sadd.s32 @!p0 $0x88, s6;
	s7 =	simm.s32 @p2 $0x1082  }
0x22: {  	[simem:s7], [sflag:s8] =	dma.local @!p0 [hbm:s6], $0xF7A  }
0x23: {  	s9 =	sor.u32 $0xD0000000, s2;
	s6 =	simm.s32 $0x108;
	_ =	swait.ge @!p0 [sflag:s8], $0x0  }
0x24: {  	s3 =	sadd.s32 $0x88, s3;
	s6 =	simm.s32 @!p1 $0x1082;
	[sflag:s4] =	ssyncset.s32 $0xFFFFF086  }
0x25: {  	[simem:s6], [sflag:s4] =	dma.local [hbm:s3], $0xF7A  }
0x26: {  	[smem:$0x3FA0] =	sst s1;
	(tag) =	ssettag s2;
	_ =	strace s9  }
0x27: {  	s1 =	sld [smem:$0x3FB0]  }
0x28: {  	s2 =	sld [smem:$0x3FB1]  }
0x29: {  	s4 =	sld [smem:$0x3FB3]  }
0x2a: {  	p0 =	seq.s32 s5, $0x0;
	s5 =	sld [smem:$0x3FB4]  }
0x2b: {  	s6 =	sld [smem:$0x3FB5]  }
0x2c: {  	s7 =	sld [smem:$0x3FB6]  }
0x2d: {  	s3 =	simm.s32 $0x108;
	s8 =	sld [smem:$0x3FB7]  }
0x2e: {  	s3 =	simm.s32 @!p0 $0x1082;
	s9 =	sld [smem:$0x3FB8]  }
0x2f: {  	lr =	sadd.s32 s0, s3;
	s0 =	sld [smem:$0x3FAF]  }
0x30: {  	s3 =	sld [smem:$0x3FB2]  }
0x31: {  	[smem:$0x3FBB] =	sst s10  }
0x32: {  	s10 =	sld [smem:$0x3FB9];
	_ =	sdelay $0x3  }
0x33: {  	p0 =	seq.s32 s10, $0x1;
	s10 =	sld [smem:$0x3FBB];
	_ =	sdelay $0x3  }
0x34: {  	[smem:$0x3FBB] =	sst s10  }
0x35: {  	s10 =	sld [smem:$0x3FBA];
	_ =	sdelay $0x3  }
0x36: {  	p1 =	seq.s32 s10, $0x1;
	s10 =	sld [smem:$0x3FBB];
	_ =	sdelay $0x3  }
0x37: {  	[smem:$0x3FBB] =	sst s10  }
0x38: {  	s10 =	sld [smem:$0x3FBC]  }
0x39: {  	_ = 	snop;
	(pc) =	sbr.ind lr, $3  }
0x3a: {  	_ = 	snop  }
0x3b: {  	_ = 	snop  }
0x3c: {  	p2 =	seq.s32 s10, $0x1;
	s10 =	sld [smem:$0x3FBB]  }
0x3d: {  	_ =	shalt  }
0x3e: {  	_ =	shalt  }
0x3f: {  	_ =	shalt  }
0x40: {  	_ =	shalt  }
0x41: {  	_ =	shalt  }
0x42: {  	_ =	shalt  }
0x43: {  	_ =	shalt  }
0x44: {  	_ =	shalt  }
0x45: {  	_ =	shalt  }
0x46: {  	_ =	shalt  }
0x47: {  	_ =	shalt  }
0x48: {  	_ =	shalt  }
0x49: {  	_ =	shalt  }
0x4a: {  	_ =	shalt  }
0x4b: {  	_ =	shalt  }
0x4c: {  	_ =	shalt  }
0x4d: {  	_ =	shalt  }
0x4e: {  	_ =	shalt  }
0x4f: {  	_ =	shalt  }
0x50: {  	_ =	shalt  }
0x51: {  	_ =	shalt  }
0x52: {  	_ =	shalt  }
0x53: {  	_ =	shalt  }
0x54: {  	_ =	shalt  }
0x55: {  	_ =	shalt  }
0x56: {  	_ =	shalt  }
0x57: {  	_ =	shalt  }
0x58: {  	_ =	shalt  }
0x59: {  	_ =	shalt  }
0x5a: {  	_ =	shalt  }
0x5b: {  	_ =	shalt  }
0x5c: {  	_ =	shalt  }
0x5d: {  	_ =	shalt  }
0x5e: {  	_ =	shalt  }
0x5f: {  	_ =	shalt  }
0x60: {  	_ =	shalt  }
0x61: {  	_ =	shalt  }
0x62: {  	_ =	shalt  }
0x63: {  	_ =	shalt  }
0x64: {  	_ =	shalt  }
0x65: {  	_ =	shalt  }
0x66: {  	_ =	shalt  }
0x67: {  	_ =	shalt  }
0x68: {  	_ =	shalt  }
0x69: {  	_ =	shalt  }
0x6a: {  	_ =	shalt  }
0x6b: {  	_ =	shalt  }
0x6c: {  	_ =	shalt  }
0x6d: {  	_ =	shalt  }
0x6e: {  	_ =	shalt  }
0x6f: {  	_ =	shalt  }
0x70: {  	_ =	shalt  }
0x71: {  	_ =	shalt  }
0x72: {  	_ =	shalt  }
0x73: {  	_ =	shalt  }
0x74: {  	_ =	shalt  }
0x75: {  	_ =	shalt  }
0x76: {  	_ =	shalt  }
0x77: {  	_ =	shalt  }
0x78: {  	_ =	shalt  }
0x79: {  	_ =	shalt  }
0x7a: {  	_ =	shalt  }
0x7b: {  	_ =	shalt  }
0x7c: {  	_ =	shalt  }
0x7d: {  	_ =	shalt  }
0x7e: {  	_ =	shalt  }
0x7f: {  	_ =	shalt  }
0x80: {  	_ =	shalt  }
0x81: {  	_ =	shalt  }
0x82: {  	_ =	shalt  }
0x83: {  	_ =	shalt  }
0x84: {  	_ =	shalt  }
0x85: {  	_ =	shalt  }
0x86: {  	_ =	shalt  }
0x87: {  	_ =	shalt  }
.Lfunc_end0:
.L_simem_size_0:
called_computation_lowered:
.L_overlay_start_0:
0x88: {  	s2 =	sld [smem:$0x3FD9]  }
0x89: {  	s3 =	sld [smem:$0x3FFE];
	_ =	sdelay $0x1  }
0x8a: {  	s1 =	srdreg.scid  }
0x8b: {  	s0 =	sand.u32 $0x1, s1  }
0x8c: {  	s17 =	sshll.u32 s0, $0xA;
	s2 =	sadd.s32 s3, s2  }
0x8d: {  	s2 =	sadd.s32 s2, s17  }
0x8e: {  	[smem:$0x3FC7] =	sst s2  }
0x8f: {  	_ = 	snop  }
0x90: {  	s2 =	sld [smem:$0x3FD0];
	(tm) =	ssettm $0x1  }
0x91: {  	s18 =	sld [smem:$0x3FFB];
	_ =	sdelay $0x3  }
0x92: {  	_ =	strace s18  }
0x93: {  	s3 =	sld [smem:$0x3FFC];
	_ =	sdelay $0x3  }
0x94: {  	_ =	strace s3  }
0x95: {  	s3 =	sld [smem:$0x3FFD];
	_ =	sdelay $0x3  }
0x96: {  	_ =	strace s3  }
0x97: {  	_ =	strace $0x8FFFFFFF  }
0x98: {  	s19 =	sld [smem:$0x3FDB];
	_ =	sdelay $0x1  }
0x99: {  	s4 =	simm.s32 $_scs_section_size  }
0x9a: {  	s5 =	simm.s32 $_size__tile_overlayer_lowered;
	s6 =	simm.s32 $_tile_overlayer_lowered  }
0x9b: {  	s22 =	simm.s32 $0x1BFF;
	s21 =	sshll.u32 s6, $0x1;
	s3 =	sadd.s32 s4, s19  }
0x9c: {  	s7 =	simm.s32 $0x0;
	s20 =	sshll.u32 s5, $0x1;
	s5 =	sadd.s32 s21, s3  }
0x9d: {  	[timem:s7], [sflag:s22] =	dma.local [hbm:s5], s20  }
0x9e: {  	_ =	swait.ge [sflag:s22], s20  }
0x9f: {  	s4 =	ssub.s32 $0x0, s20;
	[sflag:s22] =	ssyncset.done $0x0  }
0xa0: {  	[sflag:s22] =	ssyncadd.s32 s4;
	_ =	sdelay $0x1  }
0xa1: {  	s23 =	simm.s32 $0x1B8B  }
0xa2: {  	_ =	swait.ge [sflag:s23], $0x1  }
0xa3: {  	[sflag:s23] =	ssyncset.done $0x0  }
0xa4: {  	s25 =	simm.s32 $0x1B8E;
	s24 =	sld [smem:$0x3FFE];
	[sflag:s23] =	ssyncadd.s32 $0xFFFFFFFF  }
0xa5: {  	s26 =	simm.s32 $execute0_lowered;
	[smem:$0x3FD2] =	sst s25  }
0xa6: {  	s5 =	sshll.u32 s26, $0x1;
	_ =	strace $0x80000046;
	[dreg:$0x1] =	wrdreg $0xFFFFFFFF  }
0xa7: {  	s28 =	simm.s32 $_size_execute0_lowered;
	s3 =	sadd.s32 s3, s5;
	[dreg:$0x0] =	wrdreg $0x0  }
0xa8: {  	s5 =	sshll.u32 s28, $0x1;
	[dreg:$0x2] =	wrdreg s3  }
0xa9: {  	[dreg:$0x3] =	wrdreg s5  }
0xaa: {  	[dreg:$0x4] =	wrdreg $0xC0  }
0xab: {  	_ =	task [dreg:s7], $0x5FFFF  }
0xac: {  	[dreg:$0x1] =	wrdreg $0xFFFFFFFF  }
0xad: {  	[dreg:$0x0] =	wrdreg $0x60  }
0xae: {  	[dreg:$0x2] =	wrdreg s24  }
0xaf: {  	[dreg:$0x3] =	wrdreg s2  }
0xb0: {  	[dreg:$0x4] =	wrdreg $0x9  }
0xb1: {  	_ =	task.clear_ibuf [dreg:s7], $0x5FFFF;
	_ =	strace $0x90000046  }
0xb2: {  	s29 =	simm.s32 $0x9;
	_ =	strace $0x80000048  }
0xb3: {  	_ =	swait.ge [sflag:s29], $0x1  }
0xb4: {  	[sflag:s29] =	ssyncadd.s32 $0xFFFFFFFF  }
0xb5: {  	_ =	strace $0x90000048  }
0xb6: {  	_ =	sfence  }
0xb7: {  	s30 =	sld [smem:$0x0];
	_ =	sdelay $0x2  }
0xb8: {  	s31 =	sshll.u32 s1, $0xD;
	s1 =	sshrl.u32 s1, $0x2  }
0xb9: {  	s3 =	sand.u32 $0x4000, s31;
	s1 =	sadd.s32 s1, s30  }
0xba: {  	s0 =	sor.u32 s3, s0;
	s1 =	sshll.u32 s1, $0x11  }
0xbb: {  	s0 =	sor.u32 s1, s0  }
0xbc: {  	s0 =	sadd.s32 $0x8F2B, s0  }
0xbd: {  	[sflag:s0] =	ssyncadd.remote.s32 $0x1  }
0xbe: {  	_ =	sfence.sel $0xFFFF  }
0xbf: {  	[dreg:$0x0] =	wrdreg $0xFFFFFFFF;
	(pc) =	sbr.abs _section_cstart, $3  }
0xc0: {  	[dreg:$0x1] =	wrdreg $0xFFFFFFFF  }
0xc1: {  	_ =	task.clear_ibuf [dreg:s7], $0x2FFFF;
	_ =	strace $0x9FFFFFFF  }
0xc2: {  	(tm) =	ssettm $0x7FFFFFFF  }
0xc3: {  	_ =	shalt  }
tec
execute0_lowered:
.L_overlay_start_1:
0x0: {  	(tag) =	ssettag $0x1  }
0x1: {  	s1 =	srdreg.scid;
	s0 =	stileid.u32  }
0x2: {  	s2 =	rddreg [dreg:$0x0];
	s5 =	sand.u32 $0x1, s1;
	s4 =	sshll.u32 s0, $0x1  }
0x3: {  	s6 =	rddreg [dreg:$0x1];
	s3 =	simm.s32 $0x0;
	s7 =	sor.u32 s5, s4  }
0x4: {  	s1 =	rddreg [dreg:$0x2];
	s8 =	sshll.u32 s7, $0x2;
	s4 =	smul.u32 $0x90000, s7  }
0x5: {  	[smem:$0x7FF] =	sst s3;
	s6 =	sadd.s32 s6, s8  }
0x6: {  	_ =	strace $0x80000047;
	[dreg:$0x3] =	wrdreg s6;
	s21 =	sor.u32 $0x4800, s4  }
0x7: {  	s22 =	sor.u32 $0x9000, s4;
	[dreg:$0x4] =	wrdreg s21  }
0x8: {  	s23 =	sor.u32 $0xD800, s4;
	[dreg:$0x5] =	wrdreg s22  }
0x9: {  	s24 =	sadd.s32 $0x12000, s4;
	[dreg:$0x6] =	wrdreg s23  }
0xa: {  	s25 =	sadd.s32 $0x16800, s4;
	[dreg:$0x7] =	wrdreg s24  }
0xb: {  	s26 =	sadd.s32 $0x1B000, s4;
	[dreg:$0x8] =	wrdreg s25  }
0xc: {  	s28 =	sadd.s32 $0x1F800, s4;
	[dreg:$0x9] =	wrdreg s26  }
0xd: {  	s29 =	sadd.s32 $0x24000, s4;
	[dreg:$0xa] =	wrdreg s28  }
0xe: {  	s30 =	sadd.s32 $0x28800, s4;
	[dreg:$0xb] =	wrdreg s29  }
0xf: {  	s31 =	sadd.s32 $0x2D000, s4;
	[dreg:$0xc] =	wrdreg s30  }
0x10: {  	s8 =	sadd.s32 $0x31800, s4;
	[dreg:$0xd] =	wrdreg s31  }
0x11: {  	s9 =	sadd.s32 $0x36000, s4;
	[dreg:$0xe] =	wrdreg s8  }
0x12: {  	s10 =	sadd.s32 $0x3A800, s4;
	[dreg:$0xf] =	wrdreg s9  }
0x13: {  	s11 =	sadd.s32 $0x3F000, s4;
	[dreg:$0x10] =	wrdreg s10  }
0x14: {  	s12 =	sadd.s32 $0x43800, s4;
	[dreg:$0x11] =	wrdreg s11  }
0x15: {  	s13 =	sadd.s32 $0x48000, s4;
	[dreg:$0x12] =	wrdreg s12  }
0x16: {  	s14 =	sadd.s32 $0x4C800, s4;
	[dreg:$0x13] =	wrdreg s13  }
0x17: {  	s15 =	sadd.s32 $0x51000, s4;
	[dreg:$0x14] =	wrdreg s14  }
0x18: {  	s16 =	sadd.s32 $0x55800, s4;
	[dreg:$0x15] =	wrdreg s15  }
0x19: {  	s17 =	sadd.s32 $0x5A000, s4;
	[dreg:$0x16] =	wrdreg s16  }
0x1a: {  	s18 =	sadd.s32 $0x5E800, s4;
	[dreg:$0x17] =	wrdreg s17  }
0x1b: {  	s19 =	sadd.s32 $0x63000, s4;
	[dreg:$0x18] =	wrdreg s18  }
0x1c: {  	s20 =	sadd.s32 $0x67800, s4;
	[dreg:$0x19] =	wrdreg s19  }
0x1d: {  	[dreg:$0x1a] =	wrdreg s20;
	s21 =	sadd.s32 $0x6C000, s4  }
0x1e: {  	s22 =	sadd.s32 $0x70800, s4;
	[dreg:$0x1b] =	wrdreg s21  }
0x1f: {  	s23 =	sadd.s32 $0x75000, s4;
	[dreg:$0x1c] =	wrdreg s22  }
0x20: {  	s24 =	sadd.s32 $0x79800, s4;
	[dreg:$0x1d] =	wrdreg s23  }
0x21: {  	s25 =	sadd.s32 $0x7E000, s4;
	[dreg:$0x1e] =	wrdreg s24  }
0x22: {  	s7 =	smul.u32 $0x1200, s7;
	s26 =	sadd.s32 $0x82800, s4;
	[dreg:$0x1f] =	wrdreg s25  }
0x23: {  	s28 =	sadd.s32 $0x87000, s4;
	[smem:$0x6DB] =	sst s26  }
0x24: {  	s7 =	sadd.s32 s7, s2;
	s29 =	sadd.s32 $0x8B800, s4;
	[smem:$0x6DC] =	sst s28  }
0x25: {  	s30 =	sadd.s32 $0x240000, s7;
	[smem:$0x6DD] =	sst s29  }
0x26: {  	s31 =	simm.s32 $0x480;
	[smem:$0x6DE] =	sst s30  }
0x27: {  	s7 =	simm.s32 $0x880;
	[smem:$0x6DF] =	sst s31  }
0x28: {  	s8 =	simm.s32 $0xC80;
	[smem:$0x6E0] =	sst s7  }
0x29: {  	s9 =	simm.s32 $0x1080;
	[smem:$0x6E1] =	sst s8  }
0x2a: {  	s10 =	simm.s32 $0x1480;
	[smem:$0x6E2] =	sst s9  }
0x2b: {  	s11 =	simm.s32 $0x1880;
	[smem:$0x6E3] =	sst s10  }
0x2c: {  	s12 =	simm.s32 $0x1C80;
	[smem:$0x6E4] =	sst s11  }
0x2d: {  	s13 =	simm.s32 $0x2080;
	[smem:$0x6E5] =	sst s12  }
0x2e: {  	s14 =	simm.s32 $0x100;
	[smem:$0x6E6] =	sst s13  }
0x2f: {  	s15 =	simm.s32 $0x500;
	[smem:$0x6E7] =	sst s14  }
0x30: {  	s16 =	simm.s32 $0x900;
	[smem:$0x6E8] =	sst s15  }
0x31: {  	s17 =	simm.s32 $0xD00;
	[smem:$0x6E9] =	sst s16  }
0x32: {  	s18 =	simm.s32 $0x1100;
	[smem:$0x6EA] =	sst s17  }
0x33: {  	s19 =	simm.s32 $0x1500;
	[smem:$0x6EB] =	sst s18  }
0x34: {  	s20 =	simm.s32 $0x1900;
	[smem:$0x6EC] =	sst s19  }
0x35: {  	[smem:$0x6ED] =	sst s20;
	s21 =	simm.s32 $0x1D00  }
0x36: {  	s22 =	simm.s32 $0x2100;
	[smem:$0x6EE] =	sst s21  }
0x37: {  	s23 =	simm.s32 $0x180;
	[smem:$0x6EF] =	sst s22  }
0x38: {  	s24 =	simm.s32 $0x580;
	[smem:$0x6F0] =	sst s23  }
0x39: {  	s25 =	simm.s32 $0x980;
	[smem:$0x6F1] =	sst s24  }
0x3a: {  	s26 =	simm.s32 $0xD80;
	[smem:$0x6F2] =	sst s25  }
0x3b: {  	s28 =	simm.s32 $0x1180;
	[smem:$0x6F3] =	sst s26  }
0x3c: {  	s29 =	simm.s32 $0x1580;
	[smem:$0x6F4] =	sst s28  }
0x3d: {  	s30 =	simm.s32 $0x1980;
	[smem:$0x6F5] =	sst s29  }
0x3e: {  	s31 =	simm.s32 $0x1D80;
	[smem:$0x6F6] =	sst s30  }
0x3f: {  	s7 =	simm.s32 $0x2180;
	[smem:$0x6F7] =	sst s31  }
0x40: {  	s8 =	simm.s32 $0x200;
	[smem:$0x6F8] =	sst s7  }
0x41: {  	s9 =	simm.s32 $0x600;
	[smem:$0x6F9] =	sst s8  }
0x42: {  	s10 =	simm.s32 $0xA00;
	[smem:$0x6FA] =	sst s9  }
0x43: {  	s11 =	simm.s32 $0xE00;
	[smem:$0x6FB] =	sst s10  }
0x44: {  	s12 =	simm.s32 $0x1200;
	[smem:$0x6FC] =	sst s11  }
0x45: {  	s13 =	simm.s32 $0x1600;
	[smem:$0x6FD] =	sst s12  }
0x46: {  	s14 =	simm.s32 $0x1A00;
	[smem:$0x6FE] =	sst s13  }
0x47: {  	s15 =	simm.s32 $0x1E00;
	[smem:$0x6FF] =	sst s14  }
0x48: {  	s16 =	simm.s32 $0x2200;
	[smem:$0x700] =	sst s15  }
0x49: {  	s17 =	simm.s32 $0x280;
	[smem:$0x701] =	sst s16  }
0x4a: {  	s18 =	simm.s32 $0x680;
	[smem:$0x702] =	sst s17  }
0x4b: {  	s19 =	simm.s32 $0xA80;
	[smem:$0x703] =	sst s18  }
0x4c: {  	s20 =	simm.s32 $0xE80;
	[smem:$0x704] =	sst s19  }
0x4d: {  	[smem:$0x705] =	sst s20;
	s21 =	simm.s32 $0x1280  }
0x4e: {  	s22 =	simm.s32 $0x1680;
	[smem:$0x706] =	sst s21  }
0x4f: {  	s23 =	simm.s32 $0x1A80;
	[smem:$0x707] =	sst s22  }
0x50: {  	s24 =	simm.s32 $0x1E80;
	[smem:$0x708] =	sst s23  }
0x51: {  	s25 =	simm.s32 $0x2280;
	[smem:$0x709] =	sst s24  }
0x52: {  	s26 =	simm.s32 $0x300;
	[smem:$0x70A] =	sst s25  }
0x53: {  	s28 =	simm.s32 $0x700;
	[smem:$0x70B] =	sst s26  }
0x54: {  	s29 =	simm.s32 $0xB00;
	[smem:$0x70C] =	sst s28  }
0x55: {  	s30 =	simm.s32 $0xF00;
	[smem:$0x70D] =	sst s29  }
0x56: {  	s31 =	simm.s32 $0x1300;
	[smem:$0x70E] =	sst s30  }
0x57: {  	s7 =	simm.s32 $0x1700;
	[smem:$0x70F] =	sst s31  }
0x58: {  	s8 =	simm.s32 $0x1B00;
	[smem:$0x710] =	sst s7  }
0x59: {  	s9 =	simm.s32 $0x1F00;
	[smem:$0x711] =	sst s8  }
0x5a: {  	s10 =	simm.s32 $0x2300;
	[smem:$0x712] =	sst s9  }
0x5b: {  	s11 =	simm.s32 $0x380;
	[smem:$0x713] =	sst s10  }
0x5c: {  	s12 =	simm.s32 $0x780;
	[smem:$0x714] =	sst s11  }
0x5d: {  	s13 =	simm.s32 $0xB80;
	[smem:$0x715] =	sst s12  }
0x5e: {  	s14 =	simm.s32 $0xF80;
	[smem:$0x716] =	sst s13  }
0x5f: {  	s15 =	simm.s32 $0x1380;
	[smem:$0x717] =	sst s14  }
0x60: {  	s16 =	simm.s32 $0x1780;
	[smem:$0x718] =	sst s15  }
0x61: {  	s17 =	simm.s32 $0x1B80;
	[smem:$0x719] =	sst s16  }
0x62: {  	s18 =	simm.s32 $0x1F80;
	[smem:$0x71A] =	sst s17  }
0x63: {  	s19 =	simm.s32 $0x2380;
	[smem:$0x71B] =	sst s18  }
0x64: {  	s20 =	simm.s32 $0x400;
	[smem:$0x71C] =	sst s19  }
0x65: {  	[smem:$0x71D] =	sst s20;
	s21 =	simm.s32 $0x800  }
0x66: {  	s22 =	simm.s32 $0xC00;
	[smem:$0x71E] =	sst s21  }
0x67: {  	s23 =	simm.s32 $0x1000;
	[smem:$0x71F] =	sst s22  }
0x68: {  	s24 =	simm.s32 $0x1400;
	[smem:$0x720] =	sst s23  }
0x69: {  	s25 =	simm.s32 $0x1800;
	[smem:$0x721] =	sst s24  }
0x6a: {  	s26 =	simm.s32 $0x1C00;
	[smem:$0x722] =	sst s25  }
0x6b: {  	s28 =	simm.s32 $0x2000;
	[smem:$0x723] =	sst s26  }
0x6c: {  	s29 =	simm.s32 $0x2400;
	[smem:$0x724] =	sst s28  }
0x6d: {  	s30 =	simm.s32 $0x2480;
	[smem:$0x725] =	sst s29  }
0x6e: {  	s31 =	simm.s32 $0x2880;
	[smem:$0x726] =	sst s30  }
0x6f: {  	s7 =	simm.s32 $0x2C80;
	[smem:$0x727] =	sst s31  }
0x70: {  	s8 =	simm.s32 $0x3080;
	[smem:$0x728] =	sst s7  }
0x71: {  	s9 =	simm.s32 $0x3480;
	[smem:$0x729] =	sst s8  }
0x72: {  	s10 =	simm.s32 $0x3880;
	[smem:$0x72A] =	sst s9  }
0x73: {  	s11 =	simm.s32 $0x3C80;
	[smem:$0x72B] =	sst s10  }
0x74: {  	s12 =	simm.s32 $0x4080;
	[smem:$0x72C] =	sst s11  }
0x75: {  	s13 =	simm.s32 $0x4480;
	[smem:$0x72D] =	sst s12  }
0x76: {  	s14 =	simm.s32 $0x2500;
	[smem:$0x72E] =	sst s13  }
0x77: {  	s15 =	simm.s32 $0x2900;
	[smem:$0x72F] =	sst s14  }
0x78: {  	s16 =	simm.s32 $0x2D00;
	[smem:$0x730] =	sst s15  }
0x79: {  	s17 =	simm.s32 $0x3100;
	[smem:$0x731] =	sst s16  }
0x7a: {  	s18 =	simm.s32 $0x3500;
	[smem:$0x732] =	sst s17  }
0x7b: {  	s19 =	simm.s32 $0x3900;
	[smem:$0x733] =	sst s18  }
0x7c: {  	s20 =	simm.s32 $0x3D00;
	[smem:$0x734] =	sst s19  }
0x7d: {  	[smem:$0x735] =	sst s20;
	s21 =	simm.s32 $0x4100  }
0x7e: {  	s22 =	simm.s32 $0x4500;
	[smem:$0x736] =	sst s21  }
0x7f: {  	s23 =	simm.s32 $0x2580;
	[smem:$0x737] =	sst s22  }
0x80: {  	s24 =	simm.s32 $0x2980;
	[smem:$0x738] =	sst s23  }
0x81: {  	s25 =	simm.s32 $0x2D80;
	[smem:$0x739] =	sst s24  }
0x82: {  	s26 =	simm.s32 $0x3180;
	[smem:$0x73A] =	sst s25  }
0x83: {  	s28 =	simm.s32 $0x3580;
	[smem:$0x73B] =	sst s26  }
0x84: {  	s29 =	simm.s32 $0x3980;
	[smem:$0x73C] =	sst s28  }
0x85: {  	s30 =	simm.s32 $0x3D80;
	[smem:$0x73D] =	sst s29  }
0x86: {  	s31 =	simm.s32 $0x4180;
	[smem:$0x73E] =	sst s30  }
0x87: {  	s7 =	simm.s32 $0x4580;
	[smem:$0x73F] =	sst s31  }
0x88: {  	s8 =	simm.s32 $0x2600;
	[smem:$0x740] =	sst s7  }
0x89: {  	s9 =	simm.s32 $0x2A00;
	[smem:$0x741] =	sst s8  }
0x8a: {  	s10 =	simm.s32 $0x2E00;
	[smem:$0x742] =	sst s9  }
0x8b: {  	s11 =	simm.s32 $0x3200;
	[smem:$0x743] =	sst s10  }
0x8c: {  	s12 =	simm.s32 $0x3600;
	[smem:$0x744] =	sst s11  }
0x8d: {  	s13 =	simm.s32 $0x3A00;
	[smem:$0x745] =	sst s12  }
0x8e: {  	s14 =	simm.s32 $0x3E00;
	[smem:$0x746] =	sst s13  }
0x8f: {  	s15 =	simm.s32 $0x4200;
	[smem:$0x747] =	sst s14  }
0x90: {  	s16 =	simm.s32 $0x4600;
	[smem:$0x748] =	sst s15  }
0x91: {  	s17 =	simm.s32 $0x2680;
	[smem:$0x749] =	sst s16  }
0x92: {  	s18 =	simm.s32 $0x2A80;
	[smem:$0x74A] =	sst s17  }
0x93: {  	s19 =	simm.s32 $0x2E80;
	[smem:$0x74B] =	sst s18  }
0x94: {  	s20 =	simm.s32 $0x3280;
	[smem:$0x74C] =	sst s19  }
0x95: {  	[smem:$0x74D] =	sst s20;
	s21 =	simm.s32 $0x3680  }
0x96: {  	s22 =	simm.s32 $0x3A80;
	[smem:$0x74E] =	sst s21  }
0x97: {  	s23 =	simm.s32 $0x3E80;
	[smem:$0x74F] =	sst s22  }
0x98: {  	s24 =	simm.s32 $0x4280;
	[smem:$0x750] =	sst s23  }
0x99: {  	s25 =	simm.s32 $0x4680;
	[smem:$0x751] =	sst s24  }
0x9a: {  	s26 =	simm.s32 $0x2700;
	[smem:$0x752] =	sst s25  }
0x9b: {  	s28 =	simm.s32 $0x2B00;
	[smem:$0x753] =	sst s26  }
0x9c: {  	s29 =	simm.s32 $0x2F00;
	[smem:$0x754] =	sst s28  }
0x9d: {  	s30 =	simm.s32 $0x3300;
	[smem:$0x755] =	sst s29  }
0x9e: {  	s31 =	simm.s32 $0x3700;
	[smem:$0x756] =	sst s30  }
0x9f: {  	s7 =	simm.s32 $0x3B00;
	[smem:$0x757] =	sst s31  }
0xa0: {  	s8 =	simm.s32 $0x3F00;
	[smem:$0x758] =	sst s7  }
0xa1: {  	s9 =	simm.s32 $0x4300;
	[smem:$0x759] =	sst s8  }
0xa2: {  	s10 =	simm.s32 $0x4700;
	[smem:$0x75A] =	sst s9  }
0xa3: {  	s11 =	simm.s32 $0x2780;
	[smem:$0x75B] =	sst s10  }
0xa4: {  	s12 =	simm.s32 $0x2B80;
	[smem:$0x75C] =	sst s11  }
0xa5: {  	s13 =	simm.s32 $0x2F80;
	[smem:$0x75D] =	sst s12  }
0xa6: {  	s14 =	simm.s32 $0x3380;
	[smem:$0x75E] =	sst s13  }
0xa7: {  	s15 =	simm.s32 $0x3780;
	[smem:$0x75F] =	sst s14  }
0xa8: {  	s16 =	simm.s32 $0x3B80;
	[smem:$0x760] =	sst s15  }
0xa9: {  	s17 =	simm.s32 $0x3F80;
	[smem:$0x761] =	sst s16  }
0xaa: {  	s18 =	simm.s32 $0x4380;
	[smem:$0x762] =	sst s17  }
0xab: {  	s19 =	simm.s32 $0x4780;
	[smem:$0x763] =	sst s18  }
0xac: {  	s20 =	simm.s32 $0x2800;
	[smem:$0x764] =	sst s19  }
0xad: {  	[smem:$0x765] =	sst s20;
	s21 =	simm.s32 $0x2C00  }
0xae: {  	s22 =	simm.s32 $0x3000;
	[smem:$0x766] =	sst s21  }
0xaf: {  	s23 =	simm.s32 $0x3400;
	[smem:$0x767] =	sst s22  }
0xb0: {  	s24 =	simm.s32 $0x3800;
	[smem:$0x768] =	sst s23  }
0xb1: {  	s25 =	simm.s32 $0x3C00;
	[smem:$0x769] =	sst s24  }
0xb2: {  	s26 =	simm.s32 $0x4000;
	[smem:$0x76A] =	sst s25  }
0xb3: {  	s28 =	simm.s32 $0x4400;
	[smem:$0x76B] =	sst s26  }
0xb4: {  	s29 =	simm.s32 $0x4800;
	[smem:$0x76C] =	sst s28  }
0xb5: {  	s30 =	simm.s32 $0x4880;
	[smem:$0x76D] =	sst s29  }
0xb6: {  	s31 =	simm.s32 $0x4C80;
	[smem:$0x76E] =	sst s30  }
0xb7: {  	s7 =	simm.s32 $0x5080;
	[smem:$0x76F] =	sst s31  }
0xb8: {  	s8 =	simm.s32 $0x5480;
	[smem:$0x770] =	sst s7  }
0xb9: {  	s9 =	simm.s32 $0x5880;
	[smem:$0x771] =	sst s8  }
0xba: {  	s10 =	simm.s32 $0x5C80;
	[smem:$0x772] =	sst s9  }
0xbb: {  	s11 =	simm.s32 $0x6080;
	[smem:$0x773] =	sst s10  }
0xbc: {  	s12 =	simm.s32 $0x6480;
	[smem:$0x774] =	sst s11  }
0xbd: {  	s13 =	simm.s32 $0x6880;
	[smem:$0x775] =	sst s12  }
0xbe: {  	s14 =	simm.s32 $0x4900;
	[smem:$0x776] =	sst s13  }
0xbf: {  	s15 =	simm.s32 $0x4D00;
	[smem:$0x777] =	sst s14  }
0xc0: {  	s16 =	simm.s32 $0x5100;
	[smem:$0x778] =	sst s15  }
0xc1: {  	s17 =	simm.s32 $0x5500;
	[smem:$0x779] =	sst s16  }
0xc2: {  	s18 =	simm.s32 $0x5900;
	[smem:$0x77A] =	sst s17  }
0xc3: {  	s19 =	simm.s32 $0x5D00;
	[smem:$0x77B] =	sst s18  }
0xc4: {  	s20 =	simm.s32 $0x6100;
	[smem:$0x77C] =	sst s19  }
0xc5: {  	[smem:$0x77D] =	sst s20;
	s21 =	simm.s32 $0x6500  }
0xc6: {  	s22 =	simm.s32 $0x6900;
	[smem:$0x77E] =	sst s21  }
0xc7: {  	s23 =	simm.s32 $0x4980;
	[smem:$0x77F] =	sst s22  }
0xc8: {  	s24 =	simm.s32 $0x4D80;
	[smem:$0x780] =	sst s23  }
0xc9: {  	s25 =	simm.s32 $0x5180;
	[smem:$0x781] =	sst s24  }
0xca: {  	s26 =	simm.s32 $0x5580;
	[smem:$0x782] =	sst s25  }
0xcb: {  	s28 =	simm.s32 $0x5980;
	[smem:$0x783] =	sst s26  }
0xcc: {  	s29 =	simm.s32 $0x5D80;
	[smem:$0x784] =	sst s28  }
0xcd: {  	s30 =	simm.s32 $0x6180;
	[smem:$0x785] =	sst s29  }
0xce: {  	s31 =	simm.s32 $0x6580;
	[smem:$0x786] =	sst s30  }
0xcf: {  	s7 =	simm.s32 $0x6980;
	[smem:$0x787] =	sst s31  }
0xd0: {  	s8 =	simm.s32 $0x4A00;
	[smem:$0x788] =	sst s7  }
0xd1: {  	s9 =	simm.s32 $0x4E00;
	[smem:$0x789] =	sst s8  }
0xd2: {  	s10 =	simm.s32 $0x5200;
	[smem:$0x78A] =	sst s9  }
0xd3: {  	s11 =	simm.s32 $0x5600;
	[smem:$0x78B] =	sst s10  }
0xd4: {  	s12 =	simm.s32 $0x5A00;
	[smem:$0x78C] =	sst s11  }
0xd5: {  	s13 =	simm.s32 $0x5E00;
	[smem:$0x78D] =	sst s12  }
0xd6: {  	s14 =	simm.s32 $0x6200;
	[smem:$0x78E] =	sst s13  }
0xd7: {  	s15 =	simm.s32 $0x6600;
	[smem:$0x78F] =	sst s14  }
0xd8: {  	s16 =	simm.s32 $0x6A00;
	[smem:$0x790] =	sst s15  }
0xd9: {  	s17 =	simm.s32 $0x4A80;
	[smem:$0x791] =	sst s16  }
0xda: {  	s18 =	simm.s32 $0x4E80;
	[smem:$0x792] =	sst s17  }
0xdb: {  	s19 =	simm.s32 $0x5280;
	[smem:$0x793] =	sst s18  }
0xdc: {  	s20 =	simm.s32 $0x5680;
	[smem:$0x794] =	sst s19  }
0xdd: {  	[smem:$0x795] =	sst s20;
	s21 =	simm.s32 $0x5A80  }
0xde: {  	s22 =	simm.s32 $0x5E80;
	[smem:$0x796] =	sst s21  }
0xdf: {  	s23 =	simm.s32 $0x6280;
	[smem:$0x797] =	sst s22  }
0xe0: {  	s24 =	simm.s32 $0x6680;
	[smem:$0x798] =	sst s23  }
0xe1: {  	s25 =	simm.s32 $0x6A80;
	[smem:$0x799] =	sst s24  }
0xe2: {  	s26 =	simm.s32 $0x4B00;
	[smem:$0x79A] =	sst s25  }
0xe3: {  	s28 =	simm.s32 $0x4F00;
	[smem:$0x79B] =	sst s26  }
0xe4: {  	s29 =	simm.s32 $0x5300;
	[smem:$0x79C] =	sst s28  }
0xe5: {  	s30 =	simm.s32 $0x5700;
	[smem:$0x79D] =	sst s29  }
0xe6: {  	s31 =	simm.s32 $0x5B00;
	[smem:$0x79E] =	sst s30  }
0xe7: {  	s7 =	simm.s32 $0x5F00;
	[smem:$0x79F] =	sst s31  }
0xe8: {  	s8 =	simm.s32 $0x6300;
	[smem:$0x7A0] =	sst s7  }
0xe9: {  	s9 =	simm.s32 $0x6700;
	[smem:$0x7A1] =	sst s8  }
0xea: {  	s10 =	simm.s32 $0x6B00;
	[smem:$0x7A2] =	sst s9  }
0xeb: {  	s11 =	simm.s32 $0x4B80;
	[smem:$0x7A3] =	sst s10  }
0xec: {  	s12 =	simm.s32 $0x4F80;
	[smem:$0x7A4] =	sst s11  }
0xed: {  	s13 =	simm.s32 $0x5380;
	[smem:$0x7A5] =	sst s12  }
0xee: {  	s14 =	simm.s32 $0x5780;
	[smem:$0x7A6] =	sst s13  }
0xef: {  	s15 =	simm.s32 $0x5B80;
	[smem:$0x7A7] =	sst s14  }
0xf0: {  	s16 =	simm.s32 $0x5F80;
	[smem:$0x7A8] =	sst s15  }
0xf1: {  	s17 =	simm.s32 $0x6380;
	[smem:$0x7A9] =	sst s16  }
0xf2: {  	s18 =	simm.s32 $0x6780;
	[smem:$0x7AA] =	sst s17  }
0xf3: {  	s19 =	simm.s32 $0x6B80;
	[smem:$0x7AB] =	sst s18  }
0xf4: {  	s20 =	simm.s32 $0x4C00;
	[smem:$0x7AC] =	sst s19  }
0xf5: {  	[smem:$0x7AD] =	sst s20;
	s21 =	simm.s32 $0x5000  }
0xf6: {  	s22 =	simm.s32 $0x5400;
	[smem:$0x7AE] =	sst s21  }
0xf7: {  	s23 =	simm.s32 $0x5800;
	[smem:$0x7AF] =	sst s22  }
0xf8: {  	s24 =	simm.s32 $0x5C00;
	[smem:$0x7B0] =	sst s23  }
0xf9: {  	s25 =	simm.s32 $0x6000;
	[smem:$0x7B1] =	sst s24  }
0xfa: {  	s26 =	simm.s32 $0x6400;
	[smem:$0x7B2] =	sst s25  }
0xfb: {  	s28 =	simm.s32 $0x6800;
	[smem:$0x7B3] =	sst s26  }
0xfc: {  	s29 =	simm.s32 $0x6C00;
	[smem:$0x7B4] =	sst s28  }
0xfd: {  	s30 =	simm.s32 $0x6C80;
	[smem:$0x7B5] =	sst s29  }
0xfe: {  	s31 =	simm.s32 $0x7080;
	[smem:$0x7B6] =	sst s30  }
0xff: {  	s7 =	simm.s32 $0x7480;
	[smem:$0x7B7] =	sst s31  }
0x100: {  	s8 =	simm.s32 $0x7880;
	[smem:$0x7B8] =	sst s7  }
0x101: {  	s9 =	simm.s32 $0x7C80;
	[smem:$0x7B9] =	sst s8  }
0x102: {  	s10 =	simm.s32 $0x8080;
	[smem:$0x7BA] =	sst s9  }
0x103: {  	s11 =	simm.s32 $0x8480;
	[smem:$0x7BB] =	sst s10  }
0x104: {  	s12 =	simm.s32 $0x8880;
	[smem:$0x7BC] =	sst s11  }
0x105: {  	s13 =	simm.s32 $0x8C80;
	[smem:$0x7BD] =	sst s12  }
0x106: {  	s14 =	simm.s32 $0x6D00;
	[smem:$0x7BE] =	sst s13  }
0x107: {  	s15 =	simm.s32 $0x7100;
	[smem:$0x7BF] =	sst s14  }
0x108: {  	s16 =	simm.s32 $0x7500;
	[smem:$0x7C0] =	sst s15  }
0x109: {  	s17 =	simm.s32 $0x7900;
	[smem:$0x7C1] =	sst s16  }
0x10a: {  	s18 =	simm.s32 $0x7D00;
	[smem:$0x7C2] =	sst s17  }
0x10b: {  	s19 =	simm.s32 $0x8100;
	[smem:$0x7C3] =	sst s18  }
0x10c: {  	s20 =	simm.s32 $0x8500;
	[smem:$0x7C4] =	sst s19  }
0x10d: {  	[smem:$0x7C5] =	sst s20;
	s21 =	simm.s32 $0x8900  }
0x10e: {  	s22 =	simm.s32 $0x8D00;
	[smem:$0x7C6] =	sst s21  }
0x10f: {  	s23 =	simm.s32 $0x6D80;
	[smem:$0x7C7] =	sst s22  }
0x110: {  	s24 =	simm.s32 $0x7180;
	[smem:$0x7C8] =	sst s23  }
0x111: {  	s25 =	simm.s32 $0x7580;
	[smem:$0x7C9] =	sst s24  }
0x112: {  	s26 =	simm.s32 $0x7980;
	[smem:$0x7CA] =	sst s25  }
0x113: {  	s28 =	simm.s32 $0x7D80;
	[smem:$0x7CB] =	sst s26  }
0x114: {  	s29 =	simm.s32 $0x8180;
	[smem:$0x7CC] =	sst s28  }
0x115: {  	s30 =	simm.s32 $0x8580;
	[smem:$0x7CD] =	sst s29  }
0x116: {  	s31 =	simm.s32 $0x8980;
	[smem:$0x7CE] =	sst s30  }
0x117: {  	s7 =	simm.s32 $0x8D80;
	[smem:$0x7CF] =	sst s31  }
0x118: {  	s8 =	simm.s32 $0x6E00;
	[smem:$0x7D0] =	sst s7  }
0x119: {  	s9 =	simm.s32 $0x7200;
	[smem:$0x7D1] =	sst s8  }
0x11a: {  	s10 =	simm.s32 $0x7600;
	[smem:$0x7D2] =	sst s9  }
0x11b: {  	s11 =	simm.s32 $0x7A00;
	[smem:$0x7D3] =	sst s10  }
0x11c: {  	s12 =	simm.s32 $0x7E00;
	[smem:$0x7D4] =	sst s11  }
0x11d: {  	s13 =	simm.s32 $0x8200;
	[smem:$0x7D5] =	sst s12  }
0x11e: {  	s14 =	simm.s32 $0x8600;
	[smem:$0x7D6] =	sst s13  }
0x11f: {  	s15 =	simm.s32 $0x8A00;
	[smem:$0x7D7] =	sst s14  }
0x120: {  	s16 =	simm.s32 $0x8E00;
	[smem:$0x7D8] =	sst s15  }
0x121: {  	s17 =	simm.s32 $0x6E80;
	[smem:$0x7D9] =	sst s16  }
0x122: {  	s18 =	simm.s32 $0x7280;
	[smem:$0x7DA] =	sst s17  }
0x123: {  	s19 =	simm.s32 $0x8800;
	[smem:$0x7DB] =	sst s18  }
0x124: {  	s20 =	simm.s32 $0x8400;
	[smem:$0x7DC] =	sst s19  }
0x125: {  	s21 =	simm.s32 $0x7680;
	[smem:$0x7DD] =	sst s20  }
0x126: {  	s22 =	simm.s32 $0x7A80;
	[smem:$0x7DE] =	sst s21  }
0x127: {  	s23 =	simm.s32 $0x7E80;
	[smem:$0x7DF] =	sst s22  }
0x128: {  	s24 =	simm.s32 $0x8280;
	[smem:$0x7E0] =	sst s23  }
0x129: {  	s25 =	simm.s32 $0x8680;
	[smem:$0x7E1] =	sst s24  }
0x12a: {  	s26 =	simm.s32 $0x8A80;
	[smem:$0x7E2] =	sst s25  }
0x12b: {  	s28 =	simm.s32 $0x8E80;
	[smem:$0x7E3] =	sst s26  }
0x12c: {  	s29 =	simm.s32 $0x6F00;
	[smem:$0x7E4] =	sst s28  }
0x12d: {  	s30 =	simm.s32 $0x7300;
	[smem:$0x7E5] =	sst s29  }
0x12e: {  	s31 =	simm.s32 $0x7700;
	[smem:$0x7E6] =	sst s30  }
0x12f: {  	s8 =	simm.s32 $0x7B00;
	[smem:$0x7E7] =	sst s31  }
0x130: {  	s9 =	simm.s32 $0x7F00;
	[smem:$0x7E8] =	sst s8  }
0x131: {  	s10 =	simm.s32 $0x8300;
	[smem:$0x7E9] =	sst s9  }
0x132: {  	s11 =	simm.s32 $0x8700;
	[smem:$0x7EA] =	sst s10  }
0x133: {  	s12 =	simm.s32 $0x8B00;
	[smem:$0x7EB] =	sst s11  }
0x134: {  	s13 =	simm.s32 $0x8F00;
	[smem:$0x7EC] =	sst s12  }
0x135: {  	s14 =	simm.s32 $0x6F80;
	[smem:$0x7ED] =	sst s13  }
0x136: {  	s15 =	simm.s32 $0x7380;
	[smem:$0x7EE] =	sst s14  }
0x137: {  	s16 =	simm.s32 $0x7780;
	[smem:$0x7EF] =	sst s15  }
0x138: {  	s17 =	simm.s32 $0x7B80;
	[smem:$0x7F0] =	sst s16  }
0x139: {  	s18 =	simm.s32 $0x7F80;
	[smem:$0x7F1] =	sst s17  }
0x13a: {  	s19 =	simm.s32 $0x8380;
	[smem:$0x7F2] =	sst s18  }
0x13b: {  	s20 =	simm.s32 $0x8780;
	[smem:$0x7F3] =	sst s19  }
0x13c: {  	s21 =	simm.s32 $0x8B80;
	[smem:$0x7F4] =	sst s20  }
0x13d: {  	s22 =	simm.s32 $0x8F80;
	[smem:$0x7F5] =	sst s21  }
0x13e: {  	s23 =	simm.s32 $0x7000;
	[smem:$0x7F6] =	sst s22  }
0x13f: {  	s24 =	simm.s32 $0x7400;
	[smem:$0x7F7] =	sst s23  }
0x140: {  	s5 =	ssub.s32 $0x2, s5;
	s25 =	simm.s32 $0x7800;
	[smem:$0x7F8] =	sst s24  }
0x141: {  	s6 =	simm.s32 $0x2;
	s28 =	simm.s32 $0x7C00;
	[smem:$0x7F9] =	sst s25  }
0x142: {  	s7 =	simm.s32 $0x80;
	s29 =	simm.s32 $0x8000;
	[smem:$0x7FA] =	sst s28  }
0x143: {  	s26 =	sshrl.u32 s5, $0x1;
	s30 =	simm.s32 $0x8C00;
	[smem:$0x7FB] =	sst s29  }
0x144: {  	s31 =	simm.s32 $0x9000;
	s5 =	ssub.s32 s5, s26;
	[smem:$0x7FC] =	sst s30  }
0x145: {  	s8 =	simm.s32 $0x1;
	[smem:$0x7FD] =	sst s31;
	s5 =	smax.u32 s5, $0x1  }
.LBB2_1:
0x146: {  	s9 =	rddreg [dreg:$0x3]  }
0x147: {  	[tilespmem:s3], [sflag:$0x2] =	stream.linear.gather [hbm4b:s9+s3], $0x20, $0x38;
	[tilespmem:$0x9080] =	vst v63  }
0x148: {  	_ =	swait.ge [sflag:s6], $0x20  }
0x149: {  	[sflag:s6] =	ssyncset.done $0x0  }
0x14a: {  	[sflag:s6] =	ssyncadd.s32 $0xFFFFFFE0  }
0x14b: {  	v1 =	vld [tilespmem:$0x0];
	_ =	sdelay $0x4  }
0x14c: {  	(v2sf) =	vpush v1, $0x0;
	_ =	sdelay $0xe  }
0x14d: {  	s17 =	spop (v2sf)  }
0x14e: {  	s10 =	sshrl.u32 s17, $0x3  }
0x14f: {  	s10 =	smul.u32 $0x2400, s10  }
0x150: {  	s9 =	sshll.u32 s17, $0x7  }
0x151: {  	(v2sf) =	vpush v1, $0x1;
	s9 =	sand.u32 $0x380, s9;
	s10 =	sadd.s32 s4, s10  }
0x152: {  	s9 =	sor.u32 s9, s10  }
0x153: {  	s9 =	sshrl.u32 s9, $0x3  }
0x154: {  	s18 =	sld [smem:$0x6DF];
	s9 =	sadd.s32 s2, s9  }
0x155: {  	v0 =	vld [tilespmem:$0x10];
	[tilespmem:s7], [sflag:$0x1] =	stream.linear.gather [hbm4b:s9+s3], $0x80, $0x38  }
0x156: {  	s12 =	sld [smem:$0x6E0];
	s11 =	sadd.s32 $0x80, s9  }
0x157: {  	[tilespmem:s18], [sflag:$0x1] =	stream.linear.gather [hbm4b:s11+s3], $0x80, $0x38;
	[tilespmem:$0x9080] =	vst v63  }
0x158: {  	s20 =	sld [smem:$0x6E1];
	s19 =	sadd.s32 $0x100, s9  }
0x159: {  	[tilespmem:s12], [sflag:$0x1] =	stream.linear.gather [hbm4b:s19+s3], $0x80, $0x38;
	[tilespmem:$0x9080] =	vst v63  }
0x15a: {  	s22 =	sld [smem:$0x6E2];
	s21 =	sadd.s32 $0x180, s9  }
0x15b: {  	[tilespmem:s20], [sflag:$0x1] =	stream.linear.gather [hbm4b:s21+s3], $0x80, $0x38;
	[tilespmem:$0x9080] =	vst v63  }
0x15c: {  	s24 =	sld [smem:$0x6E3];
	s23 =	sadd.s32 $0x200, s9  }
0x15d: {  	[tilespmem:s22], [sflag:$0x1] =	stream.linear.gather [hbm4b:s23+s3], $0x80, $0x38;
	[tilespmem:$0x9080] =	vst v63  }
0x15e: {  	s26 =	sld [smem:$0x6E4];
	s25 =	sadd.s32 $0x280, s9  }
0x15f: {  	[tilespmem:s24], [sflag:$0x1] =	stream.linear.gather [hbm4b:s25+s3], $0x80, $0x38;
	[tilespmem:$0x9080] =	vst v63  }
0x160: {  	s29 =	sld [smem:$0x6E5];
	s28 =	sadd.s32 $0x300, s9;
	s12 =	spop (v2sf)  }
0x161: {  	[tilespmem:s26], [sflag:$0x1] =	stream.linear.gather [hbm4b:s28+s3], $0x80, $0x38;
	[tilespmem:$0x9080] =	vst v63  }
0x162: {  	s31 =	sld [smem:$0x6E6];
	s30 =	sadd.s32 $0x380, s9;
	s13 =	sshrl.u32 s12, $0x3  }
0x163: {  	[tilespmem:s29], [sflag:$0x1] =	stream.linear.gather [hbm4b:s30+s3], $0x80, $0x38;
	[tilespmem:$0x9080] =	vst v63  }
0x164: {  	s9 =	sadd.s32 $0x400, s9;
	s10 =	smul.u32 $0x2400, s13  }
0x165: {  	[tilespmem:s31], [sflag:$0x1] =	stream.linear.gather [hbm4b:s9+s3], $0x80, $0x38;
	[tilespmem:$0x9080] =	vst v63  }
0x166: {  	s14 =	rddreg [dreg:$0x4];
	s9 =	sshll.u32 s12, $0x7  }
0x167: {  	(v2sf) =	vpush v1, $0x2;
	s10 =	sadd.s32 s10, s14;
	s9 =	sand.u32 $0x380, s9  }
0x168: {  	s15 =	sld [smem:$0x6E7];
	s9 =	sor.u32 s9, s10  }
0x169: {  	s9 =	sshrl.u32 s9, $0x3  }
0x16a: {  	s16 =	sld [smem:$0x6E8];
	s9 =	sadd.s32 s2, s9  }
0x16b: {  	[tilespmem:s15], [sflag:$0x1] =	stream.linear.gather [hbm4b:s9+s3], $0x80, $0x38;
	[tilespmem:$0x9080] =	vst v63  }
0x16c: {  	s18 =	sld [smem:$0x6E9];
	s17 =	sadd.s32 $0x80, s9  }
0x16d: {  	[tilespmem:s16], [sflag:$0x1] =	stream.linear.gather [hbm4b:s17+s3], $0x80, $0x38;
	[tilespmem:$0x9080] =	vst v63  }
0x16e: {  	s20 =	sld [smem:$0x6EA];
	s19 =	sadd.s32 $0x100, s9  }
0x16f: {  	[tilespmem:s18], [sflag:$0x1] =	stream.linear.gather [hbm4b:s19+s3], $0x80, $0x38;
	[tilespmem:$0x9080] =	vst v63  }
0x170: {  	s22 =	sld [smem:$0x6EB];
	s21 =	sadd.s32 $0x180, s9  }
0x171: {  	[tilespmem:s20], [sflag:$0x1] =	stream.linear.gather [hbm4b:s21+s3], $0x80, $0x38;
	[tilespmem:$0x9080] =	vst v63  }
0x172: {  	s24 =	sld [smem:$0x6EC];
	s23 =	sadd.s32 $0x200, s9  }
0x173: {  	[tilespmem:s22], [sflag:$0x1] =	stream.linear.gather [hbm4b:s23+s3], $0x80, $0x38;
	[tilespmem:$0x9080] =	vst v63  }
0x174: {  	s26 =	sld [smem:$0x6ED];
	s25 =	sadd.s32 $0x280, s9  }
0x175: {  	[tilespmem:s24], [sflag:$0x1] =	stream.linear.gather [hbm4b:s25+s3], $0x80, $0x38;
	[tilespmem:$0x9080] =	vst v63  }
0x176: {  	s29 =	sld [smem:$0x6EE];
	s28 =	sadd.s32 $0x300, s9;
	s12 =	spop (v2sf)  }
0x177: {  	[tilespmem:s26], [sflag:$0x1] =	stream.linear.gather [hbm4b:s28+s3], $0x80, $0x38;
	[tilespmem:$0x9080] =	vst v63  }
0x178: {  	s31 =	sld [smem:$0x6EF];
	s30 =	sadd.s32 $0x380, s9;
	s13 =	sshrl.u32 s12, $0x3  }
0x179: {  	[tilespmem:s29], [sflag:$0x1] =	stream.linear.gather [hbm4b:s30+s3], $0x80, $0x38;
	[tilespmem:$0x9080] =	vst v63  }
0x17a: {  	s9 =	sadd.s32 $0x400, s9;
	s10 =	smul.u32 $0x2400, s13  }
0x17b: {  	[tilespmem:s31], [sflag:$0x1] =	stream.linear.gather [hbm4b:s9+s3], $0x80, $0x38;
	[tilespmem:$0x9080] =	vst v63  }
0x17c: {  	s14 =	rddreg [dreg:$0x5];
	s9 =	sshll.u32 s12, $0x7  }
0x17d: {  	(v2sf) =	vpush v1, $0x3;
	s10 =	sadd.s32 s10, s14;
	s9 =	sand.u32 $0x380, s9  }
0x17e: {  	s15 =	sld [smem:$0x6F0];
	s9 =	sor.u32 s9, s10  }
0x17f: {  	s9 =	sshrl.u32 s9, $0x3  }
0x180: {  	s16 =	sld [smem:$0x6F1];
	s9 =	sadd.s32 s2, s9  }
0x181: {  	[tilespmem:s15], [sflag:$0x1] =	stream.linear.gather [hbm4b:s9+s3], $0x80, $0x38;
	[tilespmem:$0x9080] =	vst v63  }
0x182: {  	s18 =	sld [smem:$0x6F2];
	s17 =	sadd.s32 $0x80, s9  }
0x183: {  	[tilespmem:s16], [sflag:$0x1] =	stream.linear.gather [hbm4b:s17+s3], $0x80, $0x38;
	[tilespmem:$0x9080] =	vst v63  }
0x184: {  	s20 =	sld [smem:$0x6F3];
	s19 =	sadd.s32 $0x100, s9  }
0x185: {  	[tilespmem:s18], [sflag:$0x1] =	stream.linear.gather [hbm4b:s19+s3], $0x80, $0x38;
	[tilespmem:$0x9080] =	vst v63  }
0x186: {  	s22 =	sld [smem:$0x6F4];
	s21 =	sadd.s32 $0x180, s9  }
0x187: {  	[tilespmem:s20], [sflag:$0x1] =	stream.linear.gather [hbm4b:s21+s3], $0x80, $0x38;
	[tilespmem:$0x9080] =	vst v63  }
0x188: {  	s24 =	sld [smem:$0x6F5];
	s23 =	sadd.s32 $0x200, s9  }
0x189: {  	[tilespmem:s22], [sflag:$0x1] =	stream.linear.gather [hbm4b:s23+s3], $0x80, $0x38;
	[tilespmem:$0x9080] =	vst v63  }
0x18a: {  	s26 =	sld [smem:$0x6F6];
	s25 =	sadd.s32 $0x280, s9  }
0x18b: {  	[tilespmem:s24], [sflag:$0x1] =	stream.linear.gather [hbm4b:s25+s3], $0x80, $0x38;
	[tilespmem:$0x9080] =	vst v63  }
0x18c: {  	s29 =	sld [smem:$0x6F7];
	s12 =	spop (v2sf);
	s28 =	sadd.s32 $0x300, s9  }
0x18d: {  	[tilespmem:s26], [sflag:$0x1] =	stream.linear.gather [hbm4b:s28+s3], $0x80, $0x38;
	[tilespmem:$0x9080] =	vst v63  }
0x18e: {  	s31 =	sld [smem:$0x6F8];
	s13 =	sshrl.u32 s12, $0x3;
	s30 =	sadd.s32 $0x380, s9  }
0x18f: {  	[tilespmem:s29], [sflag:$0x1] =	stream.linear.gather [hbm4b:s30+s3], $0x80, $0x38;
	[tilespmem:$0x9080] =	vst v63  }
0x190: {  	s10 =	smul.u32 $0x2400, s13;
	s9 =	sadd.s32 $0x400, s9  }
0x191: {  	[tilespmem:s31], [sflag:$0x1] =	stream.linear.gather [hbm4b:s9+s3], $0x80, $0x38;
	[tilespmem:$0x9080] =	vst v63  }
0x192: {  	s14 =	rddreg [dreg:$0x6];
	s9 =	sshll.u32 s12, $0x7  }
0x193: {  	(v2sf) =	vpush v1, $0x4;
	s10 =	sadd.s32 s10, s14;
	s9 =	sand.u32 $0x380, s9  }
0x194: {  	s15 =	sld [smem:$0x6F9];
	s9 =	sor.u32 s9, s10  }
0x195: {  	s9 =	sshrl.u32 s9, $0x3  }
0x196: {  	s16 =	sld [smem:$0x6FA];
	s9 =	sadd.s32 s2, s9  }
0x197: {  	[tilespmem:s15], [sflag:$0x1] =	stream.linear.gather [hbm4b:s9+s3], $0x80, $0x38;
	[tilespmem:$0x9080] =	vst v63  }
0x198: {  	s18 =	sld [smem:$0x6FB];
	s17 =	sadd.s32 $0x80, s9  }
0x199: {  	[tilespmem:s16], [sflag:$0x1] =	stream.linear.gather [hbm4b:s17+s3], $0x80, $0x38;
	[tilespmem:$0x9080] =	vst v63  }
0x19a: {  	s20 =	sld [smem:$0x6FC];
	s19 =	sadd.s32 $0x100, s9  }
0x19b: {  	[tilespmem:s18], [sflag:$0x1] =	stream.linear.gather [hbm4b:s19+s3], $0x80, $0x38;
	[tilespmem:$0x9080] =	vst v63  }
0x19c: {  	s22 =	sld [smem:$0x6FD];
	s21 =	sadd.s32 $0x180, s9  }
0x19d: {  	[tilespmem:s20], [sflag:$0x1] =	stream.linear.gather [hbm4b:s21+s3], $0x80, $0x38;
	[tilespmem:$0x9080] =	vst v63  }
0x19e: {  	s24 =	sld [smem:$0x6FE];
	s23 =	sadd.s32 $0x200, s9  }
0x19f: {  	[tilespmem:s22], [sflag:$0x1] =	stream.linear.gather [hbm4b:s23+s3], $0x80, $0x38;
	[tilespmem:$0x9080] =	vst v63  }
0x1a0: {  	s26 =	sld [smem:$0x6FF];
	s25 =	sadd.s32 $0x280, s9  }
0x1a1: {  	[tilespmem:s24], [sflag:$0x1] =	stream.linear.gather [hbm4b:s25+s3], $0x80, $0x38;
	[tilespmem:$0x9080] =	vst v63  }
0x1a2: {  	s29 =	sld [smem:$0x700];
	s12 =	spop (v2sf);
	s28 =	sadd.s32 $0x300, s9  }
0x1a3: {  	[tilespmem:s26], [sflag:$0x1] =	stream.linear.gather [hbm4b:s28+s3], $0x80, $0x38;
	[tilespmem:$0x9080] =	vst v63  }
0x1a4: {  	s31 =	sld [smem:$0x701];
	s13 =	sshrl.u32 s12, $0x3;
	s30 =	sadd.s32 $0x380, s9  }
0x1a5: {  	[tilespmem:s29], [sflag:$0x1] =	stream.linear.gather [hbm4b:s30+s3], $0x80, $0x38;
	[tilespmem:$0x9080] =	vst v63  }
0x1a6: {  	s10 =	smul.u32 $0x2400, s13;
	s9 =	sadd.s32 $0x400, s9  }
0x1a7: {  	[tilespmem:s31], [sflag:$0x1] =	stream.linear.gather [hbm4b:s9+s3], $0x80, $0x38;
	[tilespmem:$0x9080] =	vst v63  }
0x1a8: {  	s14 =	rddreg [dreg:$0x7];
	s9 =	sshll.u32 s12, $0x7  }
0x1a9: {  	(v2sf) =	vpush v1, $0x5;
	s10 =	sadd.s32 s10, s14;
	s9 =	sand.u32 $0x380, s9  }
0x1aa: {  	s15 =	sld [smem:$0x702];
	s9 =	sor.u32 s9, s10  }
0x1ab: {  	s9 =	sshrl.u32 s9, $0x3  }
0x1ac: {  	s16 =	sld [smem:$0x703];
	s9 =	sadd.s32 s2, s9  }
0x1ad: {  	[tilespmem:s15], [sflag:$0x1] =	stream.linear.gather [hbm4b:s9+s3], $0x80, $0x38;
	[tilespmem:$0x9080] =	vst v63  }
0x1ae: {  	s18 =	sld [smem:$0x704];
	s17 =	sadd.s32 $0x80, s9  }
0x1af: {  	[tilespmem:s16], [sflag:$0x1] =	stream.linear.gather [hbm4b:s17+s3], $0x80, $0x38;
	[tilespmem:$0x9080] =	vst v63  }
0x1b0: {  	s20 =	sld [smem:$0x705];
	s19 =	sadd.s32 $0x100, s9  }
0x1b1: {  	[tilespmem:s18], [sflag:$0x1] =	stream.linear.gather [hbm4b:s19+s3], $0x80, $0x38;
	[tilespmem:$0x9080] =	vst v63  }
0x1b2: {  	s22 =	sld [smem:$0x706];
	s21 =	sadd.s32 $0x180, s9  }
0x1b3: {  	[tilespmem:s20], [sflag:$0x1] =	stream.linear.gather [hbm4b:s21+s3], $0x80, $0x38;
	[tilespmem:$0x9080] =	vst v63  }
0x1b4: {  	s24 =	sld [smem:$0x707];
	s23 =	sadd.s32 $0x200, s9  }
0x1b5: {  	[tilespmem:s22], [sflag:$0x1] =	stream.linear.gather [hbm4b:s23+s3], $0x80, $0x38;
	[tilespmem:$0x9080] =	vst v63  }
0x1b6: {  	s26 =	sld [smem:$0x708];
	s25 =	sadd.s32 $0x280, s9  }
0x1b7: {  	[tilespmem:s24], [sflag:$0x1] =	stream.linear.gather [hbm4b:s25+s3], $0x80, $0x38;
	[tilespmem:$0x9080] =	vst v63  }
0x1b8: {  	s29 =	sld [smem:$0x709];
	s12 =	spop (v2sf);
	s28 =	sadd.s32 $0x300, s9  }
0x1b9: {  	[tilespmem:s26], [sflag:$0x1] =	stream.linear.gather [hbm4b:s28+s3], $0x80, $0x38;
	[tilespmem:$0x9080] =	vst v63  }
0x1ba: {  	s31 =	sld [smem:$0x70A];
	s13 =	sshrl.u32 s12, $0x3;
	s30 =	sadd.s32 $0x380, s9  }
0x1bb: {  	[tilespmem:s29], [sflag:$0x1] =	stream.linear.gather [hbm4b:s30+s3], $0x80, $0x38;
	[tilespmem:$0x9080] =	vst v63  }
0x1bc: {  	s10 =	smul.u32 $0x2400, s13;
	s9 =	sadd.s32 $0x400, s9  }
0x1bd: {  	[tilespmem:s31], [sflag:$0x1] =	stream.linear.gather [hbm4b:s9+s3], $0x80, $0x38;
	[tilespmem:$0x9080] =	vst v63  }
0x1be: {  	s14 =	rddreg [dreg:$0x8];
	s9 =	sshll.u32 s12, $0x7  }
0x1bf: {  	(v2sf) =	vpush v1, $0x6;
	s10 =	sadd.s32 s10, s14;
	s9 =	sand.u32 $0x380, s9  }
0x1c0: {  	s15 =	sld [smem:$0x70B];
	s9 =	sor.u32 s9, s10  }
0x1c1: {  	s9 =	sshrl.u32 s9, $0x3  }
0x1c2: {  	s16 =	sld [smem:$0x70C];
	s9 =	sadd.s32 s2, s9  }
0x1c3: {  	[tilespmem:s15], [sflag:$0x1] =	stream.linear.gather [hbm4b:s9+s3], $0x80, $0x38;
	[tilespmem:$0x9080] =	vst v63  }
0x1c4: {  	s18 =	sld [smem:$0x70D];
	s17 =	sadd.s32 $0x80, s9  }
0x1c5: {  	[tilespmem:s16], [sflag:$0x1] =	stream.linear.gather [hbm4b:s17+s3], $0x80, $0x38;
	[tilespmem:$0x9080] =	vst v63  }
0x1c6: {  	s20 =	sld [smem:$0x70E];
	s19 =	sadd.s32 $0x100, s9  }
0x1c7: {  	[tilespmem:s18], [sflag:$0x1] =	stream.linear.gather [hbm4b:s19+s3], $0x80, $0x38;
	[tilespmem:$0x9080] =	vst v63  }
0x1c8: {  	s22 =	sld [smem:$0x70F];
	s21 =	sadd.s32 $0x180, s9  }
0x1c9: {  	[tilespmem:s20], [sflag:$0x1] =	stream.linear.gather [hbm4b:s21+s3], $0x80, $0x38;
	[tilespmem:$0x9080] =	vst v63  }
0x1ca: {  	s24 =	sld [smem:$0x710];
	s23 =	sadd.s32 $0x200, s9  }
0x1cb: {  	[tilespmem:s22], [sflag:$0x1] =	stream.linear.gather [hbm4b:s23+s3], $0x80, $0x38;
	[tilespmem:$0x9080] =	vst v63  }
0x1cc: {  	s26 =	sld [smem:$0x711];
	s25 =	sadd.s32 $0x280, s9  }
0x1cd: {  	[tilespmem:s24], [sflag:$0x1] =	stream.linear.gather [hbm4b:s25+s3], $0x80, $0x38;
	[tilespmem:$0x9080] =	vst v63  }
0x1ce: {  	s29 =	sld [smem:$0x712];
	s12 =	spop (v2sf);
	s28 =	sadd.s32 $0x300, s9  }
0x1cf: {  	[tilespmem:s26], [sflag:$0x1] =	stream.linear.gather [hbm4b:s28+s3], $0x80, $0x38;
	[tilespmem:$0x9080] =	vst v63  }
0x1d0: {  	s31 =	sld [smem:$0x713];
	s13 =	sshrl.u32 s12, $0x3;
	s30 =	sadd.s32 $0x380, s9  }
0x1d1: {  	[tilespmem:s29], [sflag:$0x1] =	stream.linear.gather [hbm4b:s30+s3], $0x80, $0x38;
	[tilespmem:$0x9080] =	vst v63  }
0x1d2: {  	s10 =	smul.u32 $0x2400, s13;
	s9 =	sadd.s32 $0x400, s9  }
0x1d3: {  	[tilespmem:s31], [sflag:$0x1] =	stream.linear.gather [hbm4b:s9+s3], $0x80, $0x38;
	[tilespmem:$0x9080] =	vst v63  }
0x1d4: {  	s14 =	rddreg [dreg:$0x9];
	s9 =	sshll.u32 s12, $0x7  }
0x1d5: {  	(v2sf) =	vpush v1, $0x7;
	s10 =	sadd.s32 s10, s14;
	s9 =	sand.u32 $0x380, s9  }
0x1d6: {  	s15 =	sld [smem:$0x714];
	s9 =	sor.u32 s9, s10  }
0x1d7: {  	s9 =	sshrl.u32 s9, $0x3  }
0x1d8: {  	s16 =	sld [smem:$0x715];
	s9 =	sadd.s32 s2, s9  }
0x1d9: {  	[tilespmem:s15], [sflag:$0x1] =	stream.linear.gather [hbm4b:s9+s3], $0x80, $0x38;
	[tilespmem:$0x9080] =	vst v63  }
0x1da: {  	s18 =	sld [smem:$0x716];
	s17 =	sadd.s32 $0x80, s9  }
0x1db: {  	[tilespmem:s16], [sflag:$0x1] =	stream.linear.gather [hbm4b:s17+s3], $0x80, $0x38;
	[tilespmem:$0x9080] =	vst v63  }
0x1dc: {  	s20 =	sld [smem:$0x717];
	s19 =	sadd.s32 $0x100, s9  }
0x1dd: {  	[tilespmem:s18], [sflag:$0x1] =	stream.linear.gather [hbm4b:s19+s3], $0x80, $0x38;
	[tilespmem:$0x9080] =	vst v63  }
0x1de: {  	s22 =	sld [smem:$0x718];
	s21 =	sadd.s32 $0x180, s9  }
0x1df: {  	[tilespmem:s20], [sflag:$0x1] =	stream.linear.gather [hbm4b:s21+s3], $0x80, $0x38;
	[tilespmem:$0x9080] =	vst v63  }
0x1e0: {  	s24 =	sld [smem:$0x719];
	s23 =	sadd.s32 $0x200, s9  }
0x1e1: {  	[tilespmem:s22], [sflag:$0x1] =	stream.linear.gather [hbm4b:s23+s3], $0x80, $0x38;
	[tilespmem:$0x9080] =	vst v63  }
0x1e2: {  	s26 =	sld [smem:$0x71A];
	s25 =	sadd.s32 $0x280, s9  }
0x1e3: {  	[tilespmem:s24], [sflag:$0x1] =	stream.linear.gather [hbm4b:s25+s3], $0x80, $0x38;
	[tilespmem:$0x9080] =	vst v63  }
0x1e4: {  	s29 =	sld [smem:$0x71B];
	s12 =	spop (v2sf);
	s28 =	sadd.s32 $0x300, s9  }
0x1e5: {  	[tilespmem:s26], [sflag:$0x1] =	stream.linear.gather [hbm4b:s28+s3], $0x80, $0x38;
	[tilespmem:$0x9080] =	vst v63  }
0x1e6: {  	s31 =	sld [smem:$0x71C];
	s13 =	sshrl.u32 s12, $0x3;
	s30 =	sadd.s32 $0x380, s9  }
0x1e7: {  	[tilespmem:s29], [sflag:$0x1] =	stream.linear.gather [hbm4b:s30+s3], $0x80, $0x38;
	[tilespmem:$0x9080] =	vst v63  }
0x1e8: {  	s10 =	smul.u32 $0x2400, s13;
	s9 =	sadd.s32 $0x400, s9  }
0x1e9: {  	[tilespmem:s31], [sflag:$0x1] =	stream.linear.gather [hbm4b:s9+s3], $0x80, $0x38;
	[tilespmem:$0x9080] =	vst v63  }
0x1ea: {  	s14 =	rddreg [dreg:$0xa];
	s9 =	sshll.u32 s12, $0x7  }
0x1eb: {  	(v2sf) =	vpush v1, $0x8;
	s10 =	sadd.s32 s10, s14;
	s9 =	sand.u32 $0x380, s9  }
0x1ec: {  	s15 =	sld [smem:$0x71D];
	s9 =	sor.u32 s9, s10  }
0x1ed: {  	s9 =	sshrl.u32 s9, $0x3  }
0x1ee: {  	s16 =	sld [smem:$0x71E];
	s9 =	sadd.s32 s2, s9  }
0x1ef: {  	[tilespmem:s15], [sflag:$0x1] =	stream.linear.gather [hbm4b:s9+s3], $0x80, $0x38;
	[tilespmem:$0x9080] =	vst v63  }
0x1f0: {  	s18 =	sld [smem:$0x71F];
	s17 =	sadd.s32 $0x80, s9  }
0x1f1: {  	[tilespmem:s16], [sflag:$0x1] =	stream.linear.gather [hbm4b:s17+s3], $0x80, $0x38;
	[tilespmem:$0x9080] =	vst v63  }
0x1f2: {  	s20 =	sld [smem:$0x720];
	s19 =	sadd.s32 $0x100, s9  }
0x1f3: {  	[tilespmem:s18], [sflag:$0x1] =	stream.linear.gather [hbm4b:s19+s3], $0x80, $0x38;
	[tilespmem:$0x9080] =	vst v63  }
0x1f4: {  	s22 =	sld [smem:$0x721];
	s21 =	sadd.s32 $0x180, s9  }
0x1f5: {  	[tilespmem:s20], [sflag:$0x1] =	stream.linear.gather [hbm4b:s21+s3], $0x80, $0x38;
	[tilespmem:$0x9080] =	vst v63  }
0x1f6: {  	s24 =	sld [smem:$0x722];
	s23 =	sadd.s32 $0x200, s9  }
0x1f7: {  	[tilespmem:s22], [sflag:$0x1] =	stream.linear.gather [hbm4b:s23+s3], $0x80, $0x38;
	[tilespmem:$0x9080] =	vst v63  }
0x1f8: {  	s26 =	sld [smem:$0x723];
	s25 =	sadd.s32 $0x280, s9  }
0x1f9: {  	[tilespmem:s24], [sflag:$0x1] =	stream.linear.gather [hbm4b:s25+s3], $0x80, $0x38;
	[tilespmem:$0x9080] =	vst v63  }
0x1fa: {  	s29 =	sld [smem:$0x724];
	s12 =	spop (v2sf);
	s28 =	sadd.s32 $0x300, s9  }
0x1fb: {  	[tilespmem:s26], [sflag:$0x1] =	stream.linear.gather [hbm4b:s28+s3], $0x80, $0x38;
	[tilespmem:$0x9080] =	vst v63  }
0x1fc: {  	s31 =	sld [smem:$0x725];
	s13 =	sshrl.u32 s12, $0x3;
	s30 =	sadd.s32 $0x380, s9  }
0x1fd: {  	[tilespmem:s29], [sflag:$0x1] =	stream.linear.gather [hbm4b:s30+s3], $0x80, $0x38;
	[tilespmem:$0x9080] =	vst v63  }
0x1fe: {  	s10 =	smul.u32 $0x2400, s13;
	s9 =	sadd.s32 $0x400, s9  }
0x1ff: {  	[tilespmem:s31], [sflag:$0x1] =	stream.linear.gather [hbm4b:s9+s3], $0x80, $0x38;
	[tilespmem:$0x9080] =	vst v63  }
0x200: {  	s14 =	rddreg [dreg:$0xb];
	s9 =	sshll.u32 s12, $0x7  }
0x201: {  	(v2sf) =	vpush v1, $0x9;
	s10 =	sadd.s32 s10, s14;
	s9 =	sand.u32 $0x380, s9  }
0x202: {  	s15 =	sld [smem:$0x726];
	s9 =	sor.u32 s9, s10  }
0x203: {  	s9 =	sshrl.u32 s9, $0x3  }
0x204: {  	s16 =	sld [smem:$0x727];
	s9 =	sadd.s32 s2, s9  }
0x205: {  	[tilespmem:s15], [sflag:$0x1] =	stream.linear.gather [hbm4b:s9+s3], $0x80, $0x38;
	[tilespmem:$0x9080] =	vst v63  }
0x206: {  	s18 =	sld [smem:$0x728];
	s17 =	sadd.s32 $0x80, s9  }
0x207: {  	[tilespmem:s16], [sflag:$0x1] =	stream.linear.gather [hbm4b:s17+s3], $0x80, $0x38;
	[tilespmem:$0x9080] =	vst v63  }
0x208: {  	s20 =	sld [smem:$0x729];
	s19 =	sadd.s32 $0x100, s9  }
0x209: {  	[tilespmem:s18], [sflag:$0x1] =	stream.linear.gather [hbm4b:s19+s3], $0x80, $0x38;
	[tilespmem:$0x9080] =	vst v63  }
0x20a: {  	s22 =	sld [smem:$0x72A];
	s21 =	sadd.s32 $0x180, s9  }
0x20b: {  	[tilespmem:s20], [sflag:$0x1] =	stream.linear.gather [hbm4b:s21+s3], $0x80, $0x38;
	[tilespmem:$0x9080] =	vst v63  }
0x20c: {  	s24 =	sld [smem:$0x72B];
	s23 =	sadd.s32 $0x200, s9  }
0x20d: {  	[tilespmem:s22], [sflag:$0x1] =	stream.linear.gather [hbm4b:s23+s3], $0x80, $0x38;
	[tilespmem:$0x9080] =	vst v63  }
0x20e: {  	s26 =	sld [smem:$0x72C];
	s25 =	sadd.s32 $0x280, s9  }
0x20f: {  	[tilespmem:s24], [sflag:$0x1] =	stream.linear.gather [hbm4b:s25+s3], $0x80, $0x38;
	[tilespmem:$0x9080] =	vst v63  }
0x210: {  	s29 =	sld [smem:$0x72D];
	s12 =	spop (v2sf);
	s28 =	sadd.s32 $0x300, s9  }
0x211: {  	[tilespmem:s26], [sflag:$0x1] =	stream.linear.gather [hbm4b:s28+s3], $0x80, $0x38;
	[tilespmem:$0x9080] =	vst v63  }
0x212: {  	s31 =	sld [smem:$0x72E];
	s13 =	sshrl.u32 s12, $0x3;
	s30 =	sadd.s32 $0x380, s9  }
0x213: {  	[tilespmem:s29], [sflag:$0x1] =	stream.linear.gather [hbm4b:s30+s3], $0x80, $0x38;
	[tilespmem:$0x9080] =	vst v63  }
0x214: {  	s10 =	smul.u32 $0x2400, s13;
	s9 =	sadd.s32 $0x400, s9  }
0x215: {  	[tilespmem:s31], [sflag:$0x1] =	stream.linear.gather [hbm4b:s9+s3], $0x80, $0x38;
	[tilespmem:$0x9080] =	vst v63  }
0x216: {  	s14 =	rddreg [dreg:$0xc];
	s9 =	sshll.u32 s12, $0x7  }
0x217: {  	(v2sf) =	vpush v1, $0xA;
	s10 =	sadd.s32 s10, s14;
	s9 =	sand.u32 $0x380, s9  }
0x218: {  	s15 =	sld [smem:$0x72F];
	s9 =	sor.u32 s9, s10  }
0x219: {  	s9 =	sshrl.u32 s9, $0x3  }
0x21a: {  	s16 =	sld [smem:$0x730];
	s9 =	sadd.s32 s2, s9  }
0x21b: {  	[tilespmem:s15], [sflag:$0x1] =	stream.linear.gather [hbm4b:s9+s3], $0x80, $0x38;
	[tilespmem:$0x9080] =	vst v63  }
0x21c: {  	s18 =	sld [smem:$0x731];
	s17 =	sadd.s32 $0x80, s9  }
0x21d: {  	[tilespmem:s16], [sflag:$0x1] =	stream.linear.gather [hbm4b:s17+s3], $0x80, $0x38;
	[tilespmem:$0x9080] =	vst v63  }
0x21e: {  	s20 =	sld [smem:$0x732];
	s19 =	sadd.s32 $0x100, s9  }
0x21f: {  	[tilespmem:s18], [sflag:$0x1] =	stream.linear.gather [hbm4b:s19+s3], $0x80, $0x38;
	[tilespmem:$0x9080] =	vst v63  }
0x220: {  	s22 =	sld [smem:$0x733];
	s21 =	sadd.s32 $0x180, s9  }
0x221: {  	[tilespmem:s20], [sflag:$0x1] =	stream.linear.gather [hbm4b:s21+s3], $0x80, $0x38;
	[tilespmem:$0x9080] =	vst v63  }
0x222: {  	s24 =	sld [smem:$0x734];
	s23 =	sadd.s32 $0x200, s9  }
0x223: {  	[tilespmem:s22], [sflag:$0x1] =	stream.linear.gather [hbm4b:s23+s3], $0x80, $0x38;
	[tilespmem:$0x9080] =	vst v63  }
0x224: {  	s26 =	sld [smem:$0x735];
	s25 =	sadd.s32 $0x280, s9  }
0x225: {  	[tilespmem:s24], [sflag:$0x1] =	stream.linear.gather [hbm4b:s25+s3], $0x80, $0x38;
	[tilespmem:$0x9080] =	vst v63  }
0x226: {  	s29 =	sld [smem:$0x736];
	s12 =	spop (v2sf);
	s28 =	sadd.s32 $0x300, s9  }
0x227: {  	[tilespmem:s26], [sflag:$0x1] =	stream.linear.gather [hbm4b:s28+s3], $0x80, $0x38;
	[tilespmem:$0x9080] =	vst v63  }
0x228: {  	s31 =	sld [smem:$0x737];
	s13 =	sshrl.u32 s12, $0x3;
	s30 =	sadd.s32 $0x380, s9  }
0x229: {  	[tilespmem:s29], [sflag:$0x1] =	stream.linear.gather [hbm4b:s30+s3], $0x80, $0x38;
	[tilespmem:$0x9080] =	vst v63  }
0x22a: {  	s10 =	smul.u32 $0x2400, s13;
	s9 =	sadd.s32 $0x400, s9  }
0x22b: {  	[tilespmem:s31], [sflag:$0x1] =	stream.linear.gather [hbm4b:s9+s3], $0x80, $0x38;
	[tilespmem:$0x9080] =	vst v63  }
0x22c: {  	s14 =	rddreg [dreg:$0xd];
	s9 =	sshll.u32 s12, $0x7  }
0x22d: {  	(v2sf) =	vpush v1, $0xB;
	s10 =	sadd.s32 s10, s14;
	s9 =	sand.u32 $0x380, s9  }
0x22e: {  	s15 =	sld [smem:$0x738];
	s9 =	sor.u32 s9, s10  }
0x22f: {  	s9 =	sshrl.u32 s9, $0x3  }
0x230: {  	s16 =	sld [smem:$0x739];
	s9 =	sadd.s32 s2, s9  }
0x231: {  	[tilespmem:s15], [sflag:$0x1] =	stream.linear.gather [hbm4b:s9+s3], $0x80, $0x38;
	[tilespmem:$0x9080] =	vst v63  }
0x232: {  	s18 =	sld [smem:$0x73A];
	s17 =	sadd.s32 $0x80, s9  }
0x233: {  	[tilespmem:s16], [sflag:$0x1] =	stream.linear.gather [hbm4b:s17+s3], $0x80, $0x38;
	[tilespmem:$0x9080] =	vst v63  }
0x234: {  	s20 =	sld [smem:$0x73B];
	s19 =	sadd.s32 $0x100, s9  }
0x235: {  	[tilespmem:s18], [sflag:$0x1] =	stream.linear.gather [hbm4b:s19+s3], $0x80, $0x38;
	[tilespmem:$0x9080] =	vst v63  }
0x236: {  	s22 =	sld [smem:$0x73C];
	s21 =	sadd.s32 $0x180, s9  }
0x237: {  	[tilespmem:s20], [sflag:$0x1] =	stream.linear.gather [hbm4b:s21+s3], $0x80, $0x38;
	[tilespmem:$0x9080] =	vst v63  }
0x238: {  	s24 =	sld [smem:$0x73D];
	s23 =	sadd.s32 $0x200, s9  }
0x239: {  	[tilespmem:s22], [sflag:$0x1] =	stream.linear.gather [hbm4b:s23+s3], $0x80, $0x38;
	[tilespmem:$0x9080] =	vst v63  }
0x23a: {  	s26 =	sld [smem:$0x73E];
	s25 =	sadd.s32 $0x280, s9  }
0x23b: {  	[tilespmem:s24], [sflag:$0x1] =	stream.linear.gather [hbm4b:s25+s3], $0x80, $0x38;
	[tilespmem:$0x9080] =	vst v63  }
0x23c: {  	s13 =	spop (v2sf);
	s29 =	sld [smem:$0x73F];
	s28 =	sadd.s32 $0x300, s9  }
0x23d: {  	[tilespmem:s26], [sflag:$0x1] =	stream.linear.gather [hbm4b:s28+s3], $0x80, $0x38;
	[tilespmem:$0x9080] =	vst v63  }
0x23e: {  	s14 =	sshrl.u32 s13, $0x3;
	s31 =	sld [smem:$0x740];
	s30 =	sadd.s32 $0x380, s9  }
0x23f: {  	[tilespmem:s29], [sflag:$0x1] =	stream.linear.gather [hbm4b:s30+s3], $0x80, $0x38;
	[tilespmem:$0x9080] =	vst v63  }
0x240: {  	s10 =	smul.u32 $0x2400, s14;
	s9 =	sadd.s32 $0x400, s9  }
0x241: {  	[tilespmem:s31], [sflag:$0x1] =	stream.linear.gather [hbm4b:s9+s3], $0x80, $0x38;
	[tilespmem:$0x9080] =	vst v63  }
0x242: {  	s15 =	rddreg [dreg:$0xe];
	s9 =	sshll.u32 s13, $0x7  }
0x243: {  	s10 =	sadd.s32 s10, s15;
	s9 =	sand.u32 $0x380, s9  }
0x244: {  	s16 =	sld [smem:$0x741];
	s9 =	sor.u32 s9, s10  }
0x245: {  	s9 =	sshrl.u32 s9, $0x3  }
0x246: {  	s17 =	sld [smem:$0x742];
	s9 =	sadd.s32 s2, s9  }
0x247: {  	[tilespmem:s16], [sflag:$0x1] =	stream.linear.gather [hbm4b:s9+s3], $0x80, $0x38;
	[tilespmem:$0x9080] =	vst v63  }
0x248: {  	s19 =	sld [smem:$0x743];
	s18 =	sadd.s32 $0x80, s9  }
0x249: {  	[tilespmem:s17], [sflag:$0x1] =	stream.linear.gather [hbm4b:s18+s3], $0x80, $0x38;
	[tilespmem:$0x9080] =	vst v63  }
0x24a: {  	s20 =	sadd.s32 $0x100, s9  }
0x24b: {  	[tilespmem:s19], [sflag:$0x1] =	stream.linear.gather [hbm4b:s20+s3], $0x80, $0x38;
	[tilespmem:$0x9080] =	vst v63  }
0x24c: {  	s10 =	sld [smem:$0x744];
	(v2sf) =	vpush v1, $0xC;
	_ =	sdelay $0x2  }
0x24d: {  	s21 =	sadd.s32 $0x180, s9;
	s22 =	sld [smem:$0x745]  }
0x24e: {  	[tilespmem:s10], [sflag:$0x1] =	stream.linear.gather [hbm4b:s21+s3], $0x80, $0x38;
	[tilespmem:$0x9080] =	vst v63  }
0x24f: {  	s23 =	sadd.s32 $0x200, s9;
	s24 =	sld [smem:$0x746]  }
0x250: {  	[tilespmem:s22], [sflag:$0x1] =	stream.linear.gather [hbm4b:s23+s3], $0x80, $0x38;
	[tilespmem:$0x9080] =	vst v63  }
0x251: {  	s25 =	sadd.s32 $0x280, s9;
	s26 =	sld [smem:$0x747]  }
0x252: {  	[tilespmem:s24], [sflag:$0x1] =	stream.linear.gather [hbm4b:s25+s3], $0x80, $0x38;
	[tilespmem:$0x9080] =	vst v63  }
0x253: {  	s28 =	sadd.s32 $0x300, s9;
	s29 =	sld [smem:$0x748]  }
0x254: {  	[tilespmem:s26], [sflag:$0x1] =	stream.linear.gather [hbm4b:s28+s3], $0x80, $0x38;
	[tilespmem:$0x9080] =	vst v63  }
0x255: {  	s30 =	sadd.s32 $0x380, s9;
	s31 =	sld [smem:$0x749]  }
0x256: {  	[tilespmem:s29], [sflag:$0x1] =	stream.linear.gather [hbm4b:s30+s3], $0x80, $0x38;
	[tilespmem:$0x9080] =	vst v63  }
0x257: {  	s9 =	sadd.s32 $0x400, s9  }
0x258: {  	[tilespmem:s31], [sflag:$0x1] =	stream.linear.gather [hbm4b:s9+s3], $0x80, $0x38;
	[tilespmem:$0x9080] =	vst v63  }
0x259: {  	s12 =	spop (v2sf)  }
0x25a: {  	s13 =	sshrl.u32 s12, $0x3  }
0x25b: {  	s10 =	smul.u32 $0x2400, s13  }
0x25c: {  	s14 =	rddreg [dreg:$0xf];
	s9 =	sshll.u32 s12, $0x7  }
0x25d: {  	(v2sf) =	vpush v1, $0xD;
	s9 =	sand.u32 $0x380, s9;
	s10 =	sadd.s32 s10, s14  }
0x25e: {  	s15 =	sld [smem:$0x74A];
	s9 =	sor.u32 s9, s10  }
0x25f: {  	s9 =	sshrl.u32 s9, $0x3  }
0x260: {  	s16 =	sld [smem:$0x74B];
	s9 =	sadd.s32 s2, s9  }
0x261: {  	[tilespmem:s15], [sflag:$0x1] =	stream.linear.gather [hbm4b:s9+s3], $0x80, $0x38;
	[tilespmem:$0x9080] =	vst v63  }
0x262: {  	s18 =	sld [smem:$0x74C];
	s17 =	sadd.s32 $0x80, s9  }
0x263: {  	[tilespmem:s16], [sflag:$0x1] =	stream.linear.gather [hbm4b:s17+s3], $0x80, $0x38;
	[tilespmem:$0x9080] =	vst v63  }
0x264: {  	s20 =	sld [smem:$0x74D];
	s19 =	sadd.s32 $0x100, s9  }
0x265: {  	[tilespmem:s18], [sflag:$0x1] =	stream.linear.gather [hbm4b:s19+s3], $0x80, $0x38;
	[tilespmem:$0x9080] =	vst v63  }
0x266: {  	s22 =	sld [smem:$0x74E];
	s21 =	sadd.s32 $0x180, s9  }
0x267: {  	[tilespmem:s20], [sflag:$0x1] =	stream.linear.gather [hbm4b:s21+s3], $0x80, $0x38;
	[tilespmem:$0x9080] =	vst v63  }
0x268: {  	s24 =	sld [smem:$0x74F];
	s23 =	sadd.s32 $0x200, s9  }
0x269: {  	[tilespmem:s22], [sflag:$0x1] =	stream.linear.gather [hbm4b:s23+s3], $0x80, $0x38;
	[tilespmem:$0x9080] =	vst v63  }
0x26a: {  	s26 =	sld [smem:$0x750];
	s25 =	sadd.s32 $0x280, s9  }
0x26b: {  	[tilespmem:s24], [sflag:$0x1] =	stream.linear.gather [hbm4b:s25+s3], $0x80, $0x38;
	[tilespmem:$0x9080] =	vst v63  }
0x26c: {  	s29 =	sld [smem:$0x751];
	s28 =	sadd.s32 $0x300, s9;
	s12 =	spop (v2sf)  }
0x26d: {  	[tilespmem:s26], [sflag:$0x1] =	stream.linear.gather [hbm4b:s28+s3], $0x80, $0x38;
	[tilespmem:$0x9080] =	vst v63  }
0x26e: {  	s31 =	sld [smem:$0x752];
	s30 =	sadd.s32 $0x380, s9;
	s13 =	sshrl.u32 s12, $0x3  }
0x26f: {  	[tilespmem:s29], [sflag:$0x1] =	stream.linear.gather [hbm4b:s30+s3], $0x80, $0x38;
	[tilespmem:$0x9080] =	vst v63  }
0x270: {  	s9 =	sadd.s32 $0x400, s9;
	s10 =	smul.u32 $0x2400, s13  }
0x271: {  	[tilespmem:s31], [sflag:$0x1] =	stream.linear.gather [hbm4b:s9+s3], $0x80, $0x38;
	[tilespmem:$0x9080] =	vst v63  }
0x272: {  	s14 =	rddreg [dreg:$0x10];
	s9 =	sshll.u32 s12, $0x7  }
0x273: {  	(v2sf) =	vpush v1, $0xE;
	s10 =	sadd.s32 s10, s14;
	s9 =	sand.u32 $0x380, s9  }
0x274: {  	s15 =	sld [smem:$0x753];
	s9 =	sor.u32 s9, s10  }
0x275: {  	s9 =	sshrl.u32 s9, $0x3  }
0x276: {  	s16 =	sld [smem:$0x754];
	s9 =	sadd.s32 s2, s9  }
0x277: {  	[tilespmem:s15], [sflag:$0x1] =	stream.linear.gather [hbm4b:s9+s3], $0x80, $0x38;
	[tilespmem:$0x9080] =	vst v63  }
0x278: {  	s18 =	sld [smem:$0x755];
	s17 =	sadd.s32 $0x80, s9  }
0x279: {  	[tilespmem:s16], [sflag:$0x1] =	stream.linear.gather [hbm4b:s17+s3], $0x80, $0x38;
	[tilespmem:$0x9080] =	vst v63  }
0x27a: {  	s20 =	sld [smem:$0x756];
	s19 =	sadd.s32 $0x100, s9  }
0x27b: {  	[tilespmem:s18], [sflag:$0x1] =	stream.linear.gather [hbm4b:s19+s3], $0x80, $0x38;
	[tilespmem:$0x9080] =	vst v63  }
0x27c: {  	s22 =	sld [smem:$0x757];
	s21 =	sadd.s32 $0x180, s9  }
0x27d: {  	[tilespmem:s20], [sflag:$0x1] =	stream.linear.gather [hbm4b:s21+s3], $0x80, $0x38;
	[tilespmem:$0x9080] =	vst v63  }
0x27e: {  	s24 =	sld [smem:$0x758];
	s23 =	sadd.s32 $0x200, s9  }
0x27f: {  	[tilespmem:s22], [sflag:$0x1] =	stream.linear.gather [hbm4b:s23+s3], $0x80, $0x38;
	[tilespmem:$0x9080] =	vst v63  }
0x280: {  	s26 =	sld [smem:$0x759];
	s25 =	sadd.s32 $0x280, s9  }
0x281: {  	[tilespmem:s24], [sflag:$0x1] =	stream.linear.gather [hbm4b:s25+s3], $0x80, $0x38;
	[tilespmem:$0x9080] =	vst v63  }
0x282: {  	s29 =	sld [smem:$0x75A];
	s28 =	sadd.s32 $0x300, s9;
	s12 =	spop (v2sf)  }
0x283: {  	[tilespmem:s26], [sflag:$0x1] =	stream.linear.gather [hbm4b:s28+s3], $0x80, $0x38;
	[tilespmem:$0x9080] =	vst v63  }
0x284: {  	s31 =	sld [smem:$0x75B];
	s30 =	sadd.s32 $0x380, s9;
	s13 =	sshrl.u32 s12, $0x3  }
0x285: {  	[tilespmem:s29], [sflag:$0x1] =	stream.linear.gather [hbm4b:s30+s3], $0x80, $0x38;
	[tilespmem:$0x9080] =	vst v63  }
0x286: {  	s9 =	sadd.s32 $0x400, s9;
	s10 =	smul.u32 $0x2400, s13  }
0x287: {  	[tilespmem:s31], [sflag:$0x1] =	stream.linear.gather [hbm4b:s9+s3], $0x80, $0x38;
	[tilespmem:$0x9080] =	vst v63  }
0x288: {  	s14 =	rddreg [dreg:$0x11];
	s9 =	sshll.u32 s12, $0x7  }
0x289: {  	(v2sf) =	vpush v1, $0xF;
	s10 =	sadd.s32 s10, s14;
	s9 =	sand.u32 $0x380, s9  }
0x28a: {  	s15 =	sld [smem:$0x75C];
	s9 =	sor.u32 s9, s10  }
0x28b: {  	s9 =	sshrl.u32 s9, $0x3  }
0x28c: {  	s16 =	sld [smem:$0x75D];
	s9 =	sadd.s32 s2, s9  }
0x28d: {  	[tilespmem:s15], [sflag:$0x1] =	stream.linear.gather [hbm4b:s9+s3], $0x80, $0x38;
	[tilespmem:$0x9080] =	vst v63  }
0x28e: {  	s18 =	sld [smem:$0x75E];
	s17 =	sadd.s32 $0x80, s9  }
0x28f: {  	[tilespmem:s16], [sflag:$0x1] =	stream.linear.gather [hbm4b:s17+s3], $0x80, $0x38;
	[tilespmem:$0x9080] =	vst v63  }
0x290: {  	s20 =	sld [smem:$0x75F];
	s19 =	sadd.s32 $0x100, s9  }
0x291: {  	[tilespmem:s18], [sflag:$0x1] =	stream.linear.gather [hbm4b:s19+s3], $0x80, $0x38;
	[tilespmem:$0x9080] =	vst v63  }
0x292: {  	s22 =	sld [smem:$0x760];
	s21 =	sadd.s32 $0x180, s9  }
0x293: {  	[tilespmem:s20], [sflag:$0x1] =	stream.linear.gather [hbm4b:s21+s3], $0x80, $0x38;
	[tilespmem:$0x9080] =	vst v63  }
0x294: {  	s24 =	sld [smem:$0x761];
	s23 =	sadd.s32 $0x200, s9  }
0x295: {  	[tilespmem:s22], [sflag:$0x1] =	stream.linear.gather [hbm4b:s23+s3], $0x80, $0x38;
	[tilespmem:$0x9080] =	vst v63  }
0x296: {  	s26 =	sld [smem:$0x762];
	s25 =	sadd.s32 $0x280, s9  }
0x297: {  	[tilespmem:s24], [sflag:$0x1] =	stream.linear.gather [hbm4b:s25+s3], $0x80, $0x38;
	[tilespmem:$0x9080] =	vst v63  }
0x298: {  	s29 =	sld [smem:$0x763];
	s12 =	spop (v2sf);
	s28 =	sadd.s32 $0x300, s9  }
0x299: {  	[tilespmem:s26], [sflag:$0x1] =	stream.linear.gather [hbm4b:s28+s3], $0x80, $0x38;
	[tilespmem:$0x9080] =	vst v63  }
0x29a: {  	s31 =	sld [smem:$0x764];
	s13 =	sshrl.u32 s12, $0x3;
	s30 =	sadd.s32 $0x380, s9  }
0x29b: {  	[tilespmem:s29], [sflag:$0x1] =	stream.linear.gather [hbm4b:s30+s3], $0x80, $0x38;
	[tilespmem:$0x9080] =	vst v63  }
0x29c: {  	s10 =	smul.u32 $0x2400, s13;
	s9 =	sadd.s32 $0x400, s9  }
0x29d: {  	[tilespmem:s31], [sflag:$0x1] =	stream.linear.gather [hbm4b:s9+s3], $0x80, $0x38;
	[tilespmem:$0x9080] =	vst v63  }
0x29e: {  	s14 =	rddreg [dreg:$0x12];
	s9 =	sshll.u32 s12, $0x7  }
0x29f: {  	(v2sf) =	vpush v0, $0x0;
	s10 =	sadd.s32 s10, s14;
	s9 =	sand.u32 $0x380, s9  }
0x2a0: {  	s15 =	sld [smem:$0x765];
	s9 =	sor.u32 s9, s10  }
0x2a1: {  	s9 =	sshrl.u32 s9, $0x3  }
0x2a2: {  	s16 =	sld [smem:$0x766];
	s9 =	sadd.s32 s2, s9  }
0x2a3: {  	[tilespmem:s15], [sflag:$0x1] =	stream.linear.gather [hbm4b:s9+s3], $0x80, $0x38;
	[tilespmem:$0x9080] =	vst v63  }
0x2a4: {  	s18 =	sld [smem:$0x767];
	s17 =	sadd.s32 $0x80, s9  }
0x2a5: {  	[tilespmem:s16], [sflag:$0x1] =	stream.linear.gather [hbm4b:s17+s3], $0x80, $0x38;
	[tilespmem:$0x9080] =	vst v63  }
0x2a6: {  	s20 =	sld [smem:$0x768];
	s19 =	sadd.s32 $0x100, s9  }
0x2a7: {  	[tilespmem:s18], [sflag:$0x1] =	stream.linear.gather [hbm4b:s19+s3], $0x80, $0x38;
	[tilespmem:$0x9080] =	vst v63  }
0x2a8: {  	s22 =	sld [smem:$0x769];
	s21 =	sadd.s32 $0x180, s9  }
0x2a9: {  	[tilespmem:s20], [sflag:$0x1] =	stream.linear.gather [hbm4b:s21+s3], $0x80, $0x38;
	[tilespmem:$0x9080] =	vst v63  }
0x2aa: {  	s24 =	sld [smem:$0x76A];
	s23 =	sadd.s32 $0x200, s9  }
0x2ab: {  	[tilespmem:s22], [sflag:$0x1] =	stream.linear.gather [hbm4b:s23+s3], $0x80, $0x38;
	[tilespmem:$0x9080] =	vst v63  }
0x2ac: {  	s26 =	sld [smem:$0x76B];
	s25 =	sadd.s32 $0x280, s9  }
0x2ad: {  	[tilespmem:s24], [sflag:$0x1] =	stream.linear.gather [hbm4b:s25+s3], $0x80, $0x38;
	[tilespmem:$0x9080] =	vst v63  }
0x2ae: {  	s29 =	sld [smem:$0x76C];
	s12 =	spop (v2sf);
	s28 =	sadd.s32 $0x300, s9  }
0x2af: {  	[tilespmem:s26], [sflag:$0x1] =	stream.linear.gather [hbm4b:s28+s3], $0x80, $0x38;
	[tilespmem:$0x9080] =	vst v63  }
0x2b0: {  	s31 =	sld [smem:$0x76D];
	s13 =	sshrl.u32 s12, $0x3;
	s30 =	sadd.s32 $0x380, s9  }
0x2b1: {  	[tilespmem:s29], [sflag:$0x1] =	stream.linear.gather [hbm4b:s30+s3], $0x80, $0x38;
	[tilespmem:$0x9080] =	vst v63  }
0x2b2: {  	s10 =	smul.u32 $0x2400, s13;
	s9 =	sadd.s32 $0x400, s9  }
0x2b3: {  	[tilespmem:s31], [sflag:$0x1] =	stream.linear.gather [hbm4b:s9+s3], $0x80, $0x38;
	[tilespmem:$0x9080] =	vst v63  }
0x2b4: {  	s14 =	rddreg [dreg:$0x13];
	s9 =	sshll.u32 s12, $0x7  }
0x2b5: {  	(v2sf) =	vpush v0, $0x1;
	s10 =	sadd.s32 s10, s14;
	s9 =	sand.u32 $0x380, s9  }
0x2b6: {  	s15 =	sld [smem:$0x76E];
	s9 =	sor.u32 s9, s10  }
0x2b7: {  	s9 =	sshrl.u32 s9, $0x3  }
0x2b8: {  	s16 =	sld [smem:$0x76F];
	s9 =	sadd.s32 s2, s9  }
0x2b9: {  	[tilespmem:s15], [sflag:$0x1] =	stream.linear.gather [hbm4b:s9+s3], $0x80, $0x38;
	[tilespmem:$0x9080] =	vst v63  }
0x2ba: {  	s18 =	sld [smem:$0x770];
	s17 =	sadd.s32 $0x80, s9  }
0x2bb: {  	[tilespmem:s16], [sflag:$0x1] =	stream.linear.gather [hbm4b:s17+s3], $0x80, $0x38;
	[tilespmem:$0x9080] =	vst v63  }
0x2bc: {  	s20 =	sld [smem:$0x771];
	s19 =	sadd.s32 $0x100, s9  }
0x2bd: {  	[tilespmem:s18], [sflag:$0x1] =	stream.linear.gather [hbm4b:s19+s3], $0x80, $0x38;
	[tilespmem:$0x9080] =	vst v63  }
0x2be: {  	s22 =	sld [smem:$0x772];
	s21 =	sadd.s32 $0x180, s9  }
0x2bf: {  	[tilespmem:s20], [sflag:$0x1] =	stream.linear.gather [hbm4b:s21+s3], $0x80, $0x38;
	[tilespmem:$0x9080] =	vst v63  }
0x2c0: {  	s24 =	sld [smem:$0x773];
	s23 =	sadd.s32 $0x200, s9  }
0x2c1: {  	[tilespmem:s22], [sflag:$0x1] =	stream.linear.gather [hbm4b:s23+s3], $0x80, $0x38;
	[tilespmem:$0x9080] =	vst v63  }
0x2c2: {  	s26 =	sld [smem:$0x774];
	s25 =	sadd.s32 $0x280, s9  }
0x2c3: {  	[tilespmem:s24], [sflag:$0x1] =	stream.linear.gather [hbm4b:s25+s3], $0x80, $0x38;
	[tilespmem:$0x9080] =	vst v63  }
0x2c4: {  	s29 =	sld [smem:$0x775];
	s12 =	spop (v2sf);
	s28 =	sadd.s32 $0x300, s9  }
0x2c5: {  	[tilespmem:s26], [sflag:$0x1] =	stream.linear.gather [hbm4b:s28+s3], $0x80, $0x38;
	[tilespmem:$0x9080] =	vst v63  }
0x2c6: {  	s31 =	sld [smem:$0x776];
	s13 =	sshrl.u32 s12, $0x3;
	s30 =	sadd.s32 $0x380, s9  }
0x2c7: {  	[tilespmem:s29], [sflag:$0x1] =	stream.linear.gather [hbm4b:s30+s3], $0x80, $0x38;
	[tilespmem:$0x9080] =	vst v63  }
0x2c8: {  	s10 =	smul.u32 $0x2400, s13;
	s9 =	sadd.s32 $0x400, s9  }
0x2c9: {  	[tilespmem:s31], [sflag:$0x1] =	stream.linear.gather [hbm4b:s9+s3], $0x80, $0x38;
	[tilespmem:$0x9080] =	vst v63  }
0x2ca: {  	s14 =	rddreg [dreg:$0x14];
	s9 =	sshll.u32 s12, $0x7  }
0x2cb: {  	(v2sf) =	vpush v0, $0x2;
	s10 =	sadd.s32 s10, s14;
	s9 =	sand.u32 $0x380, s9  }
0x2cc: {  	s15 =	sld [smem:$0x777];
	s9 =	sor.u32 s9, s10  }
0x2cd: {  	s9 =	sshrl.u32 s9, $0x3  }
0x2ce: {  	s16 =	sld [smem:$0x778];
	s9 =	sadd.s32 s2, s9  }
0x2cf: {  	[tilespmem:s15], [sflag:$0x1] =	stream.linear.gather [hbm4b:s9+s3], $0x80, $0x38;
	[tilespmem:$0x9080] =	vst v63  }
0x2d0: {  	s18 =	sld [smem:$0x779];
	s17 =	sadd.s32 $0x80, s9  }
0x2d1: {  	[tilespmem:s16], [sflag:$0x1] =	stream.linear.gather [hbm4b:s17+s3], $0x80, $0x38;
	[tilespmem:$0x9080] =	vst v63  }
0x2d2: {  	s20 =	sld [smem:$0x77A];
	s19 =	sadd.s32 $0x100, s9  }
0x2d3: {  	[tilespmem:s18], [sflag:$0x1] =	stream.linear.gather [hbm4b:s19+s3], $0x80, $0x38;
	[tilespmem:$0x9080] =	vst v63  }
0x2d4: {  	s22 =	sld [smem:$0x77B];
	s21 =	sadd.s32 $0x180, s9  }
0x2d5: {  	[tilespmem:s20], [sflag:$0x1] =	stream.linear.gather [hbm4b:s21+s3], $0x80, $0x38;
	[tilespmem:$0x9080] =	vst v63  }
0x2d6: {  	s24 =	sld [smem:$0x77C];
	s23 =	sadd.s32 $0x200, s9  }
0x2d7: {  	[tilespmem:s22], [sflag:$0x1] =	stream.linear.gather [hbm4b:s23+s3], $0x80, $0x38;
	[tilespmem:$0x9080] =	vst v63  }
0x2d8: {  	s26 =	sld [smem:$0x77D];
	s25 =	sadd.s32 $0x280, s9  }
0x2d9: {  	[tilespmem:s24], [sflag:$0x1] =	stream.linear.gather [hbm4b:s25+s3], $0x80, $0x38;
	[tilespmem:$0x9080] =	vst v63  }
0x2da: {  	s29 =	sld [smem:$0x77E];
	s12 =	spop (v2sf);
	s28 =	sadd.s32 $0x300, s9  }
0x2db: {  	[tilespmem:s26], [sflag:$0x1] =	stream.linear.gather [hbm4b:s28+s3], $0x80, $0x38;
	[tilespmem:$0x9080] =	vst v63  }
0x2dc: {  	s31 =	sld [smem:$0x77F];
	s13 =	sshrl.u32 s12, $0x3;
	s30 =	sadd.s32 $0x380, s9  }
0x2dd: {  	[tilespmem:s29], [sflag:$0x1] =	stream.linear.gather [hbm4b:s30+s3], $0x80, $0x38;
	[tilespmem:$0x9080] =	vst v63  }
0x2de: {  	s10 =	smul.u32 $0x2400, s13;
	s9 =	sadd.s32 $0x400, s9  }
0x2df: {  	[tilespmem:s31], [sflag:$0x1] =	stream.linear.gather [hbm4b:s9+s3], $0x80, $0x38;
	[tilespmem:$0x9080] =	vst v63  }
0x2e0: {  	s14 =	rddreg [dreg:$0x15];
	s9 =	sshll.u32 s12, $0x7  }
0x2e1: {  	(v2sf) =	vpush v0, $0x3;
	s10 =	sadd.s32 s10, s14;
	s9 =	sand.u32 $0x380, s9  }
0x2e2: {  	s15 =	sld [smem:$0x780];
	s9 =	sor.u32 s9, s10  }
0x2e3: {  	s9 =	sshrl.u32 s9, $0x3  }
0x2e4: {  	s16 =	sld [smem:$0x781];
	s9 =	sadd.s32 s2, s9  }
0x2e5: {  	[tilespmem:s15], [sflag:$0x1] =	stream.linear.gather [hbm4b:s9+s3], $0x80, $0x38;
	[tilespmem:$0x9080] =	vst v63  }
0x2e6: {  	s18 =	sld [smem:$0x782];
	s17 =	sadd.s32 $0x80, s9  }
0x2e7: {  	[tilespmem:s16], [sflag:$0x1] =	stream.linear.gather [hbm4b:s17+s3], $0x80, $0x38;
	[tilespmem:$0x9080] =	vst v63  }
0x2e8: {  	s20 =	sld [smem:$0x783];
	s19 =	sadd.s32 $0x100, s9  }
0x2e9: {  	[tilespmem:s18], [sflag:$0x1] =	stream.linear.gather [hbm4b:s19+s3], $0x80, $0x38;
	[tilespmem:$0x9080] =	vst v63  }
0x2ea: {  	s22 =	sld [smem:$0x784];
	s21 =	sadd.s32 $0x180, s9  }
0x2eb: {  	[tilespmem:s20], [sflag:$0x1] =	stream.linear.gather [hbm4b:s21+s3], $0x80, $0x38;
	[tilespmem:$0x9080] =	vst v63  }
0x2ec: {  	s24 =	sld [smem:$0x785];
	s23 =	sadd.s32 $0x200, s9  }
0x2ed: {  	[tilespmem:s22], [sflag:$0x1] =	stream.linear.gather [hbm4b:s23+s3], $0x80, $0x38;
	[tilespmem:$0x9080] =	vst v63  }
0x2ee: {  	s26 =	sld [smem:$0x786];
	s25 =	sadd.s32 $0x280, s9  }
0x2ef: {  	[tilespmem:s24], [sflag:$0x1] =	stream.linear.gather [hbm4b:s25+s3], $0x80, $0x38;
	[tilespmem:$0x9080] =	vst v63  }
0x2f0: {  	s29 =	sld [smem:$0x787];
	s12 =	spop (v2sf);
	s28 =	sadd.s32 $0x300, s9  }
0x2f1: {  	[tilespmem:s26], [sflag:$0x1] =	stream.linear.gather [hbm4b:s28+s3], $0x80, $0x38;
	[tilespmem:$0x9080] =	vst v63  }
0x2f2: {  	s31 =	sld [smem:$0x788];
	s13 =	sshrl.u32 s12, $0x3;
	s30 =	sadd.s32 $0x380, s9  }
0x2f3: {  	[tilespmem:s29], [sflag:$0x1] =	stream.linear.gather [hbm4b:s30+s3], $0x80, $0x38;
	[tilespmem:$0x9080] =	vst v63  }
0x2f4: {  	s10 =	smul.u32 $0x2400, s13;
	s9 =	sadd.s32 $0x400, s9  }
0x2f5: {  	[tilespmem:s31], [sflag:$0x1] =	stream.linear.gather [hbm4b:s9+s3], $0x80, $0x38;
	[tilespmem:$0x9080] =	vst v63  }
0x2f6: {  	s14 =	rddreg [dreg:$0x16];
	s9 =	sshll.u32 s12, $0x7  }
0x2f7: {  	(v2sf) =	vpush v0, $0x4;
	s10 =	sadd.s32 s10, s14;
	s9 =	sand.u32 $0x380, s9  }
0x2f8: {  	s15 =	sld [smem:$0x789];
	s9 =	sor.u32 s9, s10  }
0x2f9: {  	s9 =	sshrl.u32 s9, $0x3  }
0x2fa: {  	s16 =	sld [smem:$0x78A];
	s9 =	sadd.s32 s2, s9  }
0x2fb: {  	[tilespmem:s15], [sflag:$0x1] =	stream.linear.gather [hbm4b:s9+s3], $0x80, $0x38;
	[tilespmem:$0x9080] =	vst v63  }
0x2fc: {  	s18 =	sld [smem:$0x78B];
	s17 =	sadd.s32 $0x80, s9  }
0x2fd: {  	[tilespmem:s16], [sflag:$0x1] =	stream.linear.gather [hbm4b:s17+s3], $0x80, $0x38;
	[tilespmem:$0x9080] =	vst v63  }
0x2fe: {  	s20 =	sld [smem:$0x78C];
	s19 =	sadd.s32 $0x100, s9  }
0x2ff: {  	[tilespmem:s18], [sflag:$0x1] =	stream.linear.gather [hbm4b:s19+s3], $0x80, $0x38;
	[tilespmem:$0x9080] =	vst v63  }
0x300: {  	s22 =	sld [smem:$0x78D];
	s21 =	sadd.s32 $0x180, s9  }
0x301: {  	[tilespmem:s20], [sflag:$0x1] =	stream.linear.gather [hbm4b:s21+s3], $0x80, $0x38;
	[tilespmem:$0x9080] =	vst v63  }
0x302: {  	s24 =	sld [smem:$0x78E];
	s23 =	sadd.s32 $0x200, s9  }
0x303: {  	[tilespmem:s22], [sflag:$0x1] =	stream.linear.gather [hbm4b:s23+s3], $0x80, $0x38;
	[tilespmem:$0x9080] =	vst v63  }
0x304: {  	s26 =	sld [smem:$0x78F];
	s25 =	sadd.s32 $0x280, s9  }
0x305: {  	[tilespmem:s24], [sflag:$0x1] =	stream.linear.gather [hbm4b:s25+s3], $0x80, $0x38;
	[tilespmem:$0x9080] =	vst v63  }
0x306: {  	s29 =	sld [smem:$0x790];
	s12 =	spop (v2sf);
	s28 =	sadd.s32 $0x300, s9  }
0x307: {  	[tilespmem:s26], [sflag:$0x1] =	stream.linear.gather [hbm4b:s28+s3], $0x80, $0x38;
	[tilespmem:$0x9080] =	vst v63  }
0x308: {  	s31 =	sld [smem:$0x791];
	s13 =	sshrl.u32 s12, $0x3;
	s30 =	sadd.s32 $0x380, s9  }
0x309: {  	[tilespmem:s29], [sflag:$0x1] =	stream.linear.gather [hbm4b:s30+s3], $0x80, $0x38;
	[tilespmem:$0x9080] =	vst v63  }
0x30a: {  	s10 =	smul.u32 $0x2400, s13;
	s9 =	sadd.s32 $0x400, s9  }
0x30b: {  	[tilespmem:s31], [sflag:$0x1] =	stream.linear.gather [hbm4b:s9+s3], $0x80, $0x38;
	[tilespmem:$0x9080] =	vst v63  }
0x30c: {  	s14 =	rddreg [dreg:$0x17];
	s9 =	sshll.u32 s12, $0x7  }
0x30d: {  	(v2sf) =	vpush v0, $0x5;
	s10 =	sadd.s32 s10, s14;
	s9 =	sand.u32 $0x380, s9  }
0x30e: {  	s15 =	sld [smem:$0x792];
	s9 =	sor.u32 s9, s10  }
0x30f: {  	s9 =	sshrl.u32 s9, $0x3  }
0x310: {  	s16 =	sld [smem:$0x793];
	s9 =	sadd.s32 s2, s9  }
0x311: {  	[tilespmem:s15], [sflag:$0x1] =	stream.linear.gather [hbm4b:s9+s3], $0x80, $0x38;
	[tilespmem:$0x9080] =	vst v63  }
0x312: {  	s18 =	sld [smem:$0x794];
	s17 =	sadd.s32 $0x80, s9  }
0x313: {  	[tilespmem:s16], [sflag:$0x1] =	stream.linear.gather [hbm4b:s17+s3], $0x80, $0x38;
	[tilespmem:$0x9080] =	vst v63  }
0x314: {  	s20 =	sld [smem:$0x795];
	s19 =	sadd.s32 $0x100, s9  }
0x315: {  	[tilespmem:s18], [sflag:$0x1] =	stream.linear.gather [hbm4b:s19+s3], $0x80, $0x38;
	[tilespmem:$0x9080] =	vst v63  }
0x316: {  	s22 =	sld [smem:$0x796];
	s21 =	sadd.s32 $0x180, s9  }
0x317: {  	[tilespmem:s20], [sflag:$0x1] =	stream.linear.gather [hbm4b:s21+s3], $0x80, $0x38;
	[tilespmem:$0x9080] =	vst v63  }
0x318: {  	s24 =	sld [smem:$0x797];
	s23 =	sadd.s32 $0x200, s9  }
0x319: {  	[tilespmem:s22], [sflag:$0x1] =	stream.linear.gather [hbm4b:s23+s3], $0x80, $0x38;
	[tilespmem:$0x9080] =	vst v63  }
0x31a: {  	s26 =	sld [smem:$0x798];
	s25 =	sadd.s32 $0x280, s9  }
0x31b: {  	[tilespmem:s24], [sflag:$0x1] =	stream.linear.gather [hbm4b:s25+s3], $0x80, $0x38;
	[tilespmem:$0x9080] =	vst v63  }
0x31c: {  	s29 =	sld [smem:$0x799];
	s12 =	spop (v2sf);
	s28 =	sadd.s32 $0x300, s9  }
0x31d: {  	[tilespmem:s26], [sflag:$0x1] =	stream.linear.gather [hbm4b:s28+s3], $0x80, $0x38;
	[tilespmem:$0x9080] =	vst v63  }
0x31e: {  	s31 =	sld [smem:$0x79A];
	s13 =	sshrl.u32 s12, $0x3;
	s30 =	sadd.s32 $0x380, s9  }
0x31f: {  	[tilespmem:s29], [sflag:$0x1] =	stream.linear.gather [hbm4b:s30+s3], $0x80, $0x38;
	[tilespmem:$0x9080] =	vst v63  }
0x320: {  	s10 =	smul.u32 $0x2400, s13;
	s9 =	sadd.s32 $0x400, s9  }
0x321: {  	[tilespmem:s31], [sflag:$0x1] =	stream.linear.gather [hbm4b:s9+s3], $0x80, $0x38;
	[tilespmem:$0x9080] =	vst v63  }
0x322: {  	s14 =	rddreg [dreg:$0x18];
	s9 =	sshll.u32 s12, $0x7  }
0x323: {  	(v2sf) =	vpush v0, $0x6;
	s10 =	sadd.s32 s10, s14;
	s9 =	sand.u32 $0x380, s9  }
0x324: {  	s15 =	sld [smem:$0x79B];
	s9 =	sor.u32 s9, s10  }
0x325: {  	s9 =	sshrl.u32 s9, $0x3  }
0x326: {  	s16 =	sld [smem:$0x79C];
	s9 =	sadd.s32 s2, s9  }
0x327: {  	[tilespmem:s15], [sflag:$0x1] =	stream.linear.gather [hbm4b:s9+s3], $0x80, $0x38;
	[tilespmem:$0x9080] =	vst v63  }
0x328: {  	s18 =	sld [smem:$0x79D];
	s17 =	sadd.s32 $0x80, s9  }
0x329: {  	[tilespmem:s16], [sflag:$0x1] =	stream.linear.gather [hbm4b:s17+s3], $0x80, $0x38;
	[tilespmem:$0x9080] =	vst v63  }
0x32a: {  	s20 =	sld [smem:$0x79E];
	s19 =	sadd.s32 $0x100, s9  }
0x32b: {  	[tilespmem:s18], [sflag:$0x1] =	stream.linear.gather [hbm4b:s19+s3], $0x80, $0x38;
	[tilespmem:$0x9080] =	vst v63  }
0x32c: {  	s22 =	sld [smem:$0x79F];
	s21 =	sadd.s32 $0x180, s9  }
0x32d: {  	[tilespmem:s20], [sflag:$0x1] =	stream.linear.gather [hbm4b:s21+s3], $0x80, $0x38;
	[tilespmem:$0x9080] =	vst v63  }
0x32e: {  	s24 =	sld [smem:$0x7A0];
	s23 =	sadd.s32 $0x200, s9  }
0x32f: {  	[tilespmem:s22], [sflag:$0x1] =	stream.linear.gather [hbm4b:s23+s3], $0x80, $0x38;
	[tilespmem:$0x9080] =	vst v63  }
0x330: {  	s26 =	sld [smem:$0x7A1];
	s25 =	sadd.s32 $0x280, s9  }
0x331: {  	[tilespmem:s24], [sflag:$0x1] =	stream.linear.gather [hbm4b:s25+s3], $0x80, $0x38;
	[tilespmem:$0x9080] =	vst v63  }
0x332: {  	s29 =	sld [smem:$0x7A2];
	s12 =	spop (v2sf);
	s28 =	sadd.s32 $0x300, s9  }
0x333: {  	[tilespmem:s26], [sflag:$0x1] =	stream.linear.gather [hbm4b:s28+s3], $0x80, $0x38;
	[tilespmem:$0x9080] =	vst v63  }
0x334: {  	s31 =	sld [smem:$0x7A3];
	s13 =	sshrl.u32 s12, $0x3;
	s30 =	sadd.s32 $0x380, s9  }
0x335: {  	[tilespmem:s29], [sflag:$0x1] =	stream.linear.gather [hbm4b:s30+s3], $0x80, $0x38;
	[tilespmem:$0x9080] =	vst v63  }
0x336: {  	s10 =	smul.u32 $0x2400, s13;
	s9 =	sadd.s32 $0x400, s9  }
0x337: {  	[tilespmem:s31], [sflag:$0x1] =	stream.linear.gather [hbm4b:s9+s3], $0x80, $0x38;
	[tilespmem:$0x9080] =	vst v63  }
0x338: {  	s14 =	rddreg [dreg:$0x19];
	s9 =	sshll.u32 s12, $0x7  }
0x339: {  	(v2sf) =	vpush v0, $0x7;
	s10 =	sadd.s32 s10, s14;
	s9 =	sand.u32 $0x380, s9  }
0x33a: {  	s15 =	sld [smem:$0x7A4];
	s9 =	sor.u32 s9, s10  }
0x33b: {  	s9 =	sshrl.u32 s9, $0x3  }
0x33c: {  	s16 =	sld [smem:$0x7A5];
	s9 =	sadd.s32 s2, s9  }
0x33d: {  	[tilespmem:s15], [sflag:$0x1] =	stream.linear.gather [hbm4b:s9+s3], $0x80, $0x38;
	[tilespmem:$0x9080] =	vst v63  }
0x33e: {  	s18 =	sld [smem:$0x7A6];
	s17 =	sadd.s32 $0x80, s9  }
0x33f: {  	[tilespmem:s16], [sflag:$0x1] =	stream.linear.gather [hbm4b:s17+s3], $0x80, $0x38;
	[tilespmem:$0x9080] =	vst v63  }
0x340: {  	s20 =	sld [smem:$0x7A7];
	s19 =	sadd.s32 $0x100, s9  }
0x341: {  	[tilespmem:s18], [sflag:$0x1] =	stream.linear.gather [hbm4b:s19+s3], $0x80, $0x38;
	[tilespmem:$0x9080] =	vst v63  }
0x342: {  	s22 =	sld [smem:$0x7A8];
	s21 =	sadd.s32 $0x180, s9  }
0x343: {  	[tilespmem:s20], [sflag:$0x1] =	stream.linear.gather [hbm4b:s21+s3], $0x80, $0x38;
	[tilespmem:$0x9080] =	vst v63  }
0x344: {  	s24 =	sld [smem:$0x7A9];
	s23 =	sadd.s32 $0x200, s9  }
0x345: {  	[tilespmem:s22], [sflag:$0x1] =	stream.linear.gather [hbm4b:s23+s3], $0x80, $0x38;
	[tilespmem:$0x9080] =	vst v63  }
0x346: {  	s26 =	sld [smem:$0x7AA];
	s25 =	sadd.s32 $0x280, s9  }
0x347: {  	[tilespmem:s24], [sflag:$0x1] =	stream.linear.gather [hbm4b:s25+s3], $0x80, $0x38;
	[tilespmem:$0x9080] =	vst v63  }
0x348: {  	s29 =	sld [smem:$0x7AB];
	s12 =	spop (v2sf);
	s28 =	sadd.s32 $0x300, s9  }
0x349: {  	[tilespmem:s26], [sflag:$0x1] =	stream.linear.gather [hbm4b:s28+s3], $0x80, $0x38;
	[tilespmem:$0x9080] =	vst v63  }
0x34a: {  	s31 =	sld [smem:$0x7AC];
	s13 =	sshrl.u32 s12, $0x3;
	s30 =	sadd.s32 $0x380, s9  }
0x34b: {  	[tilespmem:s29], [sflag:$0x1] =	stream.linear.gather [hbm4b:s30+s3], $0x80, $0x38;
	[tilespmem:$0x9080] =	vst v63  }
0x34c: {  	s10 =	smul.u32 $0x2400, s13;
	s9 =	sadd.s32 $0x400, s9  }
0x34d: {  	[tilespmem:s31], [sflag:$0x1] =	stream.linear.gather [hbm4b:s9+s3], $0x80, $0x38;
	[tilespmem:$0x9080] =	vst v63  }
0x34e: {  	s14 =	rddreg [dreg:$0x1a];
	s9 =	sshll.u32 s12, $0x7  }
0x34f: {  	(v2sf) =	vpush v0, $0x8;
	s10 =	sadd.s32 s10, s14;
	s9 =	sand.u32 $0x380, s9  }
0x350: {  	s15 =	sld [smem:$0x7AD];
	s9 =	sor.u32 s9, s10  }
0x351: {  	s9 =	sshrl.u32 s9, $0x3  }
0x352: {  	s16 =	sld [smem:$0x7AE];
	s9 =	sadd.s32 s2, s9  }
0x353: {  	[tilespmem:s15], [sflag:$0x1] =	stream.linear.gather [hbm4b:s9+s3], $0x80, $0x38;
	[tilespmem:$0x9080] =	vst v63  }
0x354: {  	s18 =	sld [smem:$0x7AF];
	s17 =	sadd.s32 $0x80, s9  }
0x355: {  	[tilespmem:s16], [sflag:$0x1] =	stream.linear.gather [hbm4b:s17+s3], $0x80, $0x38;
	[tilespmem:$0x9080] =	vst v63  }
0x356: {  	s20 =	sld [smem:$0x7B0];
	s19 =	sadd.s32 $0x100, s9  }
0x357: {  	[tilespmem:s18], [sflag:$0x1] =	stream.linear.gather [hbm4b:s19+s3], $0x80, $0x38;
	[tilespmem:$0x9080] =	vst v63  }
0x358: {  	s22 =	sld [smem:$0x7B1];
	s21 =	sadd.s32 $0x180, s9  }
0x359: {  	[tilespmem:s20], [sflag:$0x1] =	stream.linear.gather [hbm4b:s21+s3], $0x80, $0x38;
	[tilespmem:$0x9080] =	vst v63  }
0x35a: {  	s24 =	sld [smem:$0x7B2];
	s23 =	sadd.s32 $0x200, s9  }
0x35b: {  	[tilespmem:s22], [sflag:$0x1] =	stream.linear.gather [hbm4b:s23+s3], $0x80, $0x38;
	[tilespmem:$0x9080] =	vst v63  }
0x35c: {  	s26 =	sld [smem:$0x7B3];
	s25 =	sadd.s32 $0x280, s9  }
0x35d: {  	[tilespmem:s24], [sflag:$0x1] =	stream.linear.gather [hbm4b:s25+s3], $0x80, $0x38;
	[tilespmem:$0x9080] =	vst v63  }
0x35e: {  	s29 =	sld [smem:$0x7B4];
	s12 =	spop (v2sf);
	s28 =	sadd.s32 $0x300, s9  }
0x35f: {  	[tilespmem:s26], [sflag:$0x1] =	stream.linear.gather [hbm4b:s28+s3], $0x80, $0x38;
	[tilespmem:$0x9080] =	vst v63  }
0x360: {  	s31 =	sld [smem:$0x7B5];
	s13 =	sshrl.u32 s12, $0x3;
	s30 =	sadd.s32 $0x380, s9  }
0x361: {  	[tilespmem:s29], [sflag:$0x1] =	stream.linear.gather [hbm4b:s30+s3], $0x80, $0x38;
	[tilespmem:$0x9080] =	vst v63  }
0x362: {  	s10 =	smul.u32 $0x2400, s13;
	s9 =	sadd.s32 $0x400, s9  }
0x363: {  	[tilespmem:s31], [sflag:$0x1] =	stream.linear.gather [hbm4b:s9+s3], $0x80, $0x38;
	[tilespmem:$0x9080] =	vst v63  }
0x364: {  	s14 =	rddreg [dreg:$0x1b];
	s9 =	sshll.u32 s12, $0x7  }
0x365: {  	(v2sf) =	vpush v0, $0x9;
	s10 =	sadd.s32 s10, s14;
	s9 =	sand.u32 $0x380, s9  }
0x366: {  	s15 =	sld [smem:$0x7B6];
	s9 =	sor.u32 s9, s10  }
0x367: {  	s9 =	sshrl.u32 s9, $0x3  }
0x368: {  	s16 =	sld [smem:$0x7B7];
	s9 =	sadd.s32 s2, s9  }
0x369: {  	[tilespmem:s15], [sflag:$0x1] =	stream.linear.gather [hbm4b:s9+s3], $0x80, $0x38;
	[tilespmem:$0x9080] =	vst v63  }
0x36a: {  	s18 =	sld [smem:$0x7B8];
	s17 =	sadd.s32 $0x80, s9  }
0x36b: {  	[tilespmem:s16], [sflag:$0x1] =	stream.linear.gather [hbm4b:s17+s3], $0x80, $0x38;
	[tilespmem:$0x9080] =	vst v63  }
0x36c: {  	s20 =	sld [smem:$0x7B9];
	s19 =	sadd.s32 $0x100, s9  }
0x36d: {  	[tilespmem:s18], [sflag:$0x1] =	stream.linear.gather [hbm4b:s19+s3], $0x80, $0x38;
	[tilespmem:$0x9080] =	vst v63  }
0x36e: {  	s22 =	sld [smem:$0x7BA];
	s21 =	sadd.s32 $0x180, s9  }
0x36f: {  	[tilespmem:s20], [sflag:$0x1] =	stream.linear.gather [hbm4b:s21+s3], $0x80, $0x38;
	[tilespmem:$0x9080] =	vst v63  }
0x370: {  	s24 =	sld [smem:$0x7BB];
	s23 =	sadd.s32 $0x200, s9  }
0x371: {  	[tilespmem:s22], [sflag:$0x1] =	stream.linear.gather [hbm4b:s23+s3], $0x80, $0x38;
	[tilespmem:$0x9080] =	vst v63  }
0x372: {  	s26 =	sld [smem:$0x7BC];
	s25 =	sadd.s32 $0x280, s9  }
0x373: {  	[tilespmem:s24], [sflag:$0x1] =	stream.linear.gather [hbm4b:s25+s3], $0x80, $0x38;
	[tilespmem:$0x9080] =	vst v63  }
0x374: {  	s29 =	sld [smem:$0x7BD];
	s12 =	spop (v2sf);
	s28 =	sadd.s32 $0x300, s9  }
0x375: {  	[tilespmem:s26], [sflag:$0x1] =	stream.linear.gather [hbm4b:s28+s3], $0x80, $0x38;
	[tilespmem:$0x9080] =	vst v63  }
0x376: {  	s31 =	sld [smem:$0x7BE];
	s13 =	sshrl.u32 s12, $0x3;
	s30 =	sadd.s32 $0x380, s9  }
0x377: {  	[tilespmem:s29], [sflag:$0x1] =	stream.linear.gather [hbm4b:s30+s3], $0x80, $0x38;
	[tilespmem:$0x9080] =	vst v63  }
0x378: {  	s10 =	smul.u32 $0x2400, s13;
	s9 =	sadd.s32 $0x400, s9  }
0x379: {  	[tilespmem:s31], [sflag:$0x1] =	stream.linear.gather [hbm4b:s9+s3], $0x80, $0x38;
	[tilespmem:$0x9080] =	vst v63  }
0x37a: {  	s14 =	rddreg [dreg:$0x1c];
	s9 =	sshll.u32 s12, $0x7  }
0x37b: {  	(v2sf) =	vpush v0, $0xA;
	s10 =	sadd.s32 s10, s14;
	s9 =	sand.u32 $0x380, s9  }
0x37c: {  	s15 =	sld [smem:$0x7BF];
	s9 =	sor.u32 s9, s10  }
0x37d: {  	s9 =	sshrl.u32 s9, $0x3  }
0x37e: {  	s16 =	sld [smem:$0x7C0];
	s9 =	sadd.s32 s2, s9  }
0x37f: {  	[tilespmem:s15], [sflag:$0x1] =	stream.linear.gather [hbm4b:s9+s3], $0x80, $0x38;
	[tilespmem:$0x9080] =	vst v63  }
0x380: {  	s18 =	sld [smem:$0x7C1];
	s17 =	sadd.s32 $0x80, s9  }
0x381: {  	[tilespmem:s16], [sflag:$0x1] =	stream.linear.gather [hbm4b:s17+s3], $0x80, $0x38;
	[tilespmem:$0x9080] =	vst v63  }
0x382: {  	s20 =	sld [smem:$0x7C2];
	s19 =	sadd.s32 $0x100, s9  }
0x383: {  	[tilespmem:s18], [sflag:$0x1] =	stream.linear.gather [hbm4b:s19+s3], $0x80, $0x38;
	[tilespmem:$0x9080] =	vst v63  }
0x384: {  	s22 =	sld [smem:$0x7C3];
	s21 =	sadd.s32 $0x180, s9  }
0x385: {  	[tilespmem:s20], [sflag:$0x1] =	stream.linear.gather [hbm4b:s21+s3], $0x80, $0x38;
	[tilespmem:$0x9080] =	vst v63  }
0x386: {  	s24 =	sld [smem:$0x7C4];
	s23 =	sadd.s32 $0x200, s9  }
0x387: {  	[tilespmem:s22], [sflag:$0x1] =	stream.linear.gather [hbm4b:s23+s3], $0x80, $0x38;
	[tilespmem:$0x9080] =	vst v63  }
0x388: {  	s26 =	sld [smem:$0x7C5];
	s25 =	sadd.s32 $0x280, s9  }
0x389: {  	[tilespmem:s24], [sflag:$0x1] =	stream.linear.gather [hbm4b:s25+s3], $0x80, $0x38;
	[tilespmem:$0x9080] =	vst v63  }
0x38a: {  	s29 =	sld [smem:$0x7C6];
	s12 =	spop (v2sf);
	s28 =	sadd.s32 $0x300, s9  }
0x38b: {  	[tilespmem:s26], [sflag:$0x1] =	stream.linear.gather [hbm4b:s28+s3], $0x80, $0x38;
	[tilespmem:$0x9080] =	vst v63  }
0x38c: {  	s31 =	sld [smem:$0x7C7];
	s13 =	sshrl.u32 s12, $0x3;
	s30 =	sadd.s32 $0x380, s9  }
0x38d: {  	[tilespmem:s29], [sflag:$0x1] =	stream.linear.gather [hbm4b:s30+s3], $0x80, $0x38;
	[tilespmem:$0x9080] =	vst v63  }
0x38e: {  	s10 =	smul.u32 $0x2400, s13;
	s9 =	sadd.s32 $0x400, s9  }
0x38f: {  	[tilespmem:s31], [sflag:$0x1] =	stream.linear.gather [hbm4b:s9+s3], $0x80, $0x38;
	[tilespmem:$0x9080] =	vst v63  }
0x390: {  	s14 =	rddreg [dreg:$0x1d];
	s9 =	sshll.u32 s12, $0x7  }
0x391: {  	(v2sf) =	vpush v0, $0xB;
	s10 =	sadd.s32 s10, s14;
	s9 =	sand.u32 $0x380, s9  }
0x392: {  	s15 =	sld [smem:$0x7C8];
	s9 =	sor.u32 s9, s10  }
0x393: {  	s9 =	sshrl.u32 s9, $0x3  }
0x394: {  	s16 =	sld [smem:$0x7C9];
	s9 =	sadd.s32 s2, s9  }
0x395: {  	[tilespmem:s15], [sflag:$0x1] =	stream.linear.gather [hbm4b:s9+s3], $0x80, $0x38;
	[tilespmem:$0x9080] =	vst v63  }
0x396: {  	s18 =	sld [smem:$0x7CA];
	s17 =	sadd.s32 $0x80, s9  }
0x397: {  	[tilespmem:s16], [sflag:$0x1] =	stream.linear.gather [hbm4b:s17+s3], $0x80, $0x38;
	[tilespmem:$0x9080] =	vst v63  }
0x398: {  	s20 =	sld [smem:$0x7CB];
	s19 =	sadd.s32 $0x100, s9  }
0x399: {  	[tilespmem:s18], [sflag:$0x1] =	stream.linear.gather [hbm4b:s19+s3], $0x80, $0x38;
	[tilespmem:$0x9080] =	vst v63  }
0x39a: {  	s22 =	sld [smem:$0x7CC];
	s21 =	sadd.s32 $0x180, s9  }
0x39b: {  	[tilespmem:s20], [sflag:$0x1] =	stream.linear.gather [hbm4b:s21+s3], $0x80, $0x38;
	[tilespmem:$0x9080] =	vst v63  }
0x39c: {  	s24 =	sld [smem:$0x7CD];
	s23 =	sadd.s32 $0x200, s9  }
0x39d: {  	[tilespmem:s22], [sflag:$0x1] =	stream.linear.gather [hbm4b:s23+s3], $0x80, $0x38;
	[tilespmem:$0x9080] =	vst v63  }
0x39e: {  	s26 =	sld [smem:$0x7CE];
	s25 =	sadd.s32 $0x280, s9  }
0x39f: {  	[tilespmem:s24], [sflag:$0x1] =	stream.linear.gather [hbm4b:s25+s3], $0x80, $0x38;
	[tilespmem:$0x9080] =	vst v63  }
0x3a0: {  	s29 =	sld [smem:$0x7CF];
	s12 =	spop (v2sf);
	s28 =	sadd.s32 $0x300, s9  }
0x3a1: {  	[tilespmem:s26], [sflag:$0x1] =	stream.linear.gather [hbm4b:s28+s3], $0x80, $0x38;
	[tilespmem:$0x9080] =	vst v63  }
0x3a2: {  	s31 =	sld [smem:$0x7D0];
	s13 =	sshrl.u32 s12, $0x3;
	s30 =	sadd.s32 $0x380, s9  }
0x3a3: {  	[tilespmem:s29], [sflag:$0x1] =	stream.linear.gather [hbm4b:s30+s3], $0x80, $0x38;
	[tilespmem:$0x9080] =	vst v63  }
0x3a4: {  	s10 =	smul.u32 $0x2400, s13;
	s9 =	sadd.s32 $0x400, s9  }
0x3a5: {  	[tilespmem:s31], [sflag:$0x1] =	stream.linear.gather [hbm4b:s9+s3], $0x80, $0x38;
	[tilespmem:$0x9080] =	vst v63  }
0x3a6: {  	s14 =	rddreg [dreg:$0x1e];
	s9 =	sshll.u32 s12, $0x7  }
0x3a7: {  	(v2sf) =	vpush v0, $0xC;
	s10 =	sadd.s32 s10, s14;
	s9 =	sand.u32 $0x380, s9  }
0x3a8: {  	s15 =	sld [smem:$0x7D1];
	s9 =	sor.u32 s9, s10  }
0x3a9: {  	s9 =	sshrl.u32 s9, $0x3  }
0x3aa: {  	s16 =	sld [smem:$0x7D2];
	s9 =	sadd.s32 s2, s9  }
0x3ab: {  	[tilespmem:s15], [sflag:$0x1] =	stream.linear.gather [hbm4b:s9+s3], $0x80, $0x38;
	[tilespmem:$0x9080] =	vst v63  }
0x3ac: {  	s18 =	sld [smem:$0x7D3];
	s17 =	sadd.s32 $0x80, s9  }
0x3ad: {  	[tilespmem:s16], [sflag:$0x1] =	stream.linear.gather [hbm4b:s17+s3], $0x80, $0x38;
	[tilespmem:$0x9080] =	vst v63  }
0x3ae: {  	s20 =	sld [smem:$0x7D4];
	s19 =	sadd.s32 $0x100, s9  }
0x3af: {  	[tilespmem:s18], [sflag:$0x1] =	stream.linear.gather [hbm4b:s19+s3], $0x80, $0x38;
	[tilespmem:$0x9080] =	vst v63  }
0x3b0: {  	s22 =	sld [smem:$0x7D5];
	s21 =	sadd.s32 $0x180, s9  }
0x3b1: {  	[tilespmem:s20], [sflag:$0x1] =	stream.linear.gather [hbm4b:s21+s3], $0x80, $0x38;
	[tilespmem:$0x9080] =	vst v63  }
0x3b2: {  	s24 =	sld [smem:$0x7D6];
	s23 =	sadd.s32 $0x200, s9  }
0x3b3: {  	[tilespmem:s22], [sflag:$0x1] =	stream.linear.gather [hbm4b:s23+s3], $0x80, $0x38;
	[tilespmem:$0x9080] =	vst v63  }
0x3b4: {  	s26 =	sld [smem:$0x7D7];
	s25 =	sadd.s32 $0x280, s9  }
0x3b5: {  	[tilespmem:s24], [sflag:$0x1] =	stream.linear.gather [hbm4b:s25+s3], $0x80, $0x38;
	[tilespmem:$0x9080] =	vst v63  }
0x3b6: {  	s29 =	sld [smem:$0x7D8];
	s12 =	spop (v2sf);
	s28 =	sadd.s32 $0x300, s9  }
0x3b7: {  	[tilespmem:s26], [sflag:$0x1] =	stream.linear.gather [hbm4b:s28+s3], $0x80, $0x38;
	[tilespmem:$0x9080] =	vst v63  }
0x3b8: {  	s31 =	sld [smem:$0x7D9];
	s13 =	sshrl.u32 s12, $0x3;
	s30 =	sadd.s32 $0x380, s9  }
0x3b9: {  	[tilespmem:s29], [sflag:$0x1] =	stream.linear.gather [hbm4b:s30+s3], $0x80, $0x38;
	[tilespmem:$0x9080] =	vst v63  }
0x3ba: {  	s10 =	smul.u32 $0x2400, s13;
	s9 =	sadd.s32 $0x400, s9  }
0x3bb: {  	[tilespmem:s31], [sflag:$0x1] =	stream.linear.gather [hbm4b:s9+s3], $0x80, $0x38;
	[tilespmem:$0x9080] =	vst v63  }
0x3bc: {  	s14 =	rddreg [dreg:$0x1f];
	s9 =	sshll.u32 s12, $0x7  }
0x3bd: {  	(v2sf) =	vpush v0, $0xD;
	s10 =	sadd.s32 s10, s14;
	s9 =	sand.u32 $0x380, s9  }
0x3be: {  	s15 =	sld [smem:$0x7DA];
	s9 =	sor.u32 s9, s10  }
0x3bf: {  	s9 =	sshrl.u32 s9, $0x3  }
0x3c0: {  	s16 =	sld [smem:$0x7DB];
	s9 =	sadd.s32 s2, s9  }
0x3c1: {  	[tilespmem:s15], [sflag:$0x1] =	stream.linear.gather [hbm4b:s9+s3], $0x80, $0x38;
	[tilespmem:$0x9080] =	vst v63  }
0x3c2: {  	s18 =	sld [smem:$0x7DE];
	s17 =	sadd.s32 $0x80, s9  }
0x3c3: {  	[tilespmem:s16], [sflag:$0x1] =	stream.linear.gather [hbm4b:s17+s3], $0x80, $0x38;
	[tilespmem:$0x9080] =	vst v63  }
0x3c4: {  	s20 =	sld [smem:$0x7DF];
	s19 =	sadd.s32 $0x100, s9  }
0x3c5: {  	[tilespmem:s18], [sflag:$0x1] =	stream.linear.gather [hbm4b:s19+s3], $0x80, $0x38;
	[tilespmem:$0x9080] =	vst v63  }
0x3c6: {  	s22 =	sld [smem:$0x7E0];
	s21 =	sadd.s32 $0x180, s9  }
0x3c7: {  	[tilespmem:s20], [sflag:$0x1] =	stream.linear.gather [hbm4b:s21+s3], $0x80, $0x38;
	[tilespmem:$0x9080] =	vst v63  }
0x3c8: {  	s24 =	sld [smem:$0x7E1];
	s23 =	sadd.s32 $0x200, s9  }
0x3c9: {  	[tilespmem:s22], [sflag:$0x1] =	stream.linear.gather [hbm4b:s23+s3], $0x80, $0x38;
	[tilespmem:$0x9080] =	vst v63  }
0x3ca: {  	s26 =	sld [smem:$0x7E2];
	s25 =	sadd.s32 $0x280, s9  }
0x3cb: {  	[tilespmem:s24], [sflag:$0x1] =	stream.linear.gather [hbm4b:s25+s3], $0x80, $0x38;
	[tilespmem:$0x9080] =	vst v63  }
0x3cc: {  	s29 =	sld [smem:$0x7E3];
	s12 =	spop (v2sf);
	s28 =	sadd.s32 $0x300, s9  }
0x3cd: {  	[tilespmem:s26], [sflag:$0x1] =	stream.linear.gather [hbm4b:s28+s3], $0x80, $0x38;
	[tilespmem:$0x9080] =	vst v63  }
0x3ce: {  	s31 =	sld [smem:$0x7E4];
	s13 =	sshrl.u32 s12, $0x3;
	s30 =	sadd.s32 $0x380, s9  }
0x3cf: {  	[tilespmem:s29], [sflag:$0x1] =	stream.linear.gather [hbm4b:s30+s3], $0x80, $0x38;
	[tilespmem:$0x9080] =	vst v63  }
0x3d0: {  	s14 =	sld [smem:$0x6DB];
	s10 =	smul.u32 $0x2400, s13;
	s9 =	sadd.s32 $0x400, s9  }
0x3d1: {  	[tilespmem:s31], [sflag:$0x1] =	stream.linear.gather [hbm4b:s9+s3], $0x80, $0x38;
	[tilespmem:$0x9080] =	vst v63  }
0x3d2: {  	s9 =	sshll.u32 s12, $0x7  }
0x3d3: {  	(v2sf) =	vpush v0, $0xE;
	s10 =	sadd.s32 s10, s14;
	s9 =	sand.u32 $0x380, s9  }
0x3d4: {  	s15 =	sld [smem:$0x7E5];
	s9 =	sor.u32 s9, s10  }
0x3d5: {  	s9 =	sshrl.u32 s9, $0x3  }
0x3d6: {  	s16 =	sld [smem:$0x7E6];
	s9 =	sadd.s32 s2, s9  }
0x3d7: {  	[tilespmem:s15], [sflag:$0x1] =	stream.linear.gather [hbm4b:s9+s3], $0x80, $0x38;
	[tilespmem:$0x9080] =	vst v63  }
0x3d8: {  	s18 =	sld [smem:$0x7E7];
	s17 =	sadd.s32 $0x80, s9  }
0x3d9: {  	[tilespmem:s16], [sflag:$0x1] =	stream.linear.gather [hbm4b:s17+s3], $0x80, $0x38;
	[tilespmem:$0x9080] =	vst v63  }
0x3da: {  	s20 =	sld [smem:$0x7E8];
	s19 =	sadd.s32 $0x100, s9  }
0x3db: {  	[tilespmem:s18], [sflag:$0x1] =	stream.linear.gather [hbm4b:s19+s3], $0x80, $0x38;
	[tilespmem:$0x9080] =	vst v63  }
0x3dc: {  	s22 =	sld [smem:$0x7E9];
	s21 =	sadd.s32 $0x180, s9  }
0x3dd: {  	[tilespmem:s20], [sflag:$0x1] =	stream.linear.gather [hbm4b:s21+s3], $0x80, $0x38;
	[tilespmem:$0x9080] =	vst v63  }
0x3de: {  	s24 =	sld [smem:$0x7EA];
	s23 =	sadd.s32 $0x200, s9  }
0x3df: {  	[tilespmem:s22], [sflag:$0x1] =	stream.linear.gather [hbm4b:s23+s3], $0x80, $0x38;
	[tilespmem:$0x9080] =	vst v63  }
0x3e0: {  	s26 =	sld [smem:$0x7EB];
	s25 =	sadd.s32 $0x280, s9  }
0x3e1: {  	[tilespmem:s24], [sflag:$0x1] =	stream.linear.gather [hbm4b:s25+s3], $0x80, $0x38;
	[tilespmem:$0x9080] =	vst v63  }
0x3e2: {  	s29 =	sld [smem:$0x7EC];
	s12 =	spop (v2sf);
	s28 =	sadd.s32 $0x300, s9  }
0x3e3: {  	[tilespmem:s26], [sflag:$0x1] =	stream.linear.gather [hbm4b:s28+s3], $0x80, $0x38;
	[tilespmem:$0x9080] =	vst v63  }
0x3e4: {  	s31 =	sld [smem:$0x7ED];
	s13 =	sshrl.u32 s12, $0x3;
	s30 =	sadd.s32 $0x380, s9  }
0x3e5: {  	[tilespmem:s29], [sflag:$0x1] =	stream.linear.gather [hbm4b:s30+s3], $0x80, $0x38;
	[tilespmem:$0x9080] =	vst v63  }
0x3e6: {  	s14 =	sld [smem:$0x6DC];
	s10 =	smul.u32 $0x2400, s13;
	s9 =	sadd.s32 $0x400, s9  }
0x3e7: {  	[tilespmem:s31], [sflag:$0x1] =	stream.linear.gather [hbm4b:s9+s3], $0x80, $0x38;
	[tilespmem:$0x9080] =	vst v63  }
0x3e8: {  	s9 =	sshll.u32 s12, $0x7  }
0x3e9: {  	(v2sf) =	vpush v0, $0xF;
	s10 =	sadd.s32 s10, s14;
	s9 =	sand.u32 $0x380, s9  }
0x3ea: {  	s15 =	sld [smem:$0x7EE];
	s9 =	sor.u32 s9, s10  }
0x3eb: {  	s9 =	sshrl.u32 s9, $0x3  }
0x3ec: {  	s16 =	sld [smem:$0x7EF];
	s9 =	sadd.s32 s2, s9  }
0x3ed: {  	[tilespmem:s15], [sflag:$0x1] =	stream.linear.gather [hbm4b:s9+s3], $0x80, $0x38;
	[tilespmem:$0x9080] =	vst v63  }
0x3ee: {  	s18 =	sld [smem:$0x7F0];
	s17 =	sadd.s32 $0x80, s9  }
0x3ef: {  	[tilespmem:s16], [sflag:$0x1] =	stream.linear.gather [hbm4b:s17+s3], $0x80, $0x38;
	[tilespmem:$0x9080] =	vst v63  }
0x3f0: {  	s20 =	sld [smem:$0x7F1];
	s19 =	sadd.s32 $0x100, s9  }
0x3f1: {  	[tilespmem:s18], [sflag:$0x1] =	stream.linear.gather [hbm4b:s19+s3], $0x80, $0x38;
	[tilespmem:$0x9080] =	vst v63  }
0x3f2: {  	s22 =	sld [smem:$0x7F2];
	s21 =	sadd.s32 $0x180, s9  }
0x3f3: {  	[tilespmem:s20], [sflag:$0x1] =	stream.linear.gather [hbm4b:s21+s3], $0x80, $0x38;
	[tilespmem:$0x9080] =	vst v63  }
0x3f4: {  	s24 =	sld [smem:$0x7F3];
	s23 =	sadd.s32 $0x200, s9  }
0x3f5: {  	[tilespmem:s22], [sflag:$0x1] =	stream.linear.gather [hbm4b:s23+s3], $0x80, $0x38;
	[tilespmem:$0x9080] =	vst v63  }
0x3f6: {  	s26 =	sld [smem:$0x7F4];
	s25 =	sadd.s32 $0x280, s9  }
0x3f7: {  	[tilespmem:s24], [sflag:$0x1] =	stream.linear.gather [hbm4b:s25+s3], $0x80, $0x38;
	[tilespmem:$0x9080] =	vst v63  }
0x3f8: {  	s11 =	spop (v2sf);
	s29 =	sld [smem:$0x7F5];
	s28 =	sadd.s32 $0x300, s9  }
0x3f9: {  	[tilespmem:s26], [sflag:$0x1] =	stream.linear.gather [hbm4b:s28+s3], $0x80, $0x38;
	[tilespmem:$0x9080] =	vst v63  }
0x3fa: {  	s31 =	sld [smem:$0x7F6];
	s12 =	sshrl.u32 s11, $0x3;
	s30 =	sadd.s32 $0x380, s9  }
0x3fb: {  	[tilespmem:s29], [sflag:$0x1] =	stream.linear.gather [hbm4b:s30+s3], $0x80, $0x38;
	[tilespmem:$0x9080] =	vst v63  }
0x3fc: {  	s13 =	sld [smem:$0x6DD];
	s10 =	smul.u32 $0x2400, s12;
	s9 =	sadd.s32 $0x400, s9  }
0x3fd: {  	[tilespmem:s31], [sflag:$0x1] =	stream.linear.gather [hbm4b:s9+s3], $0x80, $0x38;
	[tilespmem:$0x9080] =	vst v63  }
0x3fe: {  	s9 =	sshll.u32 s11, $0x7  }
0x3ff: {  	s10 =	sadd.s32 s10, s13;
	s9 =	sand.u32 $0x380, s9  }
0x400: {  	s14 =	sld [smem:$0x7F7];
	s9 =	sor.u32 s9, s10  }
0x401: {  	s9 =	sshrl.u32 s9, $0x3  }
0x402: {  	s15 =	sld [smem:$0x7F8];
	s9 =	sadd.s32 s2, s9  }
0x403: {  	[tilespmem:s14], [sflag:$0x1] =	stream.linear.gather [hbm4b:s9+s3], $0x80, $0x38;
	[tilespmem:$0x9080] =	vst v63  }
0x404: {  	s17 =	sld [smem:$0x7F9];
	s16 =	sadd.s32 $0x80, s9  }
0x405: {  	[tilespmem:s15], [sflag:$0x1] =	stream.linear.gather [hbm4b:s16+s3], $0x80, $0x38;
	[tilespmem:$0x9080] =	vst v63  }
0x406: {  	s19 =	sld [smem:$0x7FA];
	s18 =	sadd.s32 $0x100, s9  }
0x407: {  	[tilespmem:s17], [sflag:$0x1] =	stream.linear.gather [hbm4b:s18+s3], $0x80, $0x38;
	[tilespmem:$0x9080] =	vst v63  }
0x408: {  	s21 =	sld [smem:$0x7FB];
	s20 =	sadd.s32 $0x180, s9  }
0x409: {  	[tilespmem:s19], [sflag:$0x1] =	stream.linear.gather [hbm4b:s20+s3], $0x80, $0x38;
	[tilespmem:$0x9080] =	vst v63  }
0x40a: {  	s23 =	sld [smem:$0x7DD];
	s22 =	sadd.s32 $0x200, s9  }
0x40b: {  	[tilespmem:s21], [sflag:$0x1] =	stream.linear.gather [hbm4b:s22+s3], $0x80, $0x38;
	[tilespmem:$0x9080] =	vst v63  }
0x40c: {  	s25 =	sld [smem:$0x7DC];
	s24 =	sadd.s32 $0x280, s9  }
0x40d: {  	[tilespmem:s23], [sflag:$0x1] =	stream.linear.gather [hbm4b:s24+s3], $0x80, $0x38;
	[tilespmem:$0x9080] =	vst v63  }
0x40e: {  	s28 =	sld [smem:$0x7FC];
	s26 =	sadd.s32 $0x300, s9  }
0x40f: {  	[tilespmem:s25], [sflag:$0x1] =	stream.linear.gather [hbm4b:s26+s3], $0x80, $0x38;
	[tilespmem:$0x9080] =	vst v63  }
0x410: {  	s30 =	sld [smem:$0x7FD];
	s29 =	sadd.s32 $0x380, s9  }
0x411: {  	[tilespmem:s28], [sflag:$0x1] =	stream.linear.gather [hbm4b:s29+s3], $0x80, $0x38;
	[tilespmem:$0x9080] =	vst v63  }
0x412: {  	s9 =	sadd.s32 $0x400, s9  }
0x413: {  	[tilespmem:s30], [sflag:$0x1] =	stream.linear.gather [hbm4b:s9+s3], $0x80, $0x38;
	[tilespmem:$0x9080] =	vst v63  }
0x414: {  	_ =	swait.ge [sflag:s8], $0x480  }
0x415: {  	[sflag:s8] =	ssyncset.done $0x0  }
0x416: {  	[sflag:s8] =	ssyncadd.s32 $0xFFFFFB80  }
0x417: {  	_ =	swait.ge [sflag:s8], $0x480  }
0x418: {  	[sflag:s8] =	ssyncset.done $0x0  }
0x419: {  	[sflag:s8] =	ssyncadd.s32 $0xFFFFFB80  }
0x41a: {  	_ =	swait.ge [sflag:s8], $0x480  }
0x41b: {  	[sflag:s8] =	ssyncset.done $0x0  }
0x41c: {  	[sflag:s8] =	ssyncadd.s32 $0xFFFFFB80  }
0x41d: {  	_ =	swait.ge [sflag:s8], $0x480  }
0x41e: {  	[sflag:s8] =	ssyncset.done $0x0  }
0x41f: {  	[sflag:s8] =	ssyncadd.s32 $0xFFFFFB80  }
0x420: {  	_ =	swait.ge [sflag:s8], $0x480  }
0x421: {  	[sflag:s8] =	ssyncset.done $0x0  }
0x422: {  	[sflag:s8] =	ssyncadd.s32 $0xFFFFFB80  }
0x423: {  	_ =	swait.ge [sflag:s8], $0x480  }
0x424: {  	[sflag:s8] =	ssyncset.done $0x0  }
0x425: {  	[sflag:s8] =	ssyncadd.s32 $0xFFFFFB80  }
0x426: {  	_ =	swait.ge [sflag:s8], $0x480  }
0x427: {  	[sflag:s8] =	ssyncset.done $0x0  }
0x428: {  	[sflag:s8] =	ssyncadd.s32 $0xFFFFFB80  }
0x429: {  	_ =	swait.ge [sflag:s8], $0x480  }
0x42a: {  	[sflag:s8] =	ssyncset.done $0x0  }
0x42b: {  	[sflag:s8] =	ssyncadd.s32 $0xFFFFFB80  }
0x42c: {  	_ =	swait.ge [sflag:s8], $0x480  }
0x42d: {  	[sflag:s8] =	ssyncset.done $0x0  }
0x42e: {  	[sflag:s8] =	ssyncadd.s32 $0xFFFFFB80  }
0x42f: {  	_ =	swait.ge [sflag:s8], $0x480  }
0x430: {  	[sflag:s8] =	ssyncset.done $0x0  }
0x431: {  	[sflag:s8] =	ssyncadd.s32 $0xFFFFFB80  }
0x432: {  	_ =	swait.ge [sflag:s8], $0x480  }
0x433: {  	[sflag:s8] =	ssyncset.done $0x0  }
0x434: {  	[sflag:s8] =	ssyncadd.s32 $0xFFFFFB80  }
0x435: {  	_ =	swait.ge [sflag:s8], $0x480  }
0x436: {  	[sflag:s8] =	ssyncset.done $0x0  }
0x437: {  	[sflag:s8] =	ssyncadd.s32 $0xFFFFFB80  }
0x438: {  	_ =	swait.ge [sflag:s8], $0x480  }
0x439: {  	[sflag:s8] =	ssyncset.done $0x0  }
0x43a: {  	[sflag:s8] =	ssyncadd.s32 $0xFFFFFB80  }
0x43b: {  	_ =	swait.ge [sflag:s8], $0x480  }
0x43c: {  	[sflag:s8] =	ssyncset.done $0x0  }
0x43d: {  	[sflag:s8] =	ssyncadd.s32 $0xFFFFFB80  }
0x43e: {  	_ =	swait.ge [sflag:s8], $0x480  }
0x43f: {  	[sflag:s8] =	ssyncset.done $0x0  }
0x440: {  	[sflag:s8] =	ssyncadd.s32 $0xFFFFFB80  }
0x441: {  	_ =	swait.ge [sflag:s8], $0x480  }
0x442: {  	[sflag:s8] =	ssyncset.done $0x0  }
0x443: {  	[sflag:s8] =	ssyncadd.s32 $0xFFFFFB80  }
0x444: {  	_ =	swait.ge [sflag:s8], $0x480  }
0x445: {  	[sflag:s8] =	ssyncset.done $0x0  }
0x446: {  	[sflag:s8] =	ssyncadd.s32 $0xFFFFFB80  }
0x447: {  	_ =	swait.ge [sflag:s8], $0x480  }
0x448: {  	[sflag:s8] =	ssyncset.done $0x0  }
0x449: {  	[sflag:s8] =	ssyncadd.s32 $0xFFFFFB80  }
0x44a: {  	_ =	swait.ge [sflag:s8], $0x480  }
0x44b: {  	[sflag:s8] =	ssyncset.done $0x0  }
0x44c: {  	[sflag:s8] =	ssyncadd.s32 $0xFFFFFB80  }
0x44d: {  	_ =	swait.ge [sflag:s8], $0x480  }
0x44e: {  	[sflag:s8] =	ssyncset.done $0x0  }
0x44f: {  	[sflag:s8] =	ssyncadd.s32 $0xFFFFFB80  }
0x450: {  	_ =	swait.ge [sflag:s8], $0x480  }
0x451: {  	[sflag:s8] =	ssyncset.done $0x0  }
0x452: {  	[sflag:s8] =	ssyncadd.s32 $0xFFFFFB80  }
0x453: {  	_ =	swait.ge [sflag:s8], $0x480  }
0x454: {  	[sflag:s8] =	ssyncset.done $0x0  }
0x455: {  	[sflag:s8] =	ssyncadd.s32 $0xFFFFFB80  }
0x456: {  	_ =	swait.ge [sflag:s8], $0x480  }
0x457: {  	[sflag:s8] =	ssyncset.done $0x0  }
0x458: {  	[sflag:s8] =	ssyncadd.s32 $0xFFFFFB80  }
0x459: {  	_ =	swait.ge [sflag:s8], $0x480  }
0x45a: {  	[sflag:s8] =	ssyncset.done $0x0  }
0x45b: {  	[sflag:s8] =	ssyncadd.s32 $0xFFFFFB80  }
0x45c: {  	_ =	swait.ge [sflag:s8], $0x480  }
0x45d: {  	[sflag:s8] =	ssyncset.done $0x0  }
0x45e: {  	[sflag:s8] =	ssyncadd.s32 $0xFFFFFB80  }
0x45f: {  	_ =	swait.ge [sflag:s8], $0x480  }
0x460: {  	[sflag:s8] =	ssyncset.done $0x0  }
0x461: {  	[sflag:s8] =	ssyncadd.s32 $0xFFFFFB80  }
0x462: {  	_ =	swait.ge [sflag:s8], $0x480  }
0x463: {  	[sflag:s8] =	ssyncset.done $0x0  }
0x464: {  	[sflag:s8] =	ssyncadd.s32 $0xFFFFFB80  }
0x465: {  	_ =	swait.ge [sflag:s8], $0x480  }
0x466: {  	[sflag:s8] =	ssyncset.done $0x0  }
0x467: {  	[sflag:s8] =	ssyncadd.s32 $0xFFFFFB80  }
0x468: {  	_ =	swait.ge [sflag:s8], $0x480  }
0x469: {  	[sflag:s8] =	ssyncset.done $0x0  }
0x46a: {  	[sflag:s8] =	ssyncadd.s32 $0xFFFFFB80  }
0x46b: {  	_ =	swait.ge [sflag:s8], $0x480  }
0x46c: {  	[sflag:s8] =	ssyncset.done $0x0  }
0x46d: {  	[sflag:s8] =	ssyncadd.s32 $0xFFFFFB80  }
0x46e: {  	_ =	swait.ge [sflag:s8], $0x480  }
0x46f: {  	[sflag:s8] =	ssyncset.done $0x0  }
0x470: {  	[sflag:s8] =	ssyncadd.s32 $0xFFFFFB80  }
0x471: {  	_ =	swait.ge [sflag:s8], $0x480  }
0x472: {  	s31 =	sld [smem:$0x6DE]  }
0x473: {  	p0 =	sne.s32 s5, $0x1;
	[sflag:s8] =	ssyncset.done $0x0  }
.Ltmp0:
0x474: {  	[sflag:s8] =	ssyncadd.s32 $0xFFFFFB80;
	(pc) =	sbr.rel @p0 .LBB2_1-.Ltmp0, $4  }
0x475: {  	[hbm4b:s31+s3] =	stream.linear.scatter [tilespmem:s7], [sflag:$0x2], $0x9000, $0x38;
	[tilespmem:$0x9080] =	vst v63  }
0x476: {  	_ =	swait.ge [sflag:s6], $0x9000  }
0x477: {  	[sflag:s6] =	ssyncset.done $0x0  }
0x478: {  	s5 =	sadd.s32 $0xFFFFFFFF, s5;
	[sflag:s6] =	ssyncadd.s32 $0xFFFF7000  }
0x479: {  	_ =	sfence.sel $0x180000  }
0x47a: {  	[bflag:$0x0] =	sbarrier.arrive $0xFFFF  }
0x47b: {  	p0 =	sne.s32 s0, $0x0;
	_ =	strace $0x90000047  }
0x47c: {  	s0 =	sadd.s32 @!p0 $0x100000, s1;
	[bflag:$0x2] =	sbarrier.arrive $0xFFFF  }
0x47d: {  	[sflag:s0] =	ssyncadd.tile.s32 @!p0 $0x1;
	_ =	shalt  }
.Lfunc_end2:
_tile_overlayer_lowered:
.L_overlay_start_2:
0x47e: {  	(tag) =	ssettag $0x2  }
0x47f: {  	s0 =	rddreg [dreg:$0x0];
	s2 =	stileid.u32  }
0x480: {  	s1 =	rddreg [dreg:$0x1];
	p0 =	sne.s32 s2, $0x0  }
0x481: {  	s3 =	rddreg [dreg:$0x2];
	[bflag:$0x3] =	sbarrier.arrive $0xFFFF;
	s2 =	simm.s32 @!p0 $0x1C02  }
0x482: {  	[timem:s3], [sflag:s2] =	dma.local @!p0 [hbm:s0], s1  }
0x483: {  	s0 =	simm.s32 @!p0 $0x2  }
0x484: {  	_ =	swait.ge @!p0 [sflag:s0], s1  }
0x485: {  	s1 =	ssub.s32 @!p0 $0x0, s1;
	[sflag:s0] =	ssyncset.done @!p0 $0x0  }
0x486: {  	[sflag:s0] =	ssyncadd.s32 @!p0 s1  }
0x487: {  	[bflag:$0x3] =	sbarrier.arrive $0xFFFF  }
0x488: {  	_ =	shalt  }

</sc_bundles>
